<compile_context>
chip_gen: v7x
topology: tpu7x:2x2x1
jax: 0.10.2.dev20260603
libtpu: 0.0.44.dev20260713+nightly
codegen_flags: <defaults>
</compile_context>

<pallas_src>
import jax
import jax.numpy as jnp
from jax import lax
from jax.experimental import pallas as pl
from jax.experimental.pallas import tpu as pltpu
from jax.experimental.pallas import tpu_sc as plsc

N = 10000
E = 320000
D_STATE = 128
D_MSG = 64
H = 128
G3 = 3 * H
DE = 144
NC, NS, L = 2, 16, 16
NW = NC * NS
EPT = E // NW
EB = 80
NB = EPT // EB
ROWS_PT = 624
ROWS_REM = N - NS * ROWS_PT



def _encode_body(state_ref, msg_ref, w1_ref, b1_ref, w2_ref, b2_ref,
                 wih0t_ref, bih0_ref, gi0_ref):
    x = jnp.maximum(jnp.dot(state_ref[...], w1_ref[...],
                            preferred_element_type=jnp.float32) + b1_ref[...], 0.0)
    m = jnp.maximum(jnp.dot(msg_ref[...], w2_ref[...],
                            preferred_element_type=jnp.float32) + b2_ref[...], 0.0)
    x = x + m
    gi0_ref[...] = jnp.dot(x, wih0t_ref[...],
                           preferred_element_type=jnp.float32) + bih0_ref[...]


def _encode(state, message, W1, b1, W2, b2, Wih0T, bih0):
    TB = 2000
    grid = (N // TB,)
    return pl.pallas_call(
        _encode_body,
        grid=grid,
        in_specs=[
            pl.BlockSpec((TB, D_STATE), lambda i: (i, 0)),
            pl.BlockSpec((TB, D_MSG), lambda i: (i, 0)),
            pl.BlockSpec((D_STATE, H), lambda i: (0, 0)),
            pl.BlockSpec((1, H), lambda i: (0, 0)),
            pl.BlockSpec((D_MSG, H), lambda i: (0, 0)),
            pl.BlockSpec((1, H), lambda i: (0, 0)),
            pl.BlockSpec((H, G3), lambda i: (0, 0)),
            pl.BlockSpec((1, G3), lambda i: (0, 0)),
        ],
        out_specs=pl.BlockSpec((TB, G3), lambda i: (i, 0)),
        out_shape=jax.ShapeDtypeStruct((N, G3), jnp.float32),
    )(state, message, W1, b1.reshape(1, H), W2, b2.reshape(1, H),
      Wih0T, bih0.reshape(1, G3))



def _gru_gates(gi, gh, h):
    r = jax.nn.sigmoid(gi[:, 0:H] + gh[:, 0:H])
    z = jax.nn.sigmoid(gi[:, H:2 * H] + gh[:, H:2 * H])
    n = jnp.tanh(gi[:, 2 * H:] + r * gh[:, 2 * H:])
    return (1.0 - z) * n + z * h


def _gru_body(gi0_ref, w3_ref, b3_ref, y_ref):
    w3 = w3_ref[...]
    b3 = jnp.broadcast_to(b3_ref[...], (8, 3 * G3))
    zeros8 = jnp.zeros((8, H), jnp.float32)

    gi00 = jnp.broadcast_to(gi0_ref[pl.ds(0, 1), :], (8, G3))
    h0 = _gru_gates(gi00, b3[:, 0:G3], zeros8)

    def fused(h0, h1):
        u = jnp.concatenate([h0, h1], axis=1).astype(jnp.bfloat16)
        return jnp.dot(u, w3, preferred_element_type=jnp.float32) + b3

    def step(g, carry):
        h0, h1 = carry
        m = fused(h0, h1)
        gi0t = jnp.broadcast_to(gi0_ref[pl.ds(g, 1), :], (8, G3))
        h0n = _gru_gates(gi0t, m[:, 0:G3], h0)
        h1n = _gru_gates(m[:, 2 * G3:], m[:, G3:2 * G3], h1)
        y_ref[pl.ds(g - 1, 1), :] = jnp.maximum(h1n[0:1, :], 0.0)
        return (h0n, h1n)

    h0, h1 = lax.fori_loop(1, N, step, (h0, zeros8))
    m = fused(h0, h1)
    h1n = _gru_gates(m[:, 2 * G3:], m[:, G3:2 * G3], h1)
    y_ref[pl.ds(N - 1, 1), :] = jnp.maximum(h1n[0:1, :], 0.0)


def _gru2(gi0, Whh0T, bhh0, Wih1T, bih1, Whh1T, bhh1):
    z = jnp.zeros((H, G3), jnp.float32)
    w3 = jnp.concatenate([
        jnp.concatenate([Whh0T, z, Wih1T], axis=1),
        jnp.concatenate([z, Whh1T, z], axis=1)], axis=0).astype(jnp.bfloat16)
    b3 = jnp.concatenate([bhh0, bhh1, bih1]).reshape(1, 3 * G3)
    return pl.pallas_call(
        _gru_body,
        grid=(1,),
        in_specs=[
            pl.BlockSpec((N, G3), lambda i: (0, 0)),
            pl.BlockSpec((2 * H, 3 * G3), lambda i: (0, 0)),
            pl.BlockSpec((1, 3 * G3), lambda i: (0, 0)),
        ],
        out_specs=pl.BlockSpec((N, H), lambda i: (0, 0)),
        out_shape=jax.ShapeDtypeStruct((N, H), jnp.float32),
    )(gi0, w3, b3)



def _gat_edge_body(hext_hbm, adv_hbm, src_hbm, dst_hbm, zeros_hbm,
                   out_hbm, adv_t, src_a, dst_a, src_b, dst_b,
                   rows_a, rows_b, p_buf, acc, gsem_a, gsem_b, ssem_a, ssem_b):
    c = lax.axis_index("c")
    s = lax.axis_index("s")
    wid = c * NS + s

    pltpu.sync_copy(adv_hbm, adv_t)
    off = s * ROWS_PT
    pltpu.sync_copy(zeros_hbm.at[pl.ds(off, ROWS_PT)], acc.at[pl.ds(off, ROWS_PT)])

    @pl.when(s == NS - 1)
    def _zrem():
        pltpu.sync_copy(zeros_hbm.at[pl.ds(NS * ROWS_PT, ROWS_REM)],
                        acc.at[pl.ds(NS * ROWS_PT, ROWS_REM)])

    plsc.subcore_barrier()

    def load_idx(k, sbuf, dbuf):
        base = wid * EPT + k * EB
        pltpu.sync_copy(src_hbm.at[pl.ds(base, EB)], sbuf)
        pltpu.sync_copy(dst_hbm.at[pl.ds(base, EB)], dbuf)

    def start_gather(sbuf, rows, gsem):
        pltpu.async_copy(hext_hbm.at[sbuf], rows, gsem)

    def wait_gather(sbuf, rows, gsem):
        pltpu.make_async_copy(hext_hbm.at[sbuf], rows, gsem).wait()

    def start_scatter(rows, dbuf, ssem):
        pltpu.async_copy(rows, acc.at[dbuf], ssem, add=True)

    def wait_scatter(rows, dbuf, ssem):
        pltpu.make_async_copy(rows, acc.at[dbuf], ssem).wait()

    def compute(sbuf, dbuf, rows):
        lane = lax.iota(jnp.int32, L)
        col_as = jnp.zeros((L,), jnp.int32) + (H + 1)
        for g in range(EB // L):
            didx = dbuf[pl.ds(g * L, L)]
            sv = plsc.load_gather(rows, [lane + g * L, col_as])
            e = sv + plsc.load_gather(adv_t, [didx])
            e = jnp.where(e >= 0.0, e, 0.2 * e)
            p_buf[pl.ds(g * L, L)] = jnp.exp(e)

        def scale(i, _):
            pb = plsc.load_gather(p_buf, [jnp.zeros((L,), jnp.int32) + i])
            for j in range(DE // L):
                sl = pl.ds(j * L, L)
                rows[i, sl] = rows[i, sl] * pb
            return 0

        lax.fori_loop(0, EB, scale, 0)

    load_idx(0, src_a, dst_a)
    start_gather(src_a, rows_a, gsem_a)
    load_idx(1, src_b, dst_b)
    start_gather(src_b, rows_b, gsem_b)

    def pair(j, _):
        ka = 2 * j
        wait_gather(src_a, rows_a, gsem_a)
        compute(src_a, dst_a, rows_a)
        start_scatter(rows_a, dst_a, ssem_a)

        wait_gather(src_b, rows_b, gsem_b)
        compute(src_b, dst_b, rows_b)
        start_scatter(rows_b, dst_b, ssem_b)

        wait_scatter(rows_a, dst_a, ssem_a)
        load_idx(ka + 2, src_a, dst_a)
        start_gather(src_a, rows_a, gsem_a)

        @pl.when(j < (NB - 3) // 2)
        def _prep_b():
            wait_scatter(rows_b, dst_b, ssem_b)
            load_idx(ka + 3, src_b, dst_b)
            start_gather(src_b, rows_b, gsem_b)

        return 0

    lax.fori_loop(0, (NB - 1) // 2, pair, 0)
    wait_gather(src_a, rows_a, gsem_a)
    compute(src_a, dst_a, rows_a)
    start_scatter(rows_a, dst_a, ssem_a)
    wait_scatter(rows_a, dst_a, ssem_a)
    wait_scatter(rows_b, dst_b, ssem_b)
    plsc.subcore_barrier()
    pltpu.sync_copy(acc.at[pl.ds(off, ROWS_PT)], out_hbm.at[c, pl.ds(off, ROWS_PT)])

    @pl.when(s == NS - 1)
    def _orem():
        pltpu.sync_copy(acc.at[pl.ds(NS * ROWS_PT, ROWS_REM)],
                        out_hbm.at[c, pl.ds(NS * ROWS_PT, ROWS_REM)])


def _gat_edge(hext, adv, src, dst, zeros):
    mesh = plsc.VectorSubcoreMesh(core_axis_name="c", subcore_axis_name="s",
                                  num_cores=NC, num_subcores=NS)
    return pl.kernel(
        _gat_edge_body,
        out_type=jax.ShapeDtypeStruct((NC, N, DE), jnp.float32),
        mesh=mesh,
        scratch_types=[
            pltpu.VMEM((N,), jnp.float32),
            pltpu.VMEM((EB,), jnp.int32),
            pltpu.VMEM((EB,), jnp.int32),
            pltpu.VMEM((EB,), jnp.int32),
            pltpu.VMEM((EB,), jnp.int32),
            pltpu.VMEM((EB, DE), jnp.float32),
            pltpu.VMEM((EB, DE), jnp.float32),
            pltpu.VMEM((EB,), jnp.float32),
            pltpu.VMEM_SHARED((N, DE), jnp.float32),
            pltpu.SemaphoreType.DMA,
            pltpu.SemaphoreType.DMA,
            pltpu.SemaphoreType.DMA,
            pltpu.SemaphoreType.DMA,
        ],
        compiler_params=pltpu.CompilerParams(needs_layout_passes=False,
                                             use_tc_tiling_on_sc=False),
    )(hext, adv, src, dst, zeros)



def _prep_body(x_ref, w_ref, as_ref, ad_ref, hext_ref, adv_ref):
    h = jnp.dot(x_ref[...], w_ref[...], preferred_element_type=jnp.float32)
    asv = jnp.dot(h, as_ref[...], preferred_element_type=jnp.float32)
    adv_ref[...] = jnp.dot(h, ad_ref[...], preferred_element_type=jnp.float32)
    tb = h.shape[0]
    lane = lax.broadcasted_iota(jnp.int32, (tb, DE - H), 1)
    pad = jnp.where(lane == 0, 1.0, jnp.where(lane == 1, asv, 0.0))
    hext_ref[...] = jnp.concatenate([h, pad], axis=1)


def _gat_prep(x, W, a_s, a_d):
    TB = 2000
    grid = (N // TB,)
    return pl.pallas_call(
        _prep_body,
        grid=grid,
        in_specs=[
            pl.BlockSpec((TB, H), lambda i: (i, 0)),
            pl.BlockSpec((H, H), lambda i: (0, 0)),
            pl.BlockSpec((H, 1), lambda i: (0, 0)),
            pl.BlockSpec((H, 1), lambda i: (0, 0)),
        ],
        out_specs=[
            pl.BlockSpec((TB, DE), lambda i: (i, 0)),
            pl.BlockSpec((TB, 1), lambda i: (i, 0)),
        ],
        out_shape=[
            jax.ShapeDtypeStruct((N, DE), jnp.float32),
            jax.ShapeDtypeStruct((N, 1), jnp.float32),
        ],
    )(x, W, a_s.reshape(H, 1), a_d.reshape(H, 1))


def _mid_body(g0_ref, g1_ref, w_ref, as_ref, ad_ref,
              hext_ref, adv_ref):
    g = g0_ref[0] + g1_ref[0]
    den = g[:, H:H + 1]
    x1 = jnp.maximum(g[:, 0:H] / (den + 1e-16), 0.0)
    h = jnp.dot(x1, w_ref[...], preferred_element_type=jnp.float32)
    asv = jnp.dot(h, as_ref[...], preferred_element_type=jnp.float32)
    adv_ref[...] = jnp.dot(h, ad_ref[...], preferred_element_type=jnp.float32)
    tb = h.shape[0]
    lane = lax.broadcasted_iota(jnp.int32, (tb, DE - H), 1)
    pad = jnp.where(lane == 0, 1.0, jnp.where(lane == 1, asv, 0.0))
    hext_ref[...] = jnp.concatenate([h, pad], axis=1)


def _gat_mid(g0, g1, W, a_s, a_d):
    TB = 2000
    grid = (N // TB,)
    return pl.pallas_call(
        _mid_body,
        grid=grid,
        in_specs=[
            pl.BlockSpec((1, TB, DE), lambda i: (0, i, 0)),
            pl.BlockSpec((1, TB, DE), lambda i: (1, i, 0)),
            pl.BlockSpec((H, H), lambda i: (0, 0)),
            pl.BlockSpec((H, 1), lambda i: (0, 0)),
            pl.BlockSpec((H, 1), lambda i: (0, 0)),
        ],
        out_specs=[
            pl.BlockSpec((TB, DE), lambda i: (i, 0)),
            pl.BlockSpec((TB, 1), lambda i: (i, 0)),
        ],
        out_shape=[
            jax.ShapeDtypeStruct((N, DE), jnp.float32),
            jax.ShapeDtypeStruct((N, 1), jnp.float32),
        ],
    )(g0, g1, W, a_s.reshape(H, 1), a_d.reshape(H, 1))


def _final_body(g0_ref, g1_ref, y_ref, wc_ref, bc_ref, wmuy_ref, wmug_ref,
                bmu_ref, wmsg_ref, bmsg_ref, comm_ref, msg_ref, mu_ref):
    g = g0_ref[0] + g1_ref[0]
    den = g[:, H:H + 1]
    xg = g[:, 0:H] / (den + 1e-16)
    y = y_ref[...]
    comm_ref[...] = jax.nn.sigmoid(
        jnp.dot(xg, wc_ref[...], preferred_element_type=jnp.float32) + bc_ref[...])
    mu_ref[...] = jnp.tanh(
        jnp.dot(y, wmuy_ref[...], preferred_element_type=jnp.float32)
        + jnp.dot(xg, wmug_ref[...], preferred_element_type=jnp.float32)
        + bmu_ref[...])
    msg_ref[...] = jnp.tanh(
        jnp.dot(xg, wmsg_ref[...], preferred_element_type=jnp.float32) + bmsg_ref[...])


def _finalize(g0, g1, y, Wc, bc, Wmu, bmu, Wmsg, bmsg):
    TB = 2000
    grid = (N // TB,)
    NA = Wmu.shape[1]
    MS = Wmsg.shape[1]
    return pl.pallas_call(
        _final_body,
        grid=grid,
        in_specs=[
            pl.BlockSpec((1, TB, DE), lambda i: (0, i, 0)),
            pl.BlockSpec((1, TB, DE), lambda i: (1, i, 0)),
            pl.BlockSpec((TB, H), lambda i: (i, 0)),
            pl.BlockSpec((H, 1), lambda i: (0, 0)),
            pl.BlockSpec((1, 1), lambda i: (0, 0)),
            pl.BlockSpec((H, NA), lambda i: (0, 0)),
            pl.BlockSpec((H, NA), lambda i: (0, 0)),
            pl.BlockSpec((1, NA), lambda i: (0, 0)),
            pl.BlockSpec((H, MS), lambda i: (0, 0)),
            pl.BlockSpec((1, MS), lambda i: (0, 0)),
        ],
        out_specs=[
            pl.BlockSpec((TB, 1), lambda i: (i, 0)),
            pl.BlockSpec((TB, MS), lambda i: (i, 0)),
            pl.BlockSpec((TB, NA), lambda i: (i, 0)),
        ],
        out_shape=[
            jax.ShapeDtypeStruct((N, 1), jnp.float32),
            jax.ShapeDtypeStruct((N, MS), jnp.float32),
            jax.ShapeDtypeStruct((N, NA), jnp.float32),
        ],
    )(g0, g1, y, Wc, bc.reshape(1, 1), Wmu[:H], Wmu[H:],
      bmu.reshape(1, NA), Wmsg, bmsg.reshape(1, MS))


def kernel(state, message, edge_index, W1, b1, W2, b2, Wih0, Whh0, bih0, bhh0,
           Wih1, Whh1, bih1, bhh1, Wg1, a1s, a1d, Wg2, a2s, a2d, Wc, bc,
           Wmu, bmu, Wmsg, bmsg):
    gi0 = _encode(state, message, W1, b1, W2, b2, Wih0.T, bih0)
    y = _gru2(gi0, Whh0.T, bhh0, Wih1.T, bih1, Whh1.T, bhh1)

    src = edge_index[0]
    dst = edge_index[1]
    zeros = jnp.zeros((N, DE), jnp.float32)

    hext1, adv1 = _gat_prep(y, Wg1, a1s, a1d)
    g1 = _gat_edge(hext1, adv1.reshape(N), src, dst, zeros)
    hext2, adv2 = _gat_mid(g1, g1, Wg2, a2s, a2d)
    g2 = _gat_edge(hext2, adv2.reshape(N), src, dst, zeros)

    comm, msg_out, mu = _finalize(g2, g2, y, Wc, bc, Wmu, bmu, Wmsg, bmsg)
    return (comm, msg_out, mu)

# --- scband reference (transcript-rebuilt; emitter-appended) ---
"""Pipeline reference for scband-comm-policy-net-438086664257 (READ-ONLY COPY).

The authoritative reference and input builder live on the scoring server;
editing this copy changes nothing except your own understanding.
"""

import jax
import jax.numpy as jnp
import numpy as np
from jax import lax

N = 10000
E = 320000
D_STATE = 128
D_MSG = 64
FC1 = 128
FC2 = 128
H = 128
HC = 128
N_ACT = 8
MSG_SIZE = 64


def setup_inputs(seed: int = 0):
    key = jax.random.key(seed)
    ks = jax.random.split(key, 30)
    s = 0.05

    def p(k, shape):
        return jax.random.normal(k, shape, dtype=jnp.float32) * s

    inp = {}
    inp['state'] = jax.random.normal(ks[0], (N, D_STATE), dtype=jnp.float32)
    inp['message'] = jax.random.normal(ks[1], (N, D_MSG), dtype=jnp.float32)
    inp['edge_index'] = jax.random.randint(ks[2], (2, E), 0, N, dtype=jnp.int32)
    inp['W1'] = p(ks[3], (D_STATE, FC1)); inp['b1'] = jnp.zeros((FC1,), jnp.float32)
    inp['W2'] = p(ks[4], (D_MSG, FC2)); inp['b2'] = jnp.zeros((FC2,), jnp.float32)
    inp['Wih0'] = p(ks[5], (3 * H, FC2)); inp['Whh0'] = p(ks[6], (3 * H, H))
    inp['bih0'] = jnp.zeros((3 * H,), jnp.float32); inp['bhh0'] = jnp.zeros((3 * H,), jnp.float32)
    inp['Wih1'] = p(ks[7], (3 * H, H)); inp['Whh1'] = p(ks[8], (3 * H, H))
    inp['bih1'] = jnp.zeros((3 * H,), jnp.float32); inp['bhh1'] = jnp.zeros((3 * H,), jnp.float32)
    inp['Wg1'] = p(ks[9], (H, HC)); inp['a1s'] = p(ks[10], (HC,)); inp['a1d'] = p(ks[11], (HC,))
    inp['Wg2'] = p(ks[12], (HC, HC)); inp['a2s'] = p(ks[13], (HC,)); inp['a2d'] = p(ks[14], (HC,))
    inp['Wc'] = p(ks[15], (HC, 1)); inp['bc'] = jnp.zeros((1,), jnp.float32)
    inp['Wmu'] = p(ks[16], (H + HC, N_ACT)); inp['bmu'] = jnp.zeros((N_ACT,), jnp.float32)
    inp['Wmsg'] = p(ks[17], (HC, MSG_SIZE)); inp['bmsg'] = jnp.zeros((MSG_SIZE,), jnp.float32)
    return inp


def _gru_layer(xs, W_ih, W_hh, b_ih, b_hh):
    # xs: [T, D_in], seq-first, batch=1 (squeezed). PyTorch GRU cell equations.
    gi = xs @ W_ih.T + b_ih  # [T, 3H]
    h0 = jnp.zeros((W_hh.shape[1],), dtype=xs.dtype)

    def step(h, gi_t):
        gh = h @ W_hh.T + b_hh
        i_r, i_z, i_n = jnp.split(gi_t, 3)
        h_r, h_z, h_n = jnp.split(gh, 3)
        r = jax.nn.sigmoid(i_r + h_r)
        z = jax.nn.sigmoid(i_z + h_z)
        n = jnp.tanh(i_n + r * h_n)
        h_new = (1.0 - z) * n + z * h
        return h_new, h_new

    _, ys = lax.scan(step, h0, gi)
    return ys


def _gat_conv(x, src, dst, W, a_s, a_d, n_nodes):
    h = x @ W  # [N, C]
    e = jax.nn.leaky_relu(h[src] @ a_s + h[dst] @ a_d, negative_slope=0.2)  # [E]
    e_max = jax.ops.segment_max(e, dst, num_segments=n_nodes)
    e_max = jnp.where(jnp.isfinite(e_max), e_max, 0.0)
    ex = jnp.exp(e - e_max[dst])
    denom = jax.ops.segment_sum(ex, dst, num_segments=n_nodes)
    alpha = ex / (denom[dst] + 1e-16)
    out = jax.ops.segment_sum(h[src] * alpha[:, None], dst, num_segments=n_nodes)
    return out


def _forward(state, message, W1, b1, W2, b2, Wih0, Whh0, bih0, bhh0, Wih1, Whh1, bih1, bhh1, Wg1, a1s, a1d, Wg2, a2s, a2d, Wc, bc, Wmu, bmu, Wmsg, bmsg, edge_index):
    x = jax.nn.relu(state @ W1 + b1)             # fc1 + relu (dropout = identity in eval)
    m = jax.nn.relu(message @ W2 + b2)           # fc2 + relu
    x = x + m                                     # fuse message into state features
    x = _gru_layer(x, Wih0, Whh0, bih0, bhh0)     # 2-layer GRU, seq-first, batch=1
    x = _gru_layer(x, Wih1, Whh1, bih1, bhh1)
    x = jax.nn.relu(x)
    src = edge_index[0]
    dst = edge_index[1]
    h1 = jax.nn.relu(_gat_conv(x, src, dst, Wg1, a1s, a1d, x.shape[0]))  # GAT layer 1
    x_gat = _gat_conv(h1, src, dst, Wg2, a2s, a2d, x.shape[0])           # GAT layer 2
    comm = jax.nn.sigmoid(x_gat @ Wc + bc)
    mu = jnp.tanh(jnp.concatenate([x, x_gat], axis=-1) @ Wmu + bmu)
    msg_out = jnp.tanh(x_gat @ Wmsg + bmsg)
    return (comm, msg_out, mu)


def reference(state, message, edge_index, W1, b1, W2, b2, Wih0, Whh0, bih0, bhh0, Wih1, Whh1, bih1, bhh1, Wg1, a1s, a1d, Wg2, a2s, a2d, Wc, bc, Wmu, bmu, Wmsg, bmsg):
    return _forward(state, message, W1, b1, W2, b2, Wih0, Whh0, bih0, bhh0, Wih1, Whh1, bih1, bhh1, Wg1, a1s, a1d, Wg2, a2s, a2d, Wc, bc, Wmu, bmu, Wmsg, bmsg, edge_index)

if __name__ == "__main__":
    import jax
    _d = setup_inputs()
    print(jax.jit(kernel)(*tuple(_d.values())))

</pallas_src>

<mosaic_0001>
#map = affine_map<(d0, d1) -> (0, 0)>
#map1 = affine_map<(d0, d1) -> (0)>
#map2 = affine_map<(d0, d1) -> (0, 0, 0)>
module attributes {stable_mosaic.version = 14 : i64} {
  func.func @_gat_edge_body(%arg0: i32, %arg1: i32, %arg2: memref<10000x144xf32, #tpu.memory_space<hbm>>, %arg3: memref<10000xf32, #tpu.memory_space<hbm>>, %arg4: memref<320000xi32, #tpu.memory_space<hbm>>, %arg5: memref<320000xi32, #tpu.memory_space<hbm>>, %arg6: memref<10000x144xf32, #tpu.memory_space<hbm>>, %arg7: memref<2x10000x144xf32, #tpu.memory_space<hbm>>, %arg8: memref<10000xf32, #tpu.memory_space<vmem>>, %arg9: memref<80xi32, #tpu.memory_space<vmem>>, %arg10: memref<80xi32, #tpu.memory_space<vmem>>, %arg11: memref<80xi32, #tpu.memory_space<vmem>>, %arg12: memref<80xi32, #tpu.memory_space<vmem>>, %arg13: memref<80x144xf32, #tpu.memory_space<vmem>>, %arg14: memref<80x144xf32, #tpu.memory_space<vmem>>, %arg15: memref<80xf32, #tpu.memory_space<vmem>>, %arg16: memref<10000x144xf32, #tpu.memory_space<vmem_shared>>, %arg17: memref<!tpu.dma_semaphore, #tpu.memory_space<semaphore_mem>>, %arg18: memref<!tpu.dma_semaphore, #tpu.memory_space<semaphore_mem>>, %arg19: memref<!tpu.dma_semaphore, #tpu.memory_space<semaphore_mem>>, %arg20: memref<!tpu.dma_semaphore, #tpu.memory_space<semaphore_mem>>) attributes {dimension_semantics = [#tpu.dimension_semantics<core_parallel>, #tpu.dimension_semantics<subcore_parallel>], iteration_bounds = array<i64: 2, 16>, scalar_prefetch = 0 : i64, scratch_operands = 13 : i64, tpu.core_type = #tpu.core_type<sc_vector_subcore>, window_params = [{transform_indices = #map}, {transform_indices = #map1}, {transform_indices = #map1}, {transform_indices = #map1}, {transform_indices = #map}, {transform_indices = #map2}]} {
    %mul3A = arith.constant 16 : i32
    %mul3A_0 = arith.muli %arg0, %mul3A : i32
    %add3A = arith.addi %mul3A_0, %arg1 : i32
    "tpu.region"() ({
      %run_scoped3A = tpu.sem_alloc : memref<!tpu.dma_semaphore, #tpu.memory_space<semaphore_mem>>
      tpu.enqueue_dma source(%arg3 : memref<10000xf32, #tpu.memory_space<hbm>>) target(%arg8 : memref<10000xf32, #tpu.memory_space<vmem>>) target_semaphore(%run_scoped3A : memref<!tpu.dma_semaphore, #tpu.memory_space<semaphore_mem>>)
      tpu.wait_dma2 semaphore(%run_scoped3A : memref<!tpu.dma_semaphore, #tpu.memory_space<semaphore_mem>>) src(%arg3 : memref<10000xf32, #tpu.memory_space<hbm>>) dst(%arg8 : memref<10000xf32, #tpu.memory_space<vmem>>)
      tpu.yield
    }) : () -> ()
    %mul3A_1 = arith.constant 624 : i32
    %mul3A_2 = arith.muli %arg1, %mul3A_1 : i32
    "tpu.region"() ({
      %run_scoped3A = tpu.sem_alloc : memref<!tpu.dma_semaphore, #tpu.memory_space<semaphore_mem>>
      %dma_start3A_136 = arith.constant 0 : i32
      %dma_start3A_137 = tpu.memref_slice %arg16[%mul3A_2, %dma_start3A_136] : memref<10000x144xf32, #tpu.memory_space<vmem_shared>> -> memref<624x144xf32, #tpu.memory_space<vmem_shared>>
      %dma_start3A_138 = arith.constant 0 : i32
      %dma_start3A_139 = tpu.memref_slice %arg6[%mul3A_2, %dma_start3A_138] : memref<10000x144xf32, #tpu.memory_space<hbm>> -> memref<624x144xf32, #tpu.memory_space<hbm>>
      tpu.enqueue_dma source(%dma_start3A_139 : memref<624x144xf32, #tpu.memory_space<hbm>>) target(%dma_start3A_137 : memref<624x144xf32, #tpu.memory_space<vmem_shared>>) target_semaphore(%run_scoped3A : memref<!tpu.dma_semaphore, #tpu.memory_space<semaphore_mem>>)
      %dma_wait3A_140 = arith.constant 0 : i32
      %dma_wait3A_141 = tpu.memref_slice %arg16[%mul3A_2, %dma_wait3A_140] : memref<10000x144xf32, #tpu.memory_space<vmem_shared>> -> memref<624x144xf32, #tpu.memory_space<vmem_shared>>
      %dma_wait3A_142 = arith.constant 0 : i32
      %dma_wait3A_143 = tpu.memref_slice %arg6[%mul3A_2, %dma_wait3A_142] : memref<10000x144xf32, #tpu.memory_space<hbm>> -> memref<624x144xf32, #tpu.memory_space<hbm>>
      tpu.wait_dma2 semaphore(%run_scoped3A : memref<!tpu.dma_semaphore, #tpu.memory_space<semaphore_mem>>) src(%dma_wait3A_143 : memref<624x144xf32, #tpu.memory_space<hbm>>) dst(%dma_wait3A_141 : memref<624x144xf32, #tpu.memory_space<vmem_shared>>)
      tpu.yield
    }) : () -> ()
    %eq3A = arith.constant 15 : i32
    %eq3A_3 = arith.cmpi eq, %arg1, %eq3A : i32
    %convert_element_type3A = arith.extui %eq3A_3 : i1 to i32
    %cond3A = arith.constant 0 : i32
    %cond3A_4 = arith.cmpi ne, %convert_element_type3A, %cond3A : i32
    scf.if %cond3A_4 {
      "tpu.region"() ({
        %run_scoped3A = tpu.sem_alloc : memref<!tpu.dma_semaphore, #tpu.memory_space<semaphore_mem>>
        %dma_start3A_136 = arith.constant 9984 : i32
        %dma_start3A_137 = arith.constant 0 : i32
        %dma_start3A_138 = tpu.memref_slice %arg16[%dma_start3A_136, %dma_start3A_137] : memref<10000x144xf32, #tpu.memory_space<vmem_shared>> -> memref<16x144xf32, #tpu.memory_space<vmem_shared>>
        %dma_start3A_139 = arith.constant 9984 : i32
        %dma_start3A_140 = arith.constant 0 : i32
        %dma_start3A_141 = tpu.memref_slice %arg6[%dma_start3A_139, %dma_start3A_140] : memref<10000x144xf32, #tpu.memory_space<hbm>> -> memref<16x144xf32, #tpu.memory_space<hbm>>
        tpu.enqueue_dma source(%dma_start3A_141 : memref<16x144xf32, #tpu.memory_space<hbm>>) target(%dma_start3A_138 : memref<16x144xf32, #tpu.memory_space<vmem_shared>>) target_semaphore(%run_scoped3A : memref<!tpu.dma_semaphore, #tpu.memory_space<semaphore_mem>>)
        %dma_wait3A_142 = arith.constant 9984 : i32
        %dma_wait3A_143 = arith.constant 0 : i32
        %dma_wait3A_144 = tpu.memref_slice %arg16[%dma_wait3A_142, %dma_wait3A_143] : memref<10000x144xf32, #tpu.memory_space<vmem_shared>> -> memref<16x144xf32, #tpu.memory_space<vmem_shared>>
        %dma_wait3A_145 = arith.constant 9984 : i32
        %dma_wait3A_146 = arith.constant 0 : i32
        %dma_wait3A_147 = tpu.memref_slice %arg6[%dma_wait3A_145, %dma_wait3A_146] : memref<10000x144xf32, #tpu.memory_space<hbm>> -> memref<16x144xf32, #tpu.memory_space<hbm>>
        tpu.wait_dma2 semaphore(%run_scoped3A : memref<!tpu.dma_semaphore, #tpu.memory_space<semaphore_mem>>) src(%dma_wait3A_147 : memref<16x144xf32, #tpu.memory_space<hbm>>) dst(%dma_wait3A_144 : memref<16x144xf32, #tpu.memory_space<vmem_shared>>)
        tpu.yield
      }) : () -> ()
    } else {
    }
    %barrier3A = arith.constant 0 : index
    tpu.barrier barrier_id(%barrier3A)
    %mul3A_5 = arith.constant 10000 : i32
    %mul3A_6 = arith.muli %add3A, %mul3A_5 : i32
    %add3A_7 = arith.constant 0 : i32
    %add3A_8 = arith.addi %mul3A_6, %add3A_7 : i32
    "tpu.region"() ({
      %run_scoped3A = tpu.sem_alloc : memref<!tpu.dma_semaphore, #tpu.memory_space<semaphore_mem>>
      %dma_start3A_136 = tpu.memref_slice %arg4[%add3A_8] : memref<320000xi32, #tpu.memory_space<hbm>> -> memref<80xi32, #tpu.memory_space<hbm>>
      %dma_start3A_137 = tpu.memref_slice %arg4[%add3A_8] : memref<320000xi32, #tpu.memory_space<hbm>> -> memref<80xi32, #tpu.memory_space<hbm>>
      tpu.enqueue_dma source(%dma_start3A_137 : memref<80xi32, #tpu.memory_space<hbm>>) target(%arg9 : memref<80xi32, #tpu.memory_space<vmem>>) target_semaphore(%run_scoped3A : memref<!tpu.dma_semaphore, #tpu.memory_space<semaphore_mem>>)
      %dma_wait3A_138 = tpu.memref_slice %arg4[%add3A_8] : memref<320000xi32, #tpu.memory_space<hbm>> -> memref<80xi32, #tpu.memory_space<hbm>>
      %dma_wait3A_139 = tpu.memref_slice %arg4[%add3A_8] : memref<320000xi32, #tpu.memory_space<hbm>> -> memref<80xi32, #tpu.memory_space<hbm>>
      tpu.wait_dma2 semaphore(%run_scoped3A : memref<!tpu.dma_semaphore, #tpu.memory_space<semaphore_mem>>) src(%dma_wait3A_139 : memref<80xi32, #tpu.memory_space<hbm>>) dst(%arg9 : memref<80xi32, #tpu.memory_space<vmem>>)
      tpu.yield
    }) : () -> ()
    "tpu.region"() ({
      %run_scoped3A = tpu.sem_alloc : memref<!tpu.dma_semaphore, #tpu.memory_space<semaphore_mem>>
      %dma_start3A_136 = tpu.memref_slice %arg5[%add3A_8] : memref<320000xi32, #tpu.memory_space<hbm>> -> memref<80xi32, #tpu.memory_space<hbm>>
      %dma_start3A_137 = tpu.memref_slice %arg5[%add3A_8] : memref<320000xi32, #tpu.memory_space<hbm>> -> memref<80xi32, #tpu.memory_space<hbm>>
      tpu.enqueue_dma source(%dma_start3A_137 : memref<80xi32, #tpu.memory_space<hbm>>) target(%arg10 : memref<80xi32, #tpu.memory_space<vmem>>) target_semaphore(%run_scoped3A : memref<!tpu.dma_semaphore, #tpu.memory_space<semaphore_mem>>)
      %dma_wait3A_138 = tpu.memref_slice %arg5[%add3A_8] : memref<320000xi32, #tpu.memory_space<hbm>> -> memref<80xi32, #tpu.memory_space<hbm>>
      %dma_wait3A_139 = tpu.memref_slice %arg5[%add3A_8] : memref<320000xi32, #tpu.memory_space<hbm>> -> memref<80xi32, #tpu.memory_space<hbm>>
      tpu.wait_dma2 semaphore(%run_scoped3A : memref<!tpu.dma_semaphore, #tpu.memory_space<semaphore_mem>>) src(%dma_wait3A_139 : memref<80xi32, #tpu.memory_space<hbm>>) dst(%arg10 : memref<80xi32, #tpu.memory_space<vmem>>)
      tpu.yield
    }) : () -> ()
    %dma_start3A = arith.constant 0 : i32
    %dma_start3A_9 = arith.constant 0 : i32
    %dma_start3A_10 = tpu.memref_slice %arg2[%dma_start3A, %dma_start3A_9] : memref<10000x144xf32, #tpu.memory_space<hbm>> -> memref<10000x144xf32, #tpu.memory_space<hbm>>
    tpu.enqueue_indirect_dma source(%dma_start3A_10 : memref<10000x144xf32, #tpu.memory_space<hbm>>) target(%arg13 : memref<80x144xf32, #tpu.memory_space<vmem>>) offsets(%arg9 : memref<80xi32, #tpu.memory_space<vmem>>) semaphore(%arg17 : memref<!tpu.dma_semaphore, #tpu.memory_space<semaphore_mem>>)
    %mul3A_11 = arith.constant 10000 : i32
    %mul3A_12 = arith.muli %add3A, %mul3A_11 : i32
    %add3A_13 = arith.constant 80 : i32
    %add3A_14 = arith.addi %mul3A_12, %add3A_13 : i32
    "tpu.region"() ({
      %run_scoped3A = tpu.sem_alloc : memref<!tpu.dma_semaphore, #tpu.memory_space<semaphore_mem>>
      %dma_start3A_136 = tpu.memref_slice %arg4[%add3A_14] : memref<320000xi32, #tpu.memory_space<hbm>> -> memref<80xi32, #tpu.memory_space<hbm>>
      %dma_start3A_137 = tpu.memref_slice %arg4[%add3A_14] : memref<320000xi32, #tpu.memory_space<hbm>> -> memref<80xi32, #tpu.memory_space<hbm>>
      tpu.enqueue_dma source(%dma_start3A_137 : memref<80xi32, #tpu.memory_space<hbm>>) target(%arg11 : memref<80xi32, #tpu.memory_space<vmem>>) target_semaphore(%run_scoped3A : memref<!tpu.dma_semaphore, #tpu.memory_space<semaphore_mem>>)
      %dma_wait3A_138 = tpu.memref_slice %arg4[%add3A_14] : memref<320000xi32, #tpu.memory_space<hbm>> -> memref<80xi32, #tpu.memory_space<hbm>>
      %dma_wait3A_139 = tpu.memref_slice %arg4[%add3A_14] : memref<320000xi32, #tpu.memory_space<hbm>> -> memref<80xi32, #tpu.memory_space<hbm>>
      tpu.wait_dma2 semaphore(%run_scoped3A : memref<!tpu.dma_semaphore, #tpu.memory_space<semaphore_mem>>) src(%dma_wait3A_139 : memref<80xi32, #tpu.memory_space<hbm>>) dst(%arg11 : memref<80xi32, #tpu.memory_space<vmem>>)
      tpu.yield
    }) : () -> ()
    "tpu.region"() ({
      %run_scoped3A = tpu.sem_alloc : memref<!tpu.dma_semaphore, #tpu.memory_space<semaphore_mem>>
      %dma_start3A_136 = tpu.memref_slice %arg5[%add3A_14] : memref<320000xi32, #tpu.memory_space<hbm>> -> memref<80xi32, #tpu.memory_space<hbm>>
      %dma_start3A_137 = tpu.memref_slice %arg5[%add3A_14] : memref<320000xi32, #tpu.memory_space<hbm>> -> memref<80xi32, #tpu.memory_space<hbm>>
      tpu.enqueue_dma source(%dma_start3A_137 : memref<80xi32, #tpu.memory_space<hbm>>) target(%arg12 : memref<80xi32, #tpu.memory_space<vmem>>) target_semaphore(%run_scoped3A : memref<!tpu.dma_semaphore, #tpu.memory_space<semaphore_mem>>)
      %dma_wait3A_138 = tpu.memref_slice %arg5[%add3A_14] : memref<320000xi32, #tpu.memory_space<hbm>> -> memref<80xi32, #tpu.memory_space<hbm>>
      %dma_wait3A_139 = tpu.memref_slice %arg5[%add3A_14] : memref<320000xi32, #tpu.memory_space<hbm>> -> memref<80xi32, #tpu.memory_space<hbm>>
      tpu.wait_dma2 semaphore(%run_scoped3A : memref<!tpu.dma_semaphore, #tpu.memory_space<semaphore_mem>>) src(%dma_wait3A_139 : memref<80xi32, #tpu.memory_space<hbm>>) dst(%arg12 : memref<80xi32, #tpu.memory_space<vmem>>)
      tpu.yield
    }) : () -> ()
    %dma_start3A_15 = arith.constant 0 : i32
    %dma_start3A_16 = arith.constant 0 : i32
    %dma_start3A_17 = tpu.memref_slice %arg2[%dma_start3A_15, %dma_start3A_16] : memref<10000x144xf32, #tpu.memory_space<hbm>> -> memref<10000x144xf32, #tpu.memory_space<hbm>>
    tpu.enqueue_indirect_dma source(%dma_start3A_17 : memref<10000x144xf32, #tpu.memory_space<hbm>>) target(%arg14 : memref<80x144xf32, #tpu.memory_space<vmem>>) offsets(%arg11 : memref<80xi32, #tpu.memory_space<vmem>>) semaphore(%arg18 : memref<!tpu.dma_semaphore, #tpu.memory_space<semaphore_mem>>)
    %scan3A = arith.constant 0 : i32
    %scan3A_18 = arith.constant 0 : i32
    %scan3A_19 = arith.constant 62 : i32
    %scan3A_20 = arith.addi %scan3A_18, %scan3A_19 : i32
    %scan3A_21 = arith.constant 1 : i32
    %scan3A_22 = scf.for %scan3A_136 = %scan3A_18 to %scan3A_20 step %scan3A_21 iter_args(%scan3A_137 = %scan3A) -> (i32)  : i32 {
      %mul3A_138 = arith.constant 2 : i32
      %mul3A_139 = arith.muli %mul3A_138, %scan3A_136 : i32
      %dma_wait3A_140 = arith.constant 0 : i32
      %dma_wait3A_141 = arith.constant 0 : i32
      %dma_wait3A_142 = tpu.memref_slice %arg2[%dma_wait3A_140, %dma_wait3A_141] : memref<10000x144xf32, #tpu.memory_space<hbm>> -> memref<10000x144xf32, #tpu.memory_space<hbm>>
      tpu.wait_indirect_dma semaphore(%arg17 : memref<!tpu.dma_semaphore, #tpu.memory_space<semaphore_mem>>) src(%dma_wait3A_142 : memref<10000x144xf32, #tpu.memory_space<hbm>>) dst(%arg13 : memref<80x144xf32, #tpu.memory_space<vmem>>)
      %iota3A_143 = tpu.iota {dimensions = array<i32: 0>} : vector<16xi32>
      %broadcast_in_dim3A_144 = arith.constant 0 : i32
      %broadcast_in_dim3A_145 = vector.broadcast %broadcast_in_dim3A_144 : i32 to vector<16xi32>
      %add3A_146 = arith.constant 129 : i32
      %add3A_147 = vector.broadcast %add3A_146 : i32 to vector<16xi32>
      %add3A_148 = arith.addi %broadcast_in_dim3A_145, %add3A_147 : vector<16xi32>
      %get3A_149 = arith.constant 0 : index
      %get3A_150 = tpu.vector_load %arg10[%get3A_149] {strides = array<i32>} : memref<80xi32, #tpu.memory_space<vmem>>, vector<16xi32>,
      %add3A_151 = arith.constant 0 : i32
      %add3A_152 = vector.broadcast %add3A_151 : i32 to vector<16xi32>
      %add3A_153 = arith.addi %iota3A_143, %add3A_152 : vector<16xi32>
      %gather3A_154 = tpu.vector_load_idx %arg13[%add3A_153, %add3A_148] : memref<80x144xf32, #tpu.memory_space<vmem>>[vector<16xi32>, vector<16xi32>], vector<16xf32>,
      %gather3A_155 = tpu.vector_load_idx %arg8[%get3A_150] : memref<10000xf32, #tpu.memory_space<vmem>>[vector<16xi32>], vector<16xf32>,
      %add3A_156 = arith.addf %gather3A_154, %gather3A_155 : vector<16xf32>
      %ge3A_157 = arith.constant 0.000000e+00 : f32
      %ge3A_158 = vector.broadcast %ge3A_157 : f32 to vector<16xf32>
      %ge3A_159 = arith.cmpf oge, %add3A_156, %ge3A_158 : vector<16xf32>
      %mul3A_160 = arith.constant 2.000000e-01 : f32
      %mul3A_161 = vector.broadcast %mul3A_160 : f32 to vector<16xf32>
      %mul3A_162 = arith.mulf %mul3A_161, %add3A_156 : vector<16xf32>
      %select_n3A_163 = arith.select %ge3A_159, %add3A_156, %mul3A_162 : vector<16xi1>, vector<16xf32>
      %exp3A_164 = math.exp %select_n3A_163 : vector<16xf32>
      %swap3A_165 = arith.constant 0 : index
      %swap3A_166 = tpu.vector_load %arg15[%swap3A_165] {strides = array<i32>} : memref<80xf32, #tpu.memory_space<vmem>>, vector<16xf32>,
      tpu.vector_store %arg15[%swap3A_165], %exp3A_164 {strides = array<i32>} : memref<80xf32, #tpu.memory_space<vmem>>, vector<16xf32>,
      %get3A_167 = arith.constant 16 : index
      %get3A_168 = tpu.vector_load %arg10[%get3A_167] {strides = array<i32>} : memref<80xi32, #tpu.memory_space<vmem>>, vector<16xi32>,
      %add3A_169 = arith.constant 16 : i32
      %add3A_170 = vector.broadcast %add3A_169 : i32 to vector<16xi32>
      %add3A_171 = arith.addi %iota3A_143, %add3A_170 : vector<16xi32>
      %gather3A_172 = tpu.vector_load_idx %arg13[%add3A_171, %add3A_148] : memref<80x144xf32, #tpu.memory_space<vmem>>[vector<16xi32>, vector<16xi32>], vector<16xf32>,
      %gather3A_173 = tpu.vector_load_idx %arg8[%get3A_168] : memref<10000xf32, #tpu.memory_space<vmem>>[vector<16xi32>], vector<16xf32>,
      %add3A_174 = arith.addf %gather3A_172, %gather3A_173 : vector<16xf32>
      %ge3A_175 = arith.constant 0.000000e+00 : f32
      %ge3A_176 = vector.broadcast %ge3A_175 : f32 to vector<16xf32>
      %ge3A_177 = arith.cmpf oge, %add3A_174, %ge3A_176 : vector<16xf32>
      %mul3A_178 = arith.constant 2.000000e-01 : f32
      %mul3A_179 = vector.broadcast %mul3A_178 : f32 to vector<16xf32>
      %mul3A_180 = arith.mulf %mul3A_179, %add3A_174 : vector<16xf32>
      %select_n3A_181 = arith.select %ge3A_177, %add3A_174, %mul3A_180 : vector<16xi1>, vector<16xf32>
      %exp3A_182 = math.exp %select_n3A_181 : vector<16xf32>
      %swap3A_183 = arith.constant 16 : index
      %swap3A_184 = tpu.vector_load %arg15[%swap3A_183] {strides = array<i32>} : memref<80xf32, #tpu.memory_space<vmem>>, vector<16xf32>,
      tpu.vector_store %arg15[%swap3A_183], %exp3A_182 {strides = array<i32>} : memref<80xf32, #tpu.memory_space<vmem>>, vector<16xf32>,
      %get3A_185 = arith.constant 32 : index
      %get3A_186 = tpu.vector_load %arg10[%get3A_185] {strides = array<i32>} : memref<80xi32, #tpu.memory_space<vmem>>, vector<16xi32>,
      %add3A_187 = arith.constant 32 : i32
      %add3A_188 = vector.broadcast %add3A_187 : i32 to vector<16xi32>
      %add3A_189 = arith.addi %iota3A_143, %add3A_188 : vector<16xi32>
      %gather3A_190 = tpu.vector_load_idx %arg13[%add3A_189, %add3A_148] : memref<80x144xf32, #tpu.memory_space<vmem>>[vector<16xi32>, vector<16xi32>], vector<16xf32>,
      %gather3A_191 = tpu.vector_load_idx %arg8[%get3A_186] : memref<10000xf32, #tpu.memory_space<vmem>>[vector<16xi32>], vector<16xf32>,
      %add3A_192 = arith.addf %gather3A_190, %gather3A_191 : vector<16xf32>
      %ge3A_193 = arith.constant 0.000000e+00 : f32
      %ge3A_194 = vector.broadcast %ge3A_193 : f32 to vector<16xf32>
      %ge3A_195 = arith.cmpf oge, %add3A_192, %ge3A_194 : vector<16xf32>
      %mul3A_196 = arith.constant 2.000000e-01 : f32
      %mul3A_197 = vector.broadcast %mul3A_196 : f32 to vector<16xf32>
      %mul3A_198 = arith.mulf %mul3A_197, %add3A_192 : vector<16xf32>
      %select_n3A_199 = arith.select %ge3A_195, %add3A_192, %mul3A_198 : vector<16xi1>, vector<16xf32>
      %exp3A_200 = math.exp %select_n3A_199 : vector<16xf32>
      %swap3A_201 = arith.constant 32 : index
      %swap3A_202 = tpu.vector_load %arg15[%swap3A_201] {strides = array<i32>} : memref<80xf32, #tpu.memory_space<vmem>>, vector<16xf32>,
      tpu.vector_store %arg15[%swap3A_201], %exp3A_200 {strides = array<i32>} : memref<80xf32, #tpu.memory_space<vmem>>, vector<16xf32>,
      %get3A_203 = arith.constant 48 : index
      %get3A_204 = tpu.vector_load %arg10[%get3A_203] {strides = array<i32>} : memref<80xi32, #tpu.memory_space<vmem>>, vector<16xi32>,
      %add3A_205 = arith.constant 48 : i32
      %add3A_206 = vector.broadcast %add3A_205 : i32 to vector<16xi32>
      %add3A_207 = arith.addi %iota3A_143, %add3A_206 : vector<16xi32>
      %gather3A_208 = tpu.vector_load_idx %arg13[%add3A_207, %add3A_148] : memref<80x144xf32, #tpu.memory_space<vmem>>[vector<16xi32>, vector<16xi32>], vector<16xf32>,
      %gather3A_209 = tpu.vector_load_idx %arg8[%get3A_204] : memref<10000xf32, #tpu.memory_space<vmem>>[vector<16xi32>], vector<16xf32>,
      %add3A_210 = arith.addf %gather3A_208, %gather3A_209 : vector<16xf32>
      %ge3A_211 = arith.constant 0.000000e+00 : f32
      %ge3A_212 = vector.broadcast %ge3A_211 : f32 to vector<16xf32>
      %ge3A_213 = arith.cmpf oge, %add3A_210, %ge3A_212 : vector<16xf32>
      %mul3A_214 = arith.constant 2.000000e-01 : f32
      %mul3A_215 = vector.broadcast %mul3A_214 : f32 to vector<16xf32>
      %mul3A_216 = arith.mulf %mul3A_215, %add3A_210 : vector<16xf32>
      %select_n3A_217 = arith.select %ge3A_213, %add3A_210, %mul3A_216 : vector<16xi1>, vector<16xf32>
      %exp3A_218 = math.exp %select_n3A_217 : vector<16xf32>
      %swap3A_219 = arith.constant 48 : index
      %swap3A_220 = tpu.vector_load %arg15[%swap3A_219] {strides = array<i32>} : memref<80xf32, #tpu.memory_space<vmem>>, vector<16xf32>,
      tpu.vector_store %arg15[%swap3A_219], %exp3A_218 {strides = array<i32>} : memref<80xf32, #tpu.memory_space<vmem>>, vector<16xf32>,
      %get3A_221 = arith.constant 64 : index
      %get3A_222 = tpu.vector_load %arg10[%get3A_221] {strides = array<i32>} : memref<80xi32, #tpu.memory_space<vmem>>, vector<16xi32>,
      %add3A_223 = arith.constant 64 : i32
      %add3A_224 = vector.broadcast %add3A_223 : i32 to vector<16xi32>
      %add3A_225 = arith.addi %iota3A_143, %add3A_224 : vector<16xi32>
      %gather3A_226 = tpu.vector_load_idx %arg13[%add3A_225, %add3A_148] : memref<80x144xf32, #tpu.memory_space<vmem>>[vector<16xi32>, vector<16xi32>], vector<16xf32>,
      %gather3A_227 = tpu.vector_load_idx %arg8[%get3A_222] : memref<10000xf32, #tpu.memory_space<vmem>>[vector<16xi32>], vector<16xf32>,
      %add3A_228 = arith.addf %gather3A_226, %gather3A_227 : vector<16xf32>
      %ge3A_229 = arith.constant 0.000000e+00 : f32
      %ge3A_230 = vector.broadcast %ge3A_229 : f32 to vector<16xf32>
      %ge3A_231 = arith.cmpf oge, %add3A_228, %ge3A_230 : vector<16xf32>
      %mul3A_232 = arith.constant 2.000000e-01 : f32
      %mul3A_233 = vector.broadcast %mul3A_232 : f32 to vector<16xf32>
      %mul3A_234 = arith.mulf %mul3A_233, %add3A_228 : vector<16xf32>
      %select_n3A_235 = arith.select %ge3A_231, %add3A_228, %mul3A_234 : vector<16xi1>, vector<16xf32>
      %exp3A_236 = math.exp %select_n3A_235 : vector<16xf32>
      %swap3A_237 = arith.constant 64 : index
      %swap3A_238 = tpu.vector_load %arg15[%swap3A_237] {strides = array<i32>} : memref<80xf32, #tpu.memory_space<vmem>>, vector<16xf32>,
      tpu.vector_store %arg15[%swap3A_237], %exp3A_236 {strides = array<i32>} : memref<80xf32, #tpu.memory_space<vmem>>, vector<16xf32>,
      %scan3A_239 = arith.constant 0 : i32
      %scan3A_240 = arith.constant 0 : i32
      %scan3A_241 = arith.constant 80 : i32
      %scan3A_242 = arith.addi %scan3A_240, %scan3A_241 : i32
      %scan3A_243 = arith.constant 1 : i32
      %scan3A_244 = scf.for %scan3A_376 = %scan3A_240 to %scan3A_242 step %scan3A_243 iter_args(%scan3A_377 = %scan3A_239) -> (i32)  : i32 {
        %broadcast_in_dim3A_378 = arith.constant 0 : i32
        %broadcast_in_dim3A_379 = vector.broadcast %broadcast_in_dim3A_378 : i32 to vector<16xi32>
        %add3A_380 = vector.broadcast %scan3A_376 : i32 to vector<16xi32>
        %add3A_381 = arith.addi %broadcast_in_dim3A_379, %add3A_380 : vector<16xi32>
        %gather3A_382 = tpu.vector_load_idx %arg15[%add3A_381] : memref<80xf32, #tpu.memory_space<vmem>>[vector<16xi32>], vector<16xf32>,
        %get3A_383 = arith.index_cast %scan3A_376 : i32 to index
        %get3A_384 = arith.constant 0 : index
        %get3A_385 = tpu.vector_load %arg13[%get3A_383, %get3A_384] {strides = array<i32>} : memref<80x144xf32, #tpu.memory_space<vmem>>, vector<16xf32>,
        %mul3A_386 = arith.mulf %get3A_385, %gather3A_382 : vector<16xf32>
        %swap3A_387 = arith.index_cast %scan3A_376 : i32 to index
        %swap3A_388 = arith.constant 0 : index
        %swap3A_389 = tpu.vector_load %arg13[%swap3A_387, %swap3A_388] {strides = array<i32>} : memref<80x144xf32, #tpu.memory_space<vmem>>, vector<16xf32>,
        tpu.vector_store %arg13[%swap3A_387, %swap3A_388], %mul3A_386 {strides = array<i32>} : memref<80x144xf32, #tpu.memory_space<vmem>>, vector<16xf32>,
        %get3A_390 = arith.index_cast %scan3A_376 : i32 to index
        %get3A_391 = arith.constant 16 : index
        %get3A_392 = tpu.vector_load %arg13[%get3A_390, %get3A_391] {strides = array<i32>} : memref<80x144xf32, #tpu.memory_space<vmem>>, vector<16xf32>,
        %mul3A_393 = arith.mulf %get3A_392, %gather3A_382 : vector<16xf32>
        %swap3A_394 = arith.index_cast %scan3A_376 : i32 to index
        %swap3A_395 = arith.constant 16 : index
        %swap3A_396 = tpu.vector_load %arg13[%swap3A_394, %swap3A_395] {strides = array<i32>} : memref<80x144xf32, #tpu.memory_space<vmem>>, vector<16xf32>,
        tpu.vector_store %arg13[%swap3A_394, %swap3A_395], %mul3A_393 {strides = array<i32>} : memref<80x144xf32, #tpu.memory_space<vmem>>, vector<16xf32>,
        %get3A_397 = arith.index_cast %scan3A_376 : i32 to index
        %get3A_398 = arith.constant 32 : index
        %get3A_399 = tpu.vector_load %arg13[%get3A_397, %get3A_398] {strides = array<i32>} : memref<80x144xf32, #tpu.memory_space<vmem>>, vector<16xf32>,
        %mul3A_400 = arith.mulf %get3A_399, %gather3A_382 : vector<16xf32>
        %swap3A_401 = arith.index_cast %scan3A_376 : i32 to index
        %swap3A_402 = arith.constant 32 : index
        %swap3A_403 = tpu.vector_load %arg13[%swap3A_401, %swap3A_402] {strides = array<i32>} : memref<80x144xf32, #tpu.memory_space<vmem>>, vector<16xf32>,
        tpu.vector_store %arg13[%swap3A_401, %swap3A_402], %mul3A_400 {strides = array<i32>} : memref<80x144xf32, #tpu.memory_space<vmem>>, vector<16xf32>,
        %get3A_404 = arith.index_cast %scan3A_376 : i32 to index
        %get3A_405 = arith.constant 48 : index
        %get3A_406 = tpu.vector_load %arg13[%get3A_404, %get3A_405] {strides = array<i32>} : memref<80x144xf32, #tpu.memory_space<vmem>>, vector<16xf32>,
        %mul3A_407 = arith.mulf %get3A_406, %gather3A_382 : vector<16xf32>
        %swap3A_408 = arith.index_cast %scan3A_376 : i32 to index
        %swap3A_409 = arith.constant 48 : index
        %swap3A_410 = tpu.vector_load %arg13[%swap3A_408, %swap3A_409] {strides = array<i32>} : memref<80x144xf32, #tpu.memory_space<vmem>>, vector<16xf32>,
        tpu.vector_store %arg13[%swap3A_408, %swap3A_409], %mul3A_407 {strides = array<i32>} : memref<80x144xf32, #tpu.memory_space<vmem>>, vector<16xf32>,
        %get3A_411 = arith.index_cast %scan3A_376 : i32 to index
        %get3A_412 = arith.constant 64 : index
        %get3A_413 = tpu.vector_load %arg13[%get3A_411, %get3A_412] {strides = array<i32>} : memref<80x144xf32, #tpu.memory_space<vmem>>, vector<16xf32>,
        %mul3A_414 = arith.mulf %get3A_413, %gather3A_382 : vector<16xf32>
        %swap3A_415 = arith.index_cast %scan3A_376 : i32 to index
        %swap3A_416 = arith.constant 64 : index
        %swap3A_417 = tpu.vector_load %arg13[%swap3A_415, %swap3A_416] {strides = array<i32>} : memref<80x144xf32, #tpu.memory_space<vmem>>, vector<16xf32>,
        tpu.vector_store %arg13[%swap3A_415, %swap3A_416], %mul3A_414 {strides = array<i32>} : memref<80x144xf32, #tpu.memory_space<vmem>>, vector<16xf32>,
        %get3A_418 = arith.index_cast %scan3A_376 : i32 to index
        %get3A_419 = arith.constant 80 : index
        %get3A_420 = tpu.vector_load %arg13[%get3A_418, %get3A_419] {strides = array<i32>} : memref<80x144xf32, #tpu.memory_space<vmem>>, vector<16xf32>,
        %mul3A_421 = arith.mulf %get3A_420, %gather3A_382 : vector<16xf32>
        %swap3A_422 = arith.index_cast %scan3A_376 : i32 to index
        %swap3A_423 = arith.constant 80 : index
        %swap3A_424 = tpu.vector_load %arg13[%swap3A_422, %swap3A_423] {strides = array<i32>} : memref<80x144xf32, #tpu.memory_space<vmem>>, vector<16xf32>,
        tpu.vector_store %arg13[%swap3A_422, %swap3A_423], %mul3A_421 {strides = array<i32>} : memref<80x144xf32, #tpu.memory_space<vmem>>, vector<16xf32>,
        %get3A_425 = arith.index_cast %scan3A_376 : i32 to index
        %get3A_426 = arith.constant 96 : index
        %get3A_427 = tpu.vector_load %arg13[%get3A_425, %get3A_426] {strides = array<i32>} : memref<80x144xf32, #tpu.memory_space<vmem>>, vector<16xf32>,
        %mul3A_428 = arith.mulf %get3A_427, %gather3A_382 : vector<16xf32>
        %swap3A_429 = arith.index_cast %scan3A_376 : i32 to index
        %swap3A_430 = arith.constant 96 : index
        %swap3A_431 = tpu.vector_load %arg13[%swap3A_429, %swap3A_430] {strides = array<i32>} : memref<80x144xf32, #tpu.memory_space<vmem>>, vector<16xf32>,
        tpu.vector_store %arg13[%swap3A_429, %swap3A_430], %mul3A_428 {strides = array<i32>} : memref<80x144xf32, #tpu.memory_space<vmem>>, vector<16xf32>,
        %get3A_432 = arith.index_cast %scan3A_376 : i32 to index
        %get3A_433 = arith.constant 112 : index
        %get3A_434 = tpu.vector_load %arg13[%get3A_432, %get3A_433] {strides = array<i32>} : memref<80x144xf32, #tpu.memory_space<vmem>>, vector<16xf32>,
        %mul3A_435 = arith.mulf %get3A_434, %gather3A_382 : vector<16xf32>
        %swap3A_436 = arith.index_cast %scan3A_376 : i32 to index
        %swap3A_437 = arith.constant 112 : index
        %swap3A_438 = tpu.vector_load %arg13[%swap3A_436, %swap3A_437] {strides = array<i32>} : memref<80x144xf32, #tpu.memory_space<vmem>>, vector<16xf32>,
        tpu.vector_store %arg13[%swap3A_436, %swap3A_437], %mul3A_435 {strides = array<i32>} : memref<80x144xf32, #tpu.memory_space<vmem>>, vector<16xf32>,
        %get3A_439 = arith.index_cast %scan3A_376 : i32 to index
        %get3A_440 = arith.constant 128 : index
        %get3A_441 = tpu.vector_load %arg13[%get3A_439, %get3A_440] {strides = array<i32>} : memref<80x144xf32, #tpu.memory_space<vmem>>, vector<16xf32>,
        %mul3A_442 = arith.mulf %get3A_441, %gather3A_382 : vector<16xf32>
        %swap3A_443 = arith.index_cast %scan3A_376 : i32 to index
        %swap3A_444 = arith.constant 128 : index
        %swap3A_445 = tpu.vector_load %arg13[%swap3A_443, %swap3A_444] {strides = array<i32>} : memref<80x144xf32, #tpu.memory_space<vmem>>, vector<16xf32>,
        tpu.vector_store %arg13[%swap3A_443, %swap3A_444], %mul3A_442 {strides = array<i32>} : memref<80x144xf32, #tpu.memory_space<vmem>>, vector<16xf32>,
        %scan3A_446 = arith.constant 0 : i32
        scf.yield %scan3A_446 : i32
      }
      %scan3A_245 = arith.constant 80 : i32
      %dma_start3A_246 = arith.constant 0 : i32
      %dma_start3A_247 = arith.constant 0 : i32
      %dma_start3A_248 = tpu.memref_slice %arg16[%dma_start3A_246, %dma_start3A_247] : memref<10000x144xf32, #tpu.memory_space<vmem_shared>> -> memref<10000x144xf32, #tpu.memory_space<vmem_shared>>
      tpu.enqueue_indirect_dma source(%arg13 : memref<80x144xf32, #tpu.memory_space<vmem>>) target(%dma_start3A_248 : memref<10000x144xf32, #tpu.memory_space<vmem_shared>>) offsets(%arg10 : memref<80xi32, #tpu.memory_space<vmem>>) semaphore(%arg19 : memref<!tpu.dma_semaphore, #tpu.memory_space<semaphore_mem>>) {add = true}
      %dma_wait3A_249 = arith.constant 0 : i32
      %dma_wait3A_250 = arith.constant 0 : i32
      %dma_wait3A_251 = tpu.memref_slice %arg2[%dma_wait3A_249, %dma_wait3A_250] : memref<10000x144xf32, #tpu.memory_space<hbm>> -> memref<10000x144xf32, #tpu.memory_space<hbm>>
      tpu.wait_indirect_dma semaphore(%arg18 : memref<!tpu.dma_semaphore, #tpu.memory_space<semaphore_mem>>) src(%dma_wait3A_251 : memref<10000x144xf32, #tpu.memory_space<hbm>>) dst(%arg14 : memref<80x144xf32, #tpu.memory_space<vmem>>)
      %iota3A_252 = tpu.iota {dimensions = array<i32: 0>} : vector<16xi32>
      %broadcast_in_dim3A_253 = arith.constant 0 : i32
      %broadcast_in_dim3A_254 = vector.broadcast %broadcast_in_dim3A_253 : i32 to vector<16xi32>
      %add3A_255 = arith.constant 129 : i32
      %add3A_256 = vector.broadcast %add3A_255 : i32 to vector<16xi32>
      %add3A_257 = arith.addi %broadcast_in_dim3A_254, %add3A_256 : vector<16xi32>
      %get3A_258 = arith.constant 0 : index
      %get3A_259 = tpu.vector_load %arg12[%get3A_258] {strides = array<i32>} : memref<80xi32, #tpu.memory_space<vmem>>, vector<16xi32>,
      %add3A_260 = arith.constant 0 : i32
      %add3A_261 = vector.broadcast %add3A_260 : i32 to vector<16xi32>
      %add3A_262 = arith.addi %iota3A_252, %add3A_261 : vector<16xi32>
      %gather3A_263 = tpu.vector_load_idx %arg14[%add3A_262, %add3A_257] : memref<80x144xf32, #tpu.memory_space<vmem>>[vector<16xi32>, vector<16xi32>], vector<16xf32>,
      %gather3A_264 = tpu.vector_load_idx %arg8[%get3A_259] : memref<10000xf32, #tpu.memory_space<vmem>>[vector<16xi32>], vector<16xf32>,
      %add3A_265 = arith.addf %gather3A_263, %gather3A_264 : vector<16xf32>
      %ge3A_266 = arith.constant 0.000000e+00 : f32
      %ge3A_267 = vector.broadcast %ge3A_266 : f32 to vector<16xf32>
      %ge3A_268 = arith.cmpf oge, %add3A_265, %ge3A_267 : vector<16xf32>
      %mul3A_269 = arith.constant 2.000000e-01 : f32
      %mul3A_270 = vector.broadcast %mul3A_269 : f32 to vector<16xf32>
      %mul3A_271 = arith.mulf %mul3A_270, %add3A_265 : vector<16xf32>
      %select_n3A_272 = arith.select %ge3A_268, %add3A_265, %mul3A_271 : vector<16xi1>, vector<16xf32>
      %exp3A_273 = math.exp %select_n3A_272 : vector<16xf32>
      %swap3A_274 = arith.constant 0 : index
      %swap3A_275 = tpu.vector_load %arg15[%swap3A_274] {strides = array<i32>} : memref<80xf32, #tpu.memory_space<vmem>>, vector<16xf32>,
      tpu.vector_store %arg15[%swap3A_274], %exp3A_273 {strides = array<i32>} : memref<80xf32, #tpu.memory_space<vmem>>, vector<16xf32>,
      %get3A_276 = arith.constant 16 : index
      %get3A_277 = tpu.vector_load %arg12[%get3A_276] {strides = array<i32>} : memref<80xi32, #tpu.memory_space<vmem>>, vector<16xi32>,
      %add3A_278 = arith.constant 16 : i32
      %add3A_279 = vector.broadcast %add3A_278 : i32 to vector<16xi32>
      %add3A_280 = arith.addi %iota3A_252, %add3A_279 : vector<16xi32>
      %gather3A_281 = tpu.vector_load_idx %arg14[%add3A_280, %add3A_257] : memref<80x144xf32, #tpu.memory_space<vmem>>[vector<16xi32>, vector<16xi32>], vector<16xf32>,
      %gather3A_282 = tpu.vector_load_idx %arg8[%get3A_277] : memref<10000xf32, #tpu.memory_space<vmem>>[vector<16xi32>], vector<16xf32>,
      %add3A_283 = arith.addf %gather3A_281, %gather3A_282 : vector<16xf32>
      %ge3A_284 = arith.constant 0.000000e+00 : f32
      %ge3A_285 = vector.broadcast %ge3A_284 : f32 to vector<16xf32>
      %ge3A_286 = arith.cmpf oge, %add3A_283, %ge3A_285 : vector<16xf32>
      %mul3A_287 = arith.constant 2.000000e-01 : f32
      %mul3A_288 = vector.broadcast %mul3A_287 : f32 to vector<16xf32>
      %mul3A_289 = arith.mulf %mul3A_288, %add3A_283 : vector<16xf32>
      %select_n3A_290 = arith.select %ge3A_286, %add3A_283, %mul3A_289 : vector<16xi1>, vector<16xf32>
      %exp3A_291 = math.exp %select_n3A_290 : vector<16xf32>
      %swap3A_292 = arith.constant 16 : index
      %swap3A_293 = tpu.vector_load %arg15[%swap3A_292] {strides = array<i32>} : memref<80xf32, #tpu.memory_space<vmem>>, vector<16xf32>,
      tpu.vector_store %arg15[%swap3A_292], %exp3A_291 {strides = array<i32>} : memref<80xf32, #tpu.memory_space<vmem>>, vector<16xf32>,
      %get3A_294 = arith.constant 32 : index
      %get3A_295 = tpu.vector_load %arg12[%get3A_294] {strides = array<i32>} : memref<80xi32, #tpu.memory_space<vmem>>, vector<16xi32>,
      %add3A_296 = arith.constant 32 : i32
      %add3A_297 = vector.broadcast %add3A_296 : i32 to vector<16xi32>
      %add3A_298 = arith.addi %iota3A_252, %add3A_297 : vector<16xi32>
      %gather3A_299 = tpu.vector_load_idx %arg14[%add3A_298, %add3A_257] : memref<80x144xf32, #tpu.memory_space<vmem>>[vector<16xi32>, vector<16xi32>], vector<16xf32>,
      %gather3A_300 = tpu.vector_load_idx %arg8[%get3A_295] : memref<10000xf32, #tpu.memory_space<vmem>>[vector<16xi32>], vector<16xf32>,
      %add3A_301 = arith.addf %gather3A_299, %gather3A_300 : vector<16xf32>
      %ge3A_302 = arith.constant 0.000000e+00 : f32
      %ge3A_303 = vector.broadcast %ge3A_302 : f32 to vector<16xf32>
      %ge3A_304 = arith.cmpf oge, %add3A_301, %ge3A_303 : vector<16xf32>
      %mul3A_305 = arith.constant 2.000000e-01 : f32
      %mul3A_306 = vector.broadcast %mul3A_305 : f32 to vector<16xf32>
      %mul3A_307 = arith.mulf %mul3A_306, %add3A_301 : vector<16xf32>
      %select_n3A_308 = arith.select %ge3A_304, %add3A_301, %mul3A_307 : vector<16xi1>, vector<16xf32>
      %exp3A_309 = math.exp %select_n3A_308 : vector<16xf32>
      %swap3A_310 = arith.constant 32 : index
      %swap3A_311 = tpu.vector_load %arg15[%swap3A_310] {strides = array<i32>} : memref<80xf32, #tpu.memory_space<vmem>>, vector<16xf32>,
      tpu.vector_store %arg15[%swap3A_310], %exp3A_309 {strides = array<i32>} : memref<80xf32, #tpu.memory_space<vmem>>, vector<16xf32>,
      %get3A_312 = arith.constant 48 : index
      %get3A_313 = tpu.vector_load %arg12[%get3A_312] {strides = array<i32>} : memref<80xi32, #tpu.memory_space<vmem>>, vector<16xi32>,
      %add3A_314 = arith.constant 48 : i32
      %add3A_315 = vector.broadcast %add3A_314 : i32 to vector<16xi32>
      %add3A_316 = arith.addi %iota3A_252, %add3A_315 : vector<16xi32>
      %gather3A_317 = tpu.vector_load_idx %arg14[%add3A_316, %add3A_257] : memref<80x144xf32, #tpu.memory_space<vmem>>[vector<16xi32>, vector<16xi32>], vector<16xf32>,
      %gather3A_318 = tpu.vector_load_idx %arg8[%get3A_313] : memref<10000xf32, #tpu.memory_space<vmem>>[vector<16xi32>], vector<16xf32>,
      %add3A_319 = arith.addf %gather3A_317, %gather3A_318 : vector<16xf32>
      %ge3A_320 = arith.constant 0.000000e+00 : f32
      %ge3A_321 = vector.broadcast %ge3A_320 : f32 to vector<16xf32>
      %ge3A_322 = arith.cmpf oge, %add3A_319, %ge3A_321 : vector<16xf32>
      %mul3A_323 = arith.constant 2.000000e-01 : f32
      %mul3A_324 = vector.broadcast %mul3A_323 : f32 to vector<16xf32>
      %mul3A_325 = arith.mulf %mul3A_324, %add3A_319 : vector<16xf32>
      %select_n3A_326 = arith.select %ge3A_322, %add3A_319, %mul3A_325 : vector<16xi1>, vector<16xf32>
      %exp3A_327 = math.exp %select_n3A_326 : vector<16xf32>
      %swap3A_328 = arith.constant 48 : index
      %swap3A_329 = tpu.vector_load %arg15[%swap3A_328] {strides = array<i32>} : memref<80xf32, #tpu.memory_space<vmem>>, vector<16xf32>,
      tpu.vector_store %arg15[%swap3A_328], %exp3A_327 {strides = array<i32>} : memref<80xf32, #tpu.memory_space<vmem>>, vector<16xf32>,
      %get3A_330 = arith.constant 64 : index
      %get3A_331 = tpu.vector_load %arg12[%get3A_330] {strides = array<i32>} : memref<80xi32, #tpu.memory_space<vmem>>, vector<16xi32>,
      %add3A_332 = arith.constant 64 : i32
      %add3A_333 = vector.broadcast %add3A_332 : i32 to vector<16xi32>
      %add3A_334 = arith.addi %iota3A_252, %add3A_333 : vector<16xi32>
      %gather3A_335 = tpu.vector_load_idx %arg14[%add3A_334, %add3A_257] : memref<80x144xf32, #tpu.memory_space<vmem>>[vector<16xi32>, vector<16xi32>], vector<16xf32>,
      %gather3A_336 = tpu.vector_load_idx %arg8[%get3A_331] : memref<10000xf32, #tpu.memory_space<vmem>>[vector<16xi32>], vector<16xf32>,
      %add3A_337 = arith.addf %gather3A_335, %gather3A_336 : vector<16xf32>
      %ge3A_338 = arith.constant 0.000000e+00 : f32
      %ge3A_339 = vector.broadcast %ge3A_338 : f32 to vector<16xf32>
      %ge3A_340 = arith.cmpf oge, %add3A_337, %ge3A_339 : vector<16xf32>
      %mul3A_341 = arith.constant 2.000000e-01 : f32
      %mul3A_342 = vector.broadcast %mul3A_341 : f32 to vector<16xf32>
      %mul3A_343 = arith.mulf %mul3A_342, %add3A_337 : vector<16xf32>
      %select_n3A_344 = arith.select %ge3A_340, %add3A_337, %mul3A_343 : vector<16xi1>, vector<16xf32>
      %exp3A_345 = math.exp %select_n3A_344 : vector<16xf32>
      %swap3A_346 = arith.constant 64 : index
      %swap3A_347 = tpu.vector_load %arg15[%swap3A_346] {strides = array<i32>} : memref<80xf32, #tpu.memory_space<vmem>>, vector<16xf32>,
      tpu.vector_store %arg15[%swap3A_346], %exp3A_345 {strides = array<i32>} : memref<80xf32, #tpu.memory_space<vmem>>, vector<16xf32>,
      %scan3A_348 = arith.constant 0 : i32
      %scan3A_349 = arith.constant 0 : i32
      %scan3A_350 = arith.constant 80 : i32
      %scan3A_351 = arith.addi %scan3A_349, %scan3A_350 : i32
      %scan3A_352 = arith.constant 1 : i32
      %scan3A_353 = scf.for %scan3A_376 = %scan3A_349 to %scan3A_351 step %scan3A_352 iter_args(%scan3A_377 = %scan3A_348) -> (i32)  : i32 {
        %broadcast_in_dim3A_378 = arith.constant 0 : i32
        %broadcast_in_dim3A_379 = vector.broadcast %broadcast_in_dim3A_378 : i32 to vector<16xi32>
        %add3A_380 = vector.broadcast %scan3A_376 : i32 to vector<16xi32>
        %add3A_381 = arith.addi %broadcast_in_dim3A_379, %add3A_380 : vector<16xi32>
        %gather3A_382 = tpu.vector_load_idx %arg15[%add3A_381] : memref<80xf32, #tpu.memory_space<vmem>>[vector<16xi32>], vector<16xf32>,
        %get3A_383 = arith.index_cast %scan3A_376 : i32 to index
        %get3A_384 = arith.constant 0 : index
        %get3A_385 = tpu.vector_load %arg14[%get3A_383, %get3A_384] {strides = array<i32>} : memref<80x144xf32, #tpu.memory_space<vmem>>, vector<16xf32>,
        %mul3A_386 = arith.mulf %get3A_385, %gather3A_382 : vector<16xf32>
        %swap3A_387 = arith.index_cast %scan3A_376 : i32 to index
        %swap3A_388 = arith.constant 0 : index
        %swap3A_389 = tpu.vector_load %arg14[%swap3A_387, %swap3A_388] {strides = array<i32>} : memref<80x144xf32, #tpu.memory_space<vmem>>, vector<16xf32>,
        tpu.vector_store %arg14[%swap3A_387, %swap3A_388], %mul3A_386 {strides = array<i32>} : memref<80x144xf32, #tpu.memory_space<vmem>>, vector<16xf32>,
        %get3A_390 = arith.index_cast %scan3A_376 : i32 to index
        %get3A_391 = arith.constant 16 : index
        %get3A_392 = tpu.vector_load %arg14[%get3A_390, %get3A_391] {strides = array<i32>} : memref<80x144xf32, #tpu.memory_space<vmem>>, vector<16xf32>,
        %mul3A_393 = arith.mulf %get3A_392, %gather3A_382 : vector<16xf32>
        %swap3A_394 = arith.index_cast %scan3A_376 : i32 to index
        %swap3A_395 = arith.constant 16 : index
        %swap3A_396 = tpu.vector_load %arg14[%swap3A_394, %swap3A_395] {strides = array<i32>} : memref<80x144xf32, #tpu.memory_space<vmem>>, vector<16xf32>,
        tpu.vector_store %arg14[%swap3A_394, %swap3A_395], %mul3A_393 {strides = array<i32>} : memref<80x144xf32, #tpu.memory_space<vmem>>, vector<16xf32>,
        %get3A_397 = arith.index_cast %scan3A_376 : i32 to index
        %get3A_398 = arith.constant 32 : index
        %get3A_399 = tpu.vector_load %arg14[%get3A_397, %get3A_398] {strides = array<i32>} : memref<80x144xf32, #tpu.memory_space<vmem>>, vector<16xf32>,
        %mul3A_400 = arith.mulf %get3A_399, %gather3A_382 : vector<16xf32>
        %swap3A_401 = arith.index_cast %scan3A_376 : i32 to index
        %swap3A_402 = arith.constant 32 : index
        %swap3A_403 = tpu.vector_load %arg14[%swap3A_401, %swap3A_402] {strides = array<i32>} : memref<80x144xf32, #tpu.memory_space<vmem>>, vector<16xf32>,
        tpu.vector_store %arg14[%swap3A_401, %swap3A_402], %mul3A_400 {strides = array<i32>} : memref<80x144xf32, #tpu.memory_space<vmem>>, vector<16xf32>,
        %get3A_404 = arith.index_cast %scan3A_376 : i32 to index
        %get3A_405 = arith.constant 48 : index
        %get3A_406 = tpu.vector_load %arg14[%get3A_404, %get3A_405] {strides = array<i32>} : memref<80x144xf32, #tpu.memory_space<vmem>>, vector<16xf32>,
        %mul3A_407 = arith.mulf %get3A_406, %gather3A_382 : vector<16xf32>
        %swap3A_408 = arith.index_cast %scan3A_376 : i32 to index
        %swap3A_409 = arith.constant 48 : index
        %swap3A_410 = tpu.vector_load %arg14[%swap3A_408, %swap3A_409] {strides = array<i32>} : memref<80x144xf32, #tpu.memory_space<vmem>>, vector<16xf32>,
        tpu.vector_store %arg14[%swap3A_408, %swap3A_409], %mul3A_407 {strides = array<i32>} : memref<80x144xf32, #tpu.memory_space<vmem>>, vector<16xf32>,
        %get3A_411 = arith.index_cast %scan3A_376 : i32 to index
        %get3A_412 = arith.constant 64 : index
        %get3A_413 = tpu.vector_load %arg14[%get3A_411, %get3A_412] {strides = array<i32>} : memref<80x144xf32, #tpu.memory_space<vmem>>, vector<16xf32>,
        %mul3A_414 = arith.mulf %get3A_413, %gather3A_382 : vector<16xf32>
        %swap3A_415 = arith.index_cast %scan3A_376 : i32 to index
        %swap3A_416 = arith.constant 64 : index
        %swap3A_417 = tpu.vector_load %arg14[%swap3A_415, %swap3A_416] {strides = array<i32>} : memref<80x144xf32, #tpu.memory_space<vmem>>, vector<16xf32>,
        tpu.vector_store %arg14[%swap3A_415, %swap3A_416], %mul3A_414 {strides = array<i32>} : memref<80x144xf32, #tpu.memory_space<vmem>>, vector<16xf32>,
        %get3A_418 = arith.index_cast %scan3A_376 : i32 to index
        %get3A_419 = arith.constant 80 : index
        %get3A_420 = tpu.vector_load %arg14[%get3A_418, %get3A_419] {strides = array<i32>} : memref<80x144xf32, #tpu.memory_space<vmem>>, vector<16xf32>,
        %mul3A_421 = arith.mulf %get3A_420, %gather3A_382 : vector<16xf32>
        %swap3A_422 = arith.index_cast %scan3A_376 : i32 to index
        %swap3A_423 = arith.constant 80 : index
        %swap3A_424 = tpu.vector_load %arg14[%swap3A_422, %swap3A_423] {strides = array<i32>} : memref<80x144xf32, #tpu.memory_space<vmem>>, vector<16xf32>,
        tpu.vector_store %arg14[%swap3A_422, %swap3A_423], %mul3A_421 {strides = array<i32>} : memref<80x144xf32, #tpu.memory_space<vmem>>, vector<16xf32>,
        %get3A_425 = arith.index_cast %scan3A_376 : i32 to index
        %get3A_426 = arith.constant 96 : index
        %get3A_427 = tpu.vector_load %arg14[%get3A_425, %get3A_426] {strides = array<i32>} : memref<80x144xf32, #tpu.memory_space<vmem>>, vector<16xf32>,
        %mul3A_428 = arith.mulf %get3A_427, %gather3A_382 : vector<16xf32>
        %swap3A_429 = arith.index_cast %scan3A_376 : i32 to index
        %swap3A_430 = arith.constant 96 : index
        %swap3A_431 = tpu.vector_load %arg14[%swap3A_429, %swap3A_430] {strides = array<i32>} : memref<80x144xf32, #tpu.memory_space<vmem>>, vector<16xf32>,
        tpu.vector_store %arg14[%swap3A_429, %swap3A_430], %mul3A_428 {strides = array<i32>} : memref<80x144xf32, #tpu.memory_space<vmem>>, vector<16xf32>,
        %get3A_432 = arith.index_cast %scan3A_376 : i32 to index
        %get3A_433 = arith.constant 112 : index
        %get3A_434 = tpu.vector_load %arg14[%get3A_432, %get3A_433] {strides = array<i32>} : memref<80x144xf32, #tpu.memory_space<vmem>>, vector<16xf32>,
        %mul3A_435 = arith.mulf %get3A_434, %gather3A_382 : vector<16xf32>
        %swap3A_436 = arith.index_cast %scan3A_376 : i32 to index
        %swap3A_437 = arith.constant 112 : index
        %swap3A_438 = tpu.vector_load %arg14[%swap3A_436, %swap3A_437] {strides = array<i32>} : memref<80x144xf32, #tpu.memory_space<vmem>>, vector<16xf32>,
        tpu.vector_store %arg14[%swap3A_436, %swap3A_437], %mul3A_435 {strides = array<i32>} : memref<80x144xf32, #tpu.memory_space<vmem>>, vector<16xf32>,
        %get3A_439 = arith.index_cast %scan3A_376 : i32 to index
        %get3A_440 = arith.constant 128 : index
        %get3A_441 = tpu.vector_load %arg14[%get3A_439, %get3A_440] {strides = array<i32>} : memref<80x144xf32, #tpu.memory_space<vmem>>, vector<16xf32>,
        %mul3A_442 = arith.mulf %get3A_441, %gather3A_382 : vector<16xf32>
        %swap3A_443 = arith.index_cast %scan3A_376 : i32 to index
        %swap3A_444 = arith.constant 128 : index
        %swap3A_445 = tpu.vector_load %arg14[%swap3A_443, %swap3A_444] {strides = array<i32>} : memref<80x144xf32, #tpu.memory_space<vmem>>, vector<16xf32>,
        tpu.vector_store %arg14[%swap3A_443, %swap3A_444], %mul3A_442 {strides = array<i32>} : memref<80x144xf32, #tpu.memory_space<vmem>>, vector<16xf32>,
        %scan3A_446 = arith.constant 0 : i32
        scf.yield %scan3A_446 : i32
      }
      %scan3A_354 = arith.constant 80 : i32
      %dma_start3A_355 = arith.constant 0 : i32
      %dma_start3A_356 = arith.constant 0 : i32
      %dma_start3A_357 = tpu.memref_slice %arg16[%dma_start3A_355, %dma_start3A_356] : memref<10000x144xf32, #tpu.memory_space<vmem_shared>> -> memref<10000x144xf32, #tpu.memory_space<vmem_shared>>
      tpu.enqueue_indirect_dma source(%arg14 : memref<80x144xf32, #tpu.memory_space<vmem>>) target(%dma_start3A_357 : memref<10000x144xf32, #tpu.memory_space<vmem_shared>>) offsets(%arg12 : memref<80xi32, #tpu.memory_space<vmem>>) semaphore(%arg20 : memref<!tpu.dma_semaphore, #tpu.memory_space<semaphore_mem>>) {add = true}
      %dma_wait3A_358 = arith.constant 0 : i32
      %dma_wait3A_359 = arith.constant 0 : i32
      %dma_wait3A_360 = tpu.memref_slice %arg16[%dma_wait3A_358, %dma_wait3A_359] : memref<10000x144xf32, #tpu.memory_space<vmem_shared>> -> memref<10000x144xf32, #tpu.memory_space<vmem_shared>>
      tpu.wait_indirect_dma semaphore(%arg19 : memref<!tpu.dma_semaphore, #tpu.memory_space<semaphore_mem>>) src(%arg13 : memref<80x144xf32, #tpu.memory_space<vmem>>) dst(%dma_wait3A_360 : memref<10000x144xf32, #tpu.memory_space<vmem_shared>>)
      %add3A_361 = arith.constant 2 : i32
      %add3A_362 = arith.addi %mul3A_139, %add3A_361 : i32
      %mul3A_363 = arith.constant 10000 : i32
      %mul3A_364 = arith.muli %add3A, %mul3A_363 : i32
      %mul3A_365 = arith.constant 80 : i32
      %mul3A_366 = arith.muli %add3A_362, %mul3A_365 : i32
      %add3A_367 = arith.addi %mul3A_364, %mul3A_366 : i32
      "tpu.region"() ({
        %run_scoped3A = tpu.sem_alloc : memref<!tpu.dma_semaphore, #tpu.memory_space<semaphore_mem>>
        %dma_start3A_376 = tpu.memref_slice %arg4[%add3A_367] : memref<320000xi32, #tpu.memory_space<hbm>> -> memref<80xi32, #tpu.memory_space<hbm>>
        %dma_start3A_377 = tpu.memref_slice %arg4[%add3A_367] : memref<320000xi32, #tpu.memory_space<hbm>> -> memref<80xi32, #tpu.memory_space<hbm>>
        tpu.enqueue_dma source(%dma_start3A_377 : memref<80xi32, #tpu.memory_space<hbm>>) target(%arg9 : memref<80xi32, #tpu.memory_space<vmem>>) target_semaphore(%run_scoped3A : memref<!tpu.dma_semaphore, #tpu.memory_space<semaphore_mem>>)
        %dma_wait3A_378 = tpu.memref_slice %arg4[%add3A_367] : memref<320000xi32, #tpu.memory_space<hbm>> -> memref<80xi32, #tpu.memory_space<hbm>>
        %dma_wait3A_379 = tpu.memref_slice %arg4[%add3A_367] : memref<320000xi32, #tpu.memory_space<hbm>> -> memref<80xi32, #tpu.memory_space<hbm>>
        tpu.wait_dma2 semaphore(%run_scoped3A : memref<!tpu.dma_semaphore, #tpu.memory_space<semaphore_mem>>) src(%dma_wait3A_379 : memref<80xi32, #tpu.memory_space<hbm>>) dst(%arg9 : memref<80xi32, #tpu.memory_space<vmem>>)
        tpu.yield
      }) : () -> ()
      "tpu.region"() ({
        %run_scoped3A = tpu.sem_alloc : memref<!tpu.dma_semaphore, #tpu.memory_space<semaphore_mem>>
        %dma_start3A_376 = tpu.memref_slice %arg5[%add3A_367] : memref<320000xi32, #tpu.memory_space<hbm>> -> memref<80xi32, #tpu.memory_space<hbm>>
        %dma_start3A_377 = tpu.memref_slice %arg5[%add3A_367] : memref<320000xi32, #tpu.memory_space<hbm>> -> memref<80xi32, #tpu.memory_space<hbm>>
        tpu.enqueue_dma source(%dma_start3A_377 : memref<80xi32, #tpu.memory_space<hbm>>) target(%arg10 : memref<80xi32, #tpu.memory_space<vmem>>) target_semaphore(%run_scoped3A : memref<!tpu.dma_semaphore, #tpu.memory_space<semaphore_mem>>)
        %dma_wait3A_378 = tpu.memref_slice %arg5[%add3A_367] : memref<320000xi32, #tpu.memory_space<hbm>> -> memref<80xi32, #tpu.memory_space<hbm>>
        %dma_wait3A_379 = tpu.memref_slice %arg5[%add3A_367] : memref<320000xi32, #tpu.memory_space<hbm>> -> memref<80xi32, #tpu.memory_space<hbm>>
        tpu.wait_dma2 semaphore(%run_scoped3A : memref<!tpu.dma_semaphore, #tpu.memory_space<semaphore_mem>>) src(%dma_wait3A_379 : memref<80xi32, #tpu.memory_space<hbm>>) dst(%arg10 : memref<80xi32, #tpu.memory_space<vmem>>)
        tpu.yield
      }) : () -> ()
      %dma_start3A_368 = arith.constant 0 : i32
      %dma_start3A_369 = arith.constant 0 : i32
      %dma_start3A_370 = tpu.memref_slice %arg2[%dma_start3A_368, %dma_start3A_369] : memref<10000x144xf32, #tpu.memory_space<hbm>> -> memref<10000x144xf32, #tpu.memory_space<hbm>>
      tpu.enqueue_indirect_dma source(%dma_start3A_370 : memref<10000x144xf32, #tpu.memory_space<hbm>>) target(%arg13 : memref<80x144xf32, #tpu.memory_space<vmem>>) offsets(%arg9 : memref<80xi32, #tpu.memory_space<vmem>>) semaphore(%arg17 : memref<!tpu.dma_semaphore, #tpu.memory_space<semaphore_mem>>)
      %lt3A = arith.constant 61 : i32
      %lt3A_371 = arith.cmpi slt, %scan3A_136, %lt3A : i32
      %convert_element_type3A_372 = arith.extui %lt3A_371 : i1 to i32
      %cond3A_373 = arith.constant 0 : i32
      %cond3A_374 = arith.cmpi ne, %convert_element_type3A_372, %cond3A_373 : i32
      scf.if %cond3A_374 {
        %dma_wait3A_376 = arith.constant 0 : i32
        %dma_wait3A_377 = arith.constant 0 : i32
        %dma_wait3A_378 = tpu.memref_slice %arg16[%dma_wait3A_376, %dma_wait3A_377] : memref<10000x144xf32, #tpu.memory_space<vmem_shared>> -> memref<10000x144xf32, #tpu.memory_space<vmem_shared>>
        tpu.wait_indirect_dma semaphore(%arg20 : memref<!tpu.dma_semaphore, #tpu.memory_space<semaphore_mem>>) src(%arg14 : memref<80x144xf32, #tpu.memory_space<vmem>>) dst(%dma_wait3A_378 : memref<10000x144xf32, #tpu.memory_space<vmem_shared>>)
        %add3A_379 = arith.constant 3 : i32
        %add3A_380 = arith.addi %mul3A_139, %add3A_379 : i32
        %mul3A_381 = arith.constant 10000 : i32
        %mul3A_382 = arith.muli %add3A, %mul3A_381 : i32
        %mul3A_383 = arith.constant 80 : i32
        %mul3A_384 = arith.muli %add3A_380, %mul3A_383 : i32
        %add3A_385 = arith.addi %mul3A_382, %mul3A_384 : i32
        "tpu.region"() ({
          %run_scoped3A = tpu.sem_alloc : memref<!tpu.dma_semaphore, #tpu.memory_space<semaphore_mem>>
          %dma_start3A_389 = tpu.memref_slice %arg4[%add3A_385] : memref<320000xi32, #tpu.memory_space<hbm>> -> memref<80xi32, #tpu.memory_space<hbm>>
          %dma_start3A_390 = tpu.memref_slice %arg4[%add3A_385] : memref<320000xi32, #tpu.memory_space<hbm>> -> memref<80xi32, #tpu.memory_space<hbm>>
          tpu.enqueue_dma source(%dma_start3A_390 : memref<80xi32, #tpu.memory_space<hbm>>) target(%arg11 : memref<80xi32, #tpu.memory_space<vmem>>) target_semaphore(%run_scoped3A : memref<!tpu.dma_semaphore, #tpu.memory_space<semaphore_mem>>)
          %dma_wait3A_391 = tpu.memref_slice %arg4[%add3A_385] : memref<320000xi32, #tpu.memory_space<hbm>> -> memref<80xi32, #tpu.memory_space<hbm>>
          %dma_wait3A_392 = tpu.memref_slice %arg4[%add3A_385] : memref<320000xi32, #tpu.memory_space<hbm>> -> memref<80xi32, #tpu.memory_space<hbm>>
          tpu.wait_dma2 semaphore(%run_scoped3A : memref<!tpu.dma_semaphore, #tpu.memory_space<semaphore_mem>>) src(%dma_wait3A_392 : memref<80xi32, #tpu.memory_space<hbm>>) dst(%arg11 : memref<80xi32, #tpu.memory_space<vmem>>)
          tpu.yield
        }) : () -> ()
        "tpu.region"() ({
          %run_scoped3A = tpu.sem_alloc : memref<!tpu.dma_semaphore, #tpu.memory_space<semaphore_mem>>
          %dma_start3A_389 = tpu.memref_slice %arg5[%add3A_385] : memref<320000xi32, #tpu.memory_space<hbm>> -> memref<80xi32, #tpu.memory_space<hbm>>
          %dma_start3A_390 = tpu.memref_slice %arg5[%add3A_385] : memref<320000xi32, #tpu.memory_space<hbm>> -> memref<80xi32, #tpu.memory_space<hbm>>
          tpu.enqueue_dma source(%dma_start3A_390 : memref<80xi32, #tpu.memory_space<hbm>>) target(%arg12 : memref<80xi32, #tpu.memory_space<vmem>>) target_semaphore(%run_scoped3A : memref<!tpu.dma_semaphore, #tpu.memory_space<semaphore_mem>>)
          %dma_wait3A_391 = tpu.memref_slice %arg5[%add3A_385] : memref<320000xi32, #tpu.memory_space<hbm>> -> memref<80xi32, #tpu.memory_space<hbm>>
          %dma_wait3A_392 = tpu.memref_slice %arg5[%add3A_385] : memref<320000xi32, #tpu.memory_space<hbm>> -> memref<80xi32, #tpu.memory_space<hbm>>
          tpu.wait_dma2 semaphore(%run_scoped3A : memref<!tpu.dma_semaphore, #tpu.memory_space<semaphore_mem>>) src(%dma_wait3A_392 : memref<80xi32, #tpu.memory_space<hbm>>) dst(%arg12 : memref<80xi32, #tpu.memory_space<vmem>>)
          tpu.yield
        }) : () -> ()
        %dma_start3A_386 = arith.constant 0 : i32
        %dma_start3A_387 = arith.constant 0 : i32
        %dma_start3A_388 = tpu.memref_slice %arg2[%dma_start3A_386, %dma_start3A_387] : memref<10000x144xf32, #tpu.memory_space<hbm>> -> memref<10000x144xf32, #tpu.memory_space<hbm>>
        tpu.enqueue_indirect_dma source(%dma_start3A_388 : memref<10000x144xf32, #tpu.memory_space<hbm>>) target(%arg14 : memref<80x144xf32, #tpu.memory_space<vmem>>) offsets(%arg11 : memref<80xi32, #tpu.memory_space<vmem>>) semaphore(%arg18 : memref<!tpu.dma_semaphore, #tpu.memory_space<semaphore_mem>>)
      } else {
      }
      %scan3A_375 = arith.constant 0 : i32
      scf.yield %scan3A_375 : i32
    }
    %scan3A_23 = arith.constant 62 : i32
    %dma_wait3A = arith.constant 0 : i32
    %dma_wait3A_24 = arith.constant 0 : i32
    %dma_wait3A_25 = tpu.memref_slice %arg2[%dma_wait3A, %dma_wait3A_24] : memref<10000x144xf32, #tpu.memory_space<hbm>> -> memref<10000x144xf32, #tpu.memory_space<hbm>>
    tpu.wait_indirect_dma semaphore(%arg17 : memref<!tpu.dma_semaphore, #tpu.memory_space<semaphore_mem>>) src(%dma_wait3A_25 : memref<10000x144xf32, #tpu.memory_space<hbm>>) dst(%arg13 : memref<80x144xf32, #tpu.memory_space<vmem>>)
    %iota3A = tpu.iota {dimensions = array<i32: 0>} : vector<16xi32>
    %broadcast_in_dim3A = arith.constant 0 : i32
    %broadcast_in_dim3A_26 = vector.broadcast %broadcast_in_dim3A : i32 to vector<16xi32>
    %add3A_27 = arith.constant 129 : i32
    %add3A_28 = vector.broadcast %add3A_27 : i32 to vector<16xi32>
    %add3A_29 = arith.addi %broadcast_in_dim3A_26, %add3A_28 : vector<16xi32>
    %get3A = arith.constant 0 : index
    %get3A_30 = tpu.vector_load %arg10[%get3A] {strides = array<i32>} : memref<80xi32, #tpu.memory_space<vmem>>, vector<16xi32>,
    %add3A_31 = arith.constant 0 : i32
    %add3A_32 = vector.broadcast %add3A_31 : i32 to vector<16xi32>
    %add3A_33 = arith.addi %iota3A, %add3A_32 : vector<16xi32>
    %gather3A = tpu.vector_load_idx %arg13[%add3A_33, %add3A_29] : memref<80x144xf32, #tpu.memory_space<vmem>>[vector<16xi32>, vector<16xi32>], vector<16xf32>,
    %gather3A_34 = tpu.vector_load_idx %arg8[%get3A_30] : memref<10000xf32, #tpu.memory_space<vmem>>[vector<16xi32>], vector<16xf32>,
    %add3A_35 = arith.addf %gather3A, %gather3A_34 : vector<16xf32>
    %ge3A = arith.constant 0.000000e+00 : f32
    %ge3A_36 = vector.broadcast %ge3A : f32 to vector<16xf32>
    %ge3A_37 = arith.cmpf oge, %add3A_35, %ge3A_36 : vector<16xf32>
    %mul3A_38 = arith.constant 2.000000e-01 : f32
    %mul3A_39 = vector.broadcast %mul3A_38 : f32 to vector<16xf32>
    %mul3A_40 = arith.mulf %mul3A_39, %add3A_35 : vector<16xf32>
    %select_n3A = arith.select %ge3A_37, %add3A_35, %mul3A_40 : vector<16xi1>, vector<16xf32>
    %exp3A = math.exp %select_n3A : vector<16xf32>
    %swap3A = arith.constant 0 : index
    %swap3A_41 = tpu.vector_load %arg15[%swap3A] {strides = array<i32>} : memref<80xf32, #tpu.memory_space<vmem>>, vector<16xf32>,
    tpu.vector_store %arg15[%swap3A], %exp3A {strides = array<i32>} : memref<80xf32, #tpu.memory_space<vmem>>, vector<16xf32>,
    %get3A_42 = arith.constant 16 : index
    %get3A_43 = tpu.vector_load %arg10[%get3A_42] {strides = array<i32>} : memref<80xi32, #tpu.memory_space<vmem>>, vector<16xi32>,
    %add3A_44 = arith.constant 16 : i32
    %add3A_45 = vector.broadcast %add3A_44 : i32 to vector<16xi32>
    %add3A_46 = arith.addi %iota3A, %add3A_45 : vector<16xi32>
    %gather3A_47 = tpu.vector_load_idx %arg13[%add3A_46, %add3A_29] : memref<80x144xf32, #tpu.memory_space<vmem>>[vector<16xi32>, vector<16xi32>], vector<16xf32>,
    %gather3A_48 = tpu.vector_load_idx %arg8[%get3A_43] : memref<10000xf32, #tpu.memory_space<vmem>>[vector<16xi32>], vector<16xf32>,
    %add3A_49 = arith.addf %gather3A_47, %gather3A_48 : vector<16xf32>
    %ge3A_50 = arith.constant 0.000000e+00 : f32
    %ge3A_51 = vector.broadcast %ge3A_50 : f32 to vector<16xf32>
    %ge3A_52 = arith.cmpf oge, %add3A_49, %ge3A_51 : vector<16xf32>
    %mul3A_53 = arith.constant 2.000000e-01 : f32
    %mul3A_54 = vector.broadcast %mul3A_53 : f32 to vector<16xf32>
    %mul3A_55 = arith.mulf %mul3A_54, %add3A_49 : vector<16xf32>
    %select_n3A_56 = arith.select %ge3A_52, %add3A_49, %mul3A_55 : vector<16xi1>, vector<16xf32>
    %exp3A_57 = math.exp %select_n3A_56 : vector<16xf32>
    %swap3A_58 = arith.constant 16 : index
    %swap3A_59 = tpu.vector_load %arg15[%swap3A_58] {strides = array<i32>} : memref<80xf32, #tpu.memory_space<vmem>>, vector<16xf32>,
    tpu.vector_store %arg15[%swap3A_58], %exp3A_57 {strides = array<i32>} : memref<80xf32, #tpu.memory_space<vmem>>, vector<16xf32>,
    %get3A_60 = arith.constant 32 : index
    %get3A_61 = tpu.vector_load %arg10[%get3A_60] {strides = array<i32>} : memref<80xi32, #tpu.memory_space<vmem>>, vector<16xi32>,
    %add3A_62 = arith.constant 32 : i32
    %add3A_63 = vector.broadcast %add3A_62 : i32 to vector<16xi32>
    %add3A_64 = arith.addi %iota3A, %add3A_63 : vector<16xi32>
    %gather3A_65 = tpu.vector_load_idx %arg13[%add3A_64, %add3A_29] : memref<80x144xf32, #tpu.memory_space<vmem>>[vector<16xi32>, vector<16xi32>], vector<16xf32>,
    %gather3A_66 = tpu.vector_load_idx %arg8[%get3A_61] : memref<10000xf32, #tpu.memory_space<vmem>>[vector<16xi32>], vector<16xf32>,
    %add3A_67 = arith.addf %gather3A_65, %gather3A_66 : vector<16xf32>
    %ge3A_68 = arith.constant 0.000000e+00 : f32
    %ge3A_69 = vector.broadcast %ge3A_68 : f32 to vector<16xf32>
    %ge3A_70 = arith.cmpf oge, %add3A_67, %ge3A_69 : vector<16xf32>
    %mul3A_71 = arith.constant 2.000000e-01 : f32
    %mul3A_72 = vector.broadcast %mul3A_71 : f32 to vector<16xf32>
    %mul3A_73 = arith.mulf %mul3A_72, %add3A_67 : vector<16xf32>
    %select_n3A_74 = arith.select %ge3A_70, %add3A_67, %mul3A_73 : vector<16xi1>, vector<16xf32>
    %exp3A_75 = math.exp %select_n3A_74 : vector<16xf32>
    %swap3A_76 = arith.constant 32 : index
    %swap3A_77 = tpu.vector_load %arg15[%swap3A_76] {strides = array<i32>} : memref<80xf32, #tpu.memory_space<vmem>>, vector<16xf32>,
    tpu.vector_store %arg15[%swap3A_76], %exp3A_75 {strides = array<i32>} : memref<80xf32, #tpu.memory_space<vmem>>, vector<16xf32>,
    %get3A_78 = arith.constant 48 : index
    %get3A_79 = tpu.vector_load %arg10[%get3A_78] {strides = array<i32>} : memref<80xi32, #tpu.memory_space<vmem>>, vector<16xi32>,
    %add3A_80 = arith.constant 48 : i32
    %add3A_81 = vector.broadcast %add3A_80 : i32 to vector<16xi32>
    %add3A_82 = arith.addi %iota3A, %add3A_81 : vector<16xi32>
    %gather3A_83 = tpu.vector_load_idx %arg13[%add3A_82, %add3A_29] : memref<80x144xf32, #tpu.memory_space<vmem>>[vector<16xi32>, vector<16xi32>], vector<16xf32>,
    %gather3A_84 = tpu.vector_load_idx %arg8[%get3A_79] : memref<10000xf32, #tpu.memory_space<vmem>>[vector<16xi32>], vector<16xf32>,
    %add3A_85 = arith.addf %gather3A_83, %gather3A_84 : vector<16xf32>
    %ge3A_86 = arith.constant 0.000000e+00 : f32
    %ge3A_87 = vector.broadcast %ge3A_86 : f32 to vector<16xf32>
    %ge3A_88 = arith.cmpf oge, %add3A_85, %ge3A_87 : vector<16xf32>
    %mul3A_89 = arith.constant 2.000000e-01 : f32
    %mul3A_90 = vector.broadcast %mul3A_89 : f32 to vector<16xf32>
    %mul3A_91 = arith.mulf %mul3A_90, %add3A_85 : vector<16xf32>
    %select_n3A_92 = arith.select %ge3A_88, %add3A_85, %mul3A_91 : vector<16xi1>, vector<16xf32>
    %exp3A_93 = math.exp %select_n3A_92 : vector<16xf32>
    %swap3A_94 = arith.constant 48 : index
    %swap3A_95 = tpu.vector_load %arg15[%swap3A_94] {strides = array<i32>} : memref<80xf32, #tpu.memory_space<vmem>>, vector<16xf32>,
    tpu.vector_store %arg15[%swap3A_94], %exp3A_93 {strides = array<i32>} : memref<80xf32, #tpu.memory_space<vmem>>, vector<16xf32>,
    %get3A_96 = arith.constant 64 : index
    %get3A_97 = tpu.vector_load %arg10[%get3A_96] {strides = array<i32>} : memref<80xi32, #tpu.memory_space<vmem>>, vector<16xi32>,
    %add3A_98 = arith.constant 64 : i32
    %add3A_99 = vector.broadcast %add3A_98 : i32 to vector<16xi32>
    %add3A_100 = arith.addi %iota3A, %add3A_99 : vector<16xi32>
    %gather3A_101 = tpu.vector_load_idx %arg13[%add3A_100, %add3A_29] : memref<80x144xf32, #tpu.memory_space<vmem>>[vector<16xi32>, vector<16xi32>], vector<16xf32>,
    %gather3A_102 = tpu.vector_load_idx %arg8[%get3A_97] : memref<10000xf32, #tpu.memory_space<vmem>>[vector<16xi32>], vector<16xf32>,
    %add3A_103 = arith.addf %gather3A_101, %gather3A_102 : vector<16xf32>
    %ge3A_104 = arith.constant 0.000000e+00 : f32
    %ge3A_105 = vector.broadcast %ge3A_104 : f32 to vector<16xf32>
    %ge3A_106 = arith.cmpf oge, %add3A_103, %ge3A_105 : vector<16xf32>
    %mul3A_107 = arith.constant 2.000000e-01 : f32
    %mul3A_108 = vector.broadcast %mul3A_107 : f32 to vector<16xf32>
    %mul3A_109 = arith.mulf %mul3A_108, %add3A_103 : vector<16xf32>
    %select_n3A_110 = arith.select %ge3A_106, %add3A_103, %mul3A_109 : vector<16xi1>, vector<16xf32>
    %exp3A_111 = math.exp %select_n3A_110 : vector<16xf32>
    %swap3A_112 = arith.constant 64 : index
    %swap3A_113 = tpu.vector_load %arg15[%swap3A_112] {strides = array<i32>} : memref<80xf32, #tpu.memory_space<vmem>>, vector<16xf32>,
    tpu.vector_store %arg15[%swap3A_112], %exp3A_111 {strides = array<i32>} : memref<80xf32, #tpu.memory_space<vmem>>, vector<16xf32>,
    %scan3A_114 = arith.constant 0 : i32
    %scan3A_115 = arith.constant 0 : i32
    %scan3A_116 = arith.constant 80 : i32
    %scan3A_117 = arith.addi %scan3A_115, %scan3A_116 : i32
    %scan3A_118 = arith.constant 1 : i32
    %scan3A_119 = scf.for %scan3A_136 = %scan3A_115 to %scan3A_117 step %scan3A_118 iter_args(%scan3A_137 = %scan3A_114) -> (i32)  : i32 {
      %broadcast_in_dim3A_138 = arith.constant 0 : i32
      %broadcast_in_dim3A_139 = vector.broadcast %broadcast_in_dim3A_138 : i32 to vector<16xi32>
      %add3A_140 = vector.broadcast %scan3A_136 : i32 to vector<16xi32>
      %add3A_141 = arith.addi %broadcast_in_dim3A_139, %add3A_140 : vector<16xi32>
      %gather3A_142 = tpu.vector_load_idx %arg15[%add3A_141] : memref<80xf32, #tpu.memory_space<vmem>>[vector<16xi32>], vector<16xf32>,
      %get3A_143 = arith.index_cast %scan3A_136 : i32 to index
      %get3A_144 = arith.constant 0 : index
      %get3A_145 = tpu.vector_load %arg13[%get3A_143, %get3A_144] {strides = array<i32>} : memref<80x144xf32, #tpu.memory_space<vmem>>, vector<16xf32>,
      %mul3A_146 = arith.mulf %get3A_145, %gather3A_142 : vector<16xf32>
      %swap3A_147 = arith.index_cast %scan3A_136 : i32 to index
      %swap3A_148 = arith.constant 0 : index
      %swap3A_149 = tpu.vector_load %arg13[%swap3A_147, %swap3A_148] {strides = array<i32>} : memref<80x144xf32, #tpu.memory_space<vmem>>, vector<16xf32>,
      tpu.vector_store %arg13[%swap3A_147, %swap3A_148], %mul3A_146 {strides = array<i32>} : memref<80x144xf32, #tpu.memory_space<vmem>>, vector<16xf32>,
      %get3A_150 = arith.index_cast %scan3A_136 : i32 to index
      %get3A_151 = arith.constant 16 : index
      %get3A_152 = tpu.vector_load %arg13[%get3A_150, %get3A_151] {strides = array<i32>} : memref<80x144xf32, #tpu.memory_space<vmem>>, vector<16xf32>,
      %mul3A_153 = arith.mulf %get3A_152, %gather3A_142 : vector<16xf32>
      %swap3A_154 = arith.index_cast %scan3A_136 : i32 to index
      %swap3A_155 = arith.constant 16 : index
      %swap3A_156 = tpu.vector_load %arg13[%swap3A_154, %swap3A_155] {strides = array<i32>} : memref<80x144xf32, #tpu.memory_space<vmem>>, vector<16xf32>,
      tpu.vector_store %arg13[%swap3A_154, %swap3A_155], %mul3A_153 {strides = array<i32>} : memref<80x144xf32, #tpu.memory_space<vmem>>, vector<16xf32>,
      %get3A_157 = arith.index_cast %scan3A_136 : i32 to index
      %get3A_158 = arith.constant 32 : index
      %get3A_159 = tpu.vector_load %arg13[%get3A_157, %get3A_158] {strides = array<i32>} : memref<80x144xf32, #tpu.memory_space<vmem>>, vector<16xf32>,
      %mul3A_160 = arith.mulf %get3A_159, %gather3A_142 : vector<16xf32>
      %swap3A_161 = arith.index_cast %scan3A_136 : i32 to index
      %swap3A_162 = arith.constant 32 : index
      %swap3A_163 = tpu.vector_load %arg13[%swap3A_161, %swap3A_162] {strides = array<i32>} : memref<80x144xf32, #tpu.memory_space<vmem>>, vector<16xf32>,
      tpu.vector_store %arg13[%swap3A_161, %swap3A_162], %mul3A_160 {strides = array<i32>} : memref<80x144xf32, #tpu.memory_space<vmem>>, vector<16xf32>,
      %get3A_164 = arith.index_cast %scan3A_136 : i32 to index
      %get3A_165 = arith.constant 48 : index
      %get3A_166 = tpu.vector_load %arg13[%get3A_164, %get3A_165] {strides = array<i32>} : memref<80x144xf32, #tpu.memory_space<vmem>>, vector<16xf32>,
      %mul3A_167 = arith.mulf %get3A_166, %gather3A_142 : vector<16xf32>
      %swap3A_168 = arith.index_cast %scan3A_136 : i32 to index
      %swap3A_169 = arith.constant 48 : index
      %swap3A_170 = tpu.vector_load %arg13[%swap3A_168, %swap3A_169] {strides = array<i32>} : memref<80x144xf32, #tpu.memory_space<vmem>>, vector<16xf32>,
      tpu.vector_store %arg13[%swap3A_168, %swap3A_169], %mul3A_167 {strides = array<i32>} : memref<80x144xf32, #tpu.memory_space<vmem>>, vector<16xf32>,
      %get3A_171 = arith.index_cast %scan3A_136 : i32 to index
      %get3A_172 = arith.constant 64 : index
      %get3A_173 = tpu.vector_load %arg13[%get3A_171, %get3A_172] {strides = array<i32>} : memref<80x144xf32, #tpu.memory_space<vmem>>, vector<16xf32>,
      %mul3A_174 = arith.mulf %get3A_173, %gather3A_142 : vector<16xf32>
      %swap3A_175 = arith.index_cast %scan3A_136 : i32 to index
      %swap3A_176 = arith.constant 64 : index
      %swap3A_177 = tpu.vector_load %arg13[%swap3A_175, %swap3A_176] {strides = array<i32>} : memref<80x144xf32, #tpu.memory_space<vmem>>, vector<16xf32>,
      tpu.vector_store %arg13[%swap3A_175, %swap3A_176], %mul3A_174 {strides = array<i32>} : memref<80x144xf32, #tpu.memory_space<vmem>>, vector<16xf32>,
      %get3A_178 = arith.index_cast %scan3A_136 : i32 to index
      %get3A_179 = arith.constant 80 : index
      %get3A_180 = tpu.vector_load %arg13[%get3A_178, %get3A_179] {strides = array<i32>} : memref<80x144xf32, #tpu.memory_space<vmem>>, vector<16xf32>,
      %mul3A_181 = arith.mulf %get3A_180, %gather3A_142 : vector<16xf32>
      %swap3A_182 = arith.index_cast %scan3A_136 : i32 to index
      %swap3A_183 = arith.constant 80 : index
      %swap3A_184 = tpu.vector_load %arg13[%swap3A_182, %swap3A_183] {strides = array<i32>} : memref<80x144xf32, #tpu.memory_space<vmem>>, vector<16xf32>,
      tpu.vector_store %arg13[%swap3A_182, %swap3A_183], %mul3A_181 {strides = array<i32>} : memref<80x144xf32, #tpu.memory_space<vmem>>, vector<16xf32>,
      %get3A_185 = arith.index_cast %scan3A_136 : i32 to index
      %get3A_186 = arith.constant 96 : index
      %get3A_187 = tpu.vector_load %arg13[%get3A_185, %get3A_186] {strides = array<i32>} : memref<80x144xf32, #tpu.memory_space<vmem>>, vector<16xf32>,
      %mul3A_188 = arith.mulf %get3A_187, %gather3A_142 : vector<16xf32>
      %swap3A_189 = arith.index_cast %scan3A_136 : i32 to index
      %swap3A_190 = arith.constant 96 : index
      %swap3A_191 = tpu.vector_load %arg13[%swap3A_189, %swap3A_190] {strides = array<i32>} : memref<80x144xf32, #tpu.memory_space<vmem>>, vector<16xf32>,
      tpu.vector_store %arg13[%swap3A_189, %swap3A_190], %mul3A_188 {strides = array<i32>} : memref<80x144xf32, #tpu.memory_space<vmem>>, vector<16xf32>,
      %get3A_192 = arith.index_cast %scan3A_136 : i32 to index
      %get3A_193 = arith.constant 112 : index
      %get3A_194 = tpu.vector_load %arg13[%get3A_192, %get3A_193] {strides = array<i32>} : memref<80x144xf32, #tpu.memory_space<vmem>>, vector<16xf32>,
      %mul3A_195 = arith.mulf %get3A_194, %gather3A_142 : vector<16xf32>
      %swap3A_196 = arith.index_cast %scan3A_136 : i32 to index
      %swap3A_197 = arith.constant 112 : index
      %swap3A_198 = tpu.vector_load %arg13[%swap3A_196, %swap3A_197] {strides = array<i32>} : memref<80x144xf32, #tpu.memory_space<vmem>>, vector<16xf32>,
      tpu.vector_store %arg13[%swap3A_196, %swap3A_197], %mul3A_195 {strides = array<i32>} : memref<80x144xf32, #tpu.memory_space<vmem>>, vector<16xf32>,
      %get3A_199 = arith.index_cast %scan3A_136 : i32 to index
      %get3A_200 = arith.constant 128 : index
      %get3A_201 = tpu.vector_load %arg13[%get3A_199, %get3A_200] {strides = array<i32>} : memref<80x144xf32, #tpu.memory_space<vmem>>, vector<16xf32>,
      %mul3A_202 = arith.mulf %get3A_201, %gather3A_142 : vector<16xf32>
      %swap3A_203 = arith.index_cast %scan3A_136 : i32 to index
      %swap3A_204 = arith.constant 128 : index
      %swap3A_205 = tpu.vector_load %arg13[%swap3A_203, %swap3A_204] {strides = array<i32>} : memref<80x144xf32, #tpu.memory_space<vmem>>, vector<16xf32>,
      tpu.vector_store %arg13[%swap3A_203, %swap3A_204], %mul3A_202 {strides = array<i32>} : memref<80x144xf32, #tpu.memory_space<vmem>>, vector<16xf32>,
      %scan3A_206 = arith.constant 0 : i32
      scf.yield %scan3A_206 : i32
    }
    %scan3A_120 = arith.constant 80 : i32
    %dma_start3A_121 = arith.constant 0 : i32
    %dma_start3A_122 = arith.constant 0 : i32
    %dma_start3A_123 = tpu.memref_slice %arg16[%dma_start3A_121, %dma_start3A_122] : memref<10000x144xf32, #tpu.memory_space<vmem_shared>> -> memref<10000x144xf32, #tpu.memory_space<vmem_shared>>
    tpu.enqueue_indirect_dma source(%arg13 : memref<80x144xf32, #tpu.memory_space<vmem>>) target(%dma_start3A_123 : memref<10000x144xf32, #tpu.memory_space<vmem_shared>>) offsets(%arg10 : memref<80xi32, #tpu.memory_space<vmem>>) semaphore(%arg19 : memref<!tpu.dma_semaphore, #tpu.memory_space<semaphore_mem>>) {add = true}
    %dma_wait3A_124 = arith.constant 0 : i32
    %dma_wait3A_125 = arith.constant 0 : i32
    %dma_wait3A_126 = tpu.memref_slice %arg16[%dma_wait3A_124, %dma_wait3A_125] : memref<10000x144xf32, #tpu.memory_space<vmem_shared>> -> memref<10000x144xf32, #tpu.memory_space<vmem_shared>>
    tpu.wait_indirect_dma semaphore(%arg19 : memref<!tpu.dma_semaphore, #tpu.memory_space<semaphore_mem>>) src(%arg13 : memref<80x144xf32, #tpu.memory_space<vmem>>) dst(%dma_wait3A_126 : memref<10000x144xf32, #tpu.memory_space<vmem_shared>>)
    %dma_wait3A_127 = arith.constant 0 : i32
    %dma_wait3A_128 = arith.constant 0 : i32
    %dma_wait3A_129 = tpu.memref_slice %arg16[%dma_wait3A_127, %dma_wait3A_128] : memref<10000x144xf32, #tpu.memory_space<vmem_shared>> -> memref<10000x144xf32, #tpu.memory_space<vmem_shared>>
    tpu.wait_indirect_dma semaphore(%arg20 : memref<!tpu.dma_semaphore, #tpu.memory_space<semaphore_mem>>) src(%arg14 : memref<80x144xf32, #tpu.memory_space<vmem>>) dst(%dma_wait3A_129 : memref<10000x144xf32, #tpu.memory_space<vmem_shared>>)
    %barrier3A_130 = arith.constant 0 : index
    tpu.barrier barrier_id(%barrier3A_130)
    "tpu.region"() ({
      %run_scoped3A = tpu.sem_alloc : memref<!tpu.dma_semaphore, #tpu.memory_space<semaphore_mem>>
      %dma_start3A_136 = arith.constant 0 : i32
      %dma_start3A_137 = tpu.memref_slice %arg7[%arg0, %mul3A_2, %dma_start3A_136] : memref<2x10000x144xf32, #tpu.memory_space<hbm>> -> memref<1x624x144xf32, #tpu.memory_space<hbm>>
      %dma_start3A_138 = tpu.memref_squeeze %dma_start3A_137 : memref<1x624x144xf32, #tpu.memory_space<hbm>> -> memref<624x144xf32, #tpu.memory_space<hbm>>
      %dma_start3A_139 = arith.constant 0 : i32
      %dma_start3A_140 = tpu.memref_slice %arg16[%mul3A_2, %dma_start3A_139] : memref<10000x144xf32, #tpu.memory_space<vmem_shared>> -> memref<624x144xf32, #tpu.memory_space<vmem_shared>>
      tpu.enqueue_dma source(%dma_start3A_140 : memref<624x144xf32, #tpu.memory_space<vmem_shared>>) target(%dma_start3A_138 : memref<624x144xf32, #tpu.memory_space<hbm>>) target_semaphore(%run_scoped3A : memref<!tpu.dma_semaphore, #tpu.memory_space<semaphore_mem>>)
      %dma_wait3A_141 = arith.constant 0 : i32
      %dma_wait3A_142 = tpu.memref_slice %arg7[%arg0, %mul3A_2, %dma_wait3A_141] : memref<2x10000x144xf32, #tpu.memory_space<hbm>> -> memref<1x624x144xf32, #tpu.memory_space<hbm>>
      %dma_wait3A_143 = tpu.memref_squeeze %dma_wait3A_142 : memref<1x624x144xf32, #tpu.memory_space<hbm>> -> memref<624x144xf32, #tpu.memory_space<hbm>>
      %dma_wait3A_144 = arith.constant 0 : i32
      %dma_wait3A_145 = tpu.memref_slice %arg16[%mul3A_2, %dma_wait3A_144] : memref<10000x144xf32, #tpu.memory_space<vmem_shared>> -> memref<624x144xf32, #tpu.memory_space<vmem_shared>>
      tpu.wait_dma2 semaphore(%run_scoped3A : memref<!tpu.dma_semaphore, #tpu.memory_space<semaphore_mem>>) src(%dma_wait3A_145 : memref<624x144xf32, #tpu.memory_space<vmem_shared>>) dst(%dma_wait3A_143 : memref<624x144xf32, #tpu.memory_space<hbm>>)
      tpu.yield
    }) : () -> ()
    %eq3A_131 = arith.constant 15 : i32
    %eq3A_132 = arith.cmpi eq, %arg1, %eq3A_131 : i32
    %convert_element_type3A_133 = arith.extui %eq3A_132 : i1 to i32
    %cond3A_134 = arith.constant 0 : i32
    %cond3A_135 = arith.cmpi ne, %convert_element_type3A_133, %cond3A_134 : i32
    scf.if %cond3A_135 {
      "tpu.region"() ({
        %run_scoped3A = tpu.sem_alloc : memref<!tpu.dma_semaphore, #tpu.memory_space<semaphore_mem>>
        %dma_start3A_136 = arith.constant 9984 : i32
        %dma_start3A_137 = arith.constant 0 : i32
        %dma_start3A_138 = tpu.memref_slice %arg7[%arg0, %dma_start3A_136, %dma_start3A_137] : memref<2x10000x144xf32, #tpu.memory_space<hbm>> -> memref<1x16x144xf32, #tpu.memory_space<hbm>>
        %dma_start3A_139 = tpu.memref_squeeze %dma_start3A_138 : memref<1x16x144xf32, #tpu.memory_space<hbm>> -> memref<16x144xf32, #tpu.memory_space<hbm>>
        %dma_start3A_140 = arith.constant 9984 : i32
        %dma_start3A_141 = arith.constant 0 : i32
        %dma_start3A_142 = tpu.memref_slice %arg16[%dma_start3A_140, %dma_start3A_141] : memref<10000x144xf32, #tpu.memory_space<vmem_shared>> -> memref<16x144xf32, #tpu.memory_space<vmem_shared>>
        tpu.enqueue_dma source(%dma_start3A_142 : memref<16x144xf32, #tpu.memory_space<vmem_shared>>) target(%dma_start3A_139 : memref<16x144xf32, #tpu.memory_space<hbm>>) target_semaphore(%run_scoped3A : memref<!tpu.dma_semaphore, #tpu.memory_space<semaphore_mem>>)
        %dma_wait3A_143 = arith.constant 9984 : i32
        %dma_wait3A_144 = arith.constant 0 : i32
        %dma_wait3A_145 = tpu.memref_slice %arg7[%arg0, %dma_wait3A_143, %dma_wait3A_144] : memref<2x10000x144xf32, #tpu.memory_space<hbm>> -> memref<1x16x144xf32, #tpu.memory_space<hbm>>
        %dma_wait3A_146 = tpu.memref_squeeze %dma_wait3A_145 : memref<1x16x144xf32, #tpu.memory_space<hbm>> -> memref<16x144xf32, #tpu.memory_space<hbm>>
        %dma_wait3A_147 = arith.constant 9984 : i32
        %dma_wait3A_148 = arith.constant 0 : i32
        %dma_wait3A_149 = tpu.memref_slice %arg16[%dma_wait3A_147, %dma_wait3A_148] : memref<10000x144xf32, #tpu.memory_space<vmem_shared>> -> memref<16x144xf32, #tpu.memory_space<vmem_shared>>
        tpu.wait_dma2 semaphore(%run_scoped3A : memref<!tpu.dma_semaphore, #tpu.memory_space<semaphore_mem>>) src(%dma_wait3A_149 : memref<16x144xf32, #tpu.memory_space<vmem_shared>>) dst(%dma_wait3A_146 : memref<16x144xf32, #tpu.memory_space<hbm>>)
        tpu.yield
      }) : () -> ()
    } else {
    }
    return
  }
}

#map = affine_map<(d0, d1) -> (0, 0)>
#map1 = affine_map<(d0, d1) -> (0)>
#map2 = affine_map<(d0, d1) -> (0, 0, 0)>
module attributes {stable_mosaic.version = 14 : i64} {
  func.func @_gat_edge_body(%arg0: i32, %arg1: i32, %arg2: memref<10000x144xf32, #tpu.memory_space<hbm>>, %arg3: memref<10000xf32, #tpu.memory_space<hbm>>, %arg4: memref<320000xi32, #tpu.memory_space<hbm>>, %arg5: memref<320000xi32, #tpu.memory_space<hbm>>, %arg6: memref<10000x144xf32, #tpu.memory_space<hbm>>, %arg7: memref<2x10000x144xf32, #tpu.memory_space<hbm>>, %arg8: memref<10000xf32, #tpu.memory_space<vmem>>, %arg9: memref<80xi32, #tpu.memory_space<vmem>>, %arg10: memref<80xi32, #tpu.memory_space<vmem>>, %arg11: memref<80xi32, #tpu.memory_space<vmem>>, %arg12: memref<80xi32, #tpu.memory_space<vmem>>, %arg13: memref<80x144xf32, #tpu.memory_space<vmem>>, %arg14: memref<80x144xf32, #tpu.memory_space<vmem>>, %arg15: memref<80xf32, #tpu.memory_space<vmem>>, %arg16: memref<10000x144xf32, #tpu.memory_space<vmem_shared>>, %arg17: memref<!tpu.dma_semaphore, #tpu.memory_space<semaphore_mem>>, %arg18: memref<!tpu.dma_semaphore, #tpu.memory_space<semaphore_mem>>, %arg19: memref<!tpu.dma_semaphore, #tpu.memory_space<semaphore_mem>>, %arg20: memref<!tpu.dma_semaphore, #tpu.memory_space<semaphore_mem>>) attributes {dimension_semantics = [#tpu.dimension_semantics<core_parallel>, #tpu.dimension_semantics<subcore_parallel>], iteration_bounds = array<i64: 2, 16>, scalar_prefetch = 0 : i64, scratch_operands = 13 : i64, tpu.core_type = #tpu.core_type<sc_vector_subcore>, window_params = [{transform_indices = #map}, {transform_indices = #map1}, {transform_indices = #map1}, {transform_indices = #map1}, {transform_indices = #map}, {transform_indices = #map2}]} {
    %mul3A = arith.constant 16 : i32
    %mul3A_0 = arith.muli %arg0, %mul3A : i32
    %add3A = arith.addi %mul3A_0, %arg1 : i32
    "tpu.region"() ({
      %run_scoped3A = tpu.sem_alloc : memref<!tpu.dma_semaphore, #tpu.memory_space<semaphore_mem>>
      tpu.enqueue_dma source(%arg3 : memref<10000xf32, #tpu.memory_space<hbm>>) target(%arg8 : memref<10000xf32, #tpu.memory_space<vmem>>) target_semaphore(%run_scoped3A : memref<!tpu.dma_semaphore, #tpu.memory_space<semaphore_mem>>)
      tpu.wait_dma2 semaphore(%run_scoped3A : memref<!tpu.dma_semaphore, #tpu.memory_space<semaphore_mem>>) src(%arg3 : memref<10000xf32, #tpu.memory_space<hbm>>) dst(%arg8 : memref<10000xf32, #tpu.memory_space<vmem>>)
      tpu.yield
    }) : () -> ()
    %mul3A_1 = arith.constant 624 : i32
    %mul3A_2 = arith.muli %arg1, %mul3A_1 : i32
    "tpu.region"() ({
      %run_scoped3A = tpu.sem_alloc : memref<!tpu.dma_semaphore, #tpu.memory_space<semaphore_mem>>
      %dma_start3A_136 = arith.constant 0 : i32
      %dma_start3A_137 = tpu.memref_slice %arg16[%mul3A_2, %dma_start3A_136] : memref<10000x144xf32, #tpu.memory_space<vmem_shared>> -> memref<624x144xf32, #tpu.memory_space<vmem_shared>>
      %dma_start3A_138 = arith.constant 0 : i32
      %dma_start3A_139 = tpu.memref_slice %arg6[%mul3A_2, %dma_start3A_138] : memref<10000x144xf32, #tpu.memory_space<hbm>> -> memref<624x144xf32, #tpu.memory_space<hbm>>
      tpu.enqueue_dma source(%dma_start3A_139 : memref<624x144xf32, #tpu.memory_space<hbm>>) target(%dma_start3A_137 : memref<624x144xf32, #tpu.memory_space<vmem_shared>>) target_semaphore(%run_scoped3A : memref<!tpu.dma_semaphore, #tpu.memory_space<semaphore_mem>>)
      %dma_wait3A_140 = arith.constant 0 : i32
      %dma_wait3A_141 = tpu.memref_slice %arg16[%mul3A_2, %dma_wait3A_140] : memref<10000x144xf32, #tpu.memory_space<vmem_shared>> -> memref<624x144xf32, #tpu.memory_space<vmem_shared>>
      %dma_wait3A_142 = arith.constant 0 : i32
      %dma_wait3A_143 = tpu.memref_slice %arg6[%mul3A_2, %dma_wait3A_142] : memref<10000x144xf32, #tpu.memory_space<hbm>> -> memref<624x144xf32, #tpu.memory_space<hbm>>
      tpu.wait_dma2 semaphore(%run_scoped3A : memref<!tpu.dma_semaphore, #tpu.memory_space<semaphore_mem>>) src(%dma_wait3A_143 : memref<624x144xf32, #tpu.memory_space<hbm>>) dst(%dma_wait3A_141 : memref<624x144xf32, #tpu.memory_space<vmem_shared>>)
      tpu.yield
    }) : () -> ()
    %eq3A = arith.constant 15 : i32
    %eq3A_3 = arith.cmpi eq, %arg1, %eq3A : i32
    %convert_element_type3A = arith.extui %eq3A_3 : i1 to i32
    %cond3A = arith.constant 0 : i32
    %cond3A_4 = arith.cmpi ne, %convert_element_type3A, %cond3A : i32
    scf.if %cond3A_4 {
      "tpu.region"() ({
        %run_scoped3A = tpu.sem_alloc : memref<!tpu.dma_semaphore, #tpu.memory_space<semaphore_mem>>
        %dma_start3A_136 = arith.constant 9984 : i32
        %dma_start3A_137 = arith.constant 0 : i32
        %dma_start3A_138 = tpu.memref_slice %arg16[%dma_start3A_136, %dma_start3A_137] : memref<10000x144xf32, #tpu.memory_space<vmem_shared>> -> memref<16x144xf32, #tpu.memory_space<vmem_shared>>
        %dma_start3A_139 = arith.constant 9984 : i32
        %dma_start3A_140 = arith.constant 0 : i32
        %dma_start3A_141 = tpu.memref_slice %arg6[%dma_start3A_139, %dma_start3A_140] : memref<10000x144xf32, #tpu.memory_space<hbm>> -> memref<16x144xf32, #tpu.memory_space<hbm>>
        tpu.enqueue_dma source(%dma_start3A_141 : memref<16x144xf32, #tpu.memory_space<hbm>>) target(%dma_start3A_138 : memref<16x144xf32, #tpu.memory_space<vmem_shared>>) target_semaphore(%run_scoped3A : memref<!tpu.dma_semaphore, #tpu.memory_space<semaphore_mem>>)
        %dma_wait3A_142 = arith.constant 9984 : i32
        %dma_wait3A_143 = arith.constant 0 : i32
        %dma_wait3A_144 = tpu.memref_slice %arg16[%dma_wait3A_142, %dma_wait3A_143] : memref<10000x144xf32, #tpu.memory_space<vmem_shared>> -> memref<16x144xf32, #tpu.memory_space<vmem_shared>>
        %dma_wait3A_145 = arith.constant 9984 : i32
        %dma_wait3A_146 = arith.constant 0 : i32
        %dma_wait3A_147 = tpu.memref_slice %arg6[%dma_wait3A_145, %dma_wait3A_146] : memref<10000x144xf32, #tpu.memory_space<hbm>> -> memref<16x144xf32, #tpu.memory_space<hbm>>
        tpu.wait_dma2 semaphore(%run_scoped3A : memref<!tpu.dma_semaphore, #tpu.memory_space<semaphore_mem>>) src(%dma_wait3A_147 : memref<16x144xf32, #tpu.memory_space<hbm>>) dst(%dma_wait3A_144 : memref<16x144xf32, #tpu.memory_space<vmem_shared>>)
        tpu.yield
      }) : () -> ()
    } else {
    }
    %barrier3A = arith.constant 0 : index
    tpu.barrier barrier_id(%barrier3A)
    %mul3A_5 = arith.constant 10000 : i32
    %mul3A_6 = arith.muli %add3A, %mul3A_5 : i32
    %add3A_7 = arith.constant 0 : i32
    %add3A_8 = arith.addi %mul3A_6, %add3A_7 : i32
    "tpu.region"() ({
      %run_scoped3A = tpu.sem_alloc : memref<!tpu.dma_semaphore, #tpu.memory_space<semaphore_mem>>
      %dma_start3A_136 = tpu.memref_slice %arg4[%add3A_8] : memref<320000xi32, #tpu.memory_space<hbm>> -> memref<80xi32, #tpu.memory_space<hbm>>
      %dma_start3A_137 = tpu.memref_slice %arg4[%add3A_8] : memref<320000xi32, #tpu.memory_space<hbm>> -> memref<80xi32, #tpu.memory_space<hbm>>
      tpu.enqueue_dma source(%dma_start3A_137 : memref<80xi32, #tpu.memory_space<hbm>>) target(%arg9 : memref<80xi32, #tpu.memory_space<vmem>>) target_semaphore(%run_scoped3A : memref<!tpu.dma_semaphore, #tpu.memory_space<semaphore_mem>>)
      %dma_wait3A_138 = tpu.memref_slice %arg4[%add3A_8] : memref<320000xi32, #tpu.memory_space<hbm>> -> memref<80xi32, #tpu.memory_space<hbm>>
      %dma_wait3A_139 = tpu.memref_slice %arg4[%add3A_8] : memref<320000xi32, #tpu.memory_space<hbm>> -> memref<80xi32, #tpu.memory_space<hbm>>
      tpu.wait_dma2 semaphore(%run_scoped3A : memref<!tpu.dma_semaphore, #tpu.memory_space<semaphore_mem>>) src(%dma_wait3A_139 : memref<80xi32, #tpu.memory_space<hbm>>) dst(%arg9 : memref<80xi32, #tpu.memory_space<vmem>>)
      tpu.yield
    }) : () -> ()
    "tpu.region"() ({
      %run_scoped3A = tpu.sem_alloc : memref<!tpu.dma_semaphore, #tpu.memory_space<semaphore_mem>>
      %dma_start3A_136 = tpu.memref_slice %arg5[%add3A_8] : memref<320000xi32, #tpu.memory_space<hbm>> -> memref<80xi32, #tpu.memory_space<hbm>>
      %dma_start3A_137 = tpu.memref_slice %arg5[%add3A_8] : memref<320000xi32, #tpu.memory_space<hbm>> -> memref<80xi32, #tpu.memory_space<hbm>>
      tpu.enqueue_dma source(%dma_start3A_137 : memref<80xi32, #tpu.memory_space<hbm>>) target(%arg10 : memref<80xi32, #tpu.memory_space<vmem>>) target_semaphore(%run_scoped3A : memref<!tpu.dma_semaphore, #tpu.memory_space<semaphore_mem>>)
      %dma_wait3A_138 = tpu.memref_slice %arg5[%add3A_8] : memref<320000xi32, #tpu.memory_space<hbm>> -> memref<80xi32, #tpu.memory_space<hbm>>
      %dma_wait3A_139 = tpu.memref_slice %arg5[%add3A_8] : memref<320000xi32, #tpu.memory_space<hbm>> -> memref<80xi32, #tpu.memory_space<hbm>>
      tpu.wait_dma2 semaphore(%run_scoped3A : memref<!tpu.dma_semaphore, #tpu.memory_space<semaphore_mem>>) src(%dma_wait3A_139 : memref<80xi32, #tpu.memory_space<hbm>>) dst(%arg10 : memref<80xi32, #tpu.memory_space<vmem>>)
      tpu.yield
    }) : () -> ()
    %dma_start3A = arith.constant 0 : i32
    %dma_start3A_9 = arith.constant 0 : i32
    %dma_start3A_10 = tpu.memref_slice %arg2[%dma_start3A, %dma_start3A_9] : memref<10000x144xf32, #tpu.memory_space<hbm>> -> memref<10000x144xf32, #tpu.memory_space<hbm>>
    tpu.enqueue_indirect_dma source(%dma_start3A_10 : memref<10000x144xf32, #tpu.memory_space<hbm>>) target(%arg13 : memref<80x144xf32, #tpu.memory_space<vmem>>) offsets(%arg9 : memref<80xi32, #tpu.memory_space<vmem>>) semaphore(%arg17 : memref<!tpu.dma_semaphore, #tpu.memory_space<semaphore_mem>>)
    %mul3A_11 = arith.constant 10000 : i32
    %mul3A_12 = arith.muli %add3A, %mul3A_11 : i32
    %add3A_13 = arith.constant 80 : i32
    %add3A_14 = arith.addi %mul3A_12, %add3A_13 : i32
    "tpu.region"() ({
      %run_scoped3A = tpu.sem_alloc : memref<!tpu.dma_semaphore, #tpu.memory_space<semaphore_mem>>
      %dma_start3A_136 = tpu.memref_slice %arg4[%add3A_14] : memref<320000xi32, #tpu.memory_space<hbm>> -> memref<80xi32, #tpu.memory_space<hbm>>
      %dma_start3A_137 = tpu.memref_slice %arg4[%add3A_14] : memref<320000xi32, #tpu.memory_space<hbm>> -> memref<80xi32, #tpu.memory_space<hbm>>
      tpu.enqueue_dma source(%dma_start3A_137 : memref<80xi32, #tpu.memory_space<hbm>>) target(%arg11 : memref<80xi32, #tpu.memory_space<vmem>>) target_semaphore(%run_scoped3A : memref<!tpu.dma_semaphore, #tpu.memory_space<semaphore_mem>>)
      %dma_wait3A_138 = tpu.memref_slice %arg4[%add3A_14] : memref<320000xi32, #tpu.memory_space<hbm>> -> memref<80xi32, #tpu.memory_space<hbm>>
      %dma_wait3A_139 = tpu.memref_slice %arg4[%add3A_14] : memref<320000xi32, #tpu.memory_space<hbm>> -> memref<80xi32, #tpu.memory_space<hbm>>
      tpu.wait_dma2 semaphore(%run_scoped3A : memref<!tpu.dma_semaphore, #tpu.memory_space<semaphore_mem>>) src(%dma_wait3A_139 : memref<80xi32, #tpu.memory_space<hbm>>) dst(%arg11 : memref<80xi32, #tpu.memory_space<vmem>>)
      tpu.yield
    }) : () -> ()
    "tpu.region"() ({
      %run_scoped3A = tpu.sem_alloc : memref<!tpu.dma_semaphore, #tpu.memory_space<semaphore_mem>>
      %dma_start3A_136 = tpu.memref_slice %arg5[%add3A_14] : memref<320000xi32, #tpu.memory_space<hbm>> -> memref<80xi32, #tpu.memory_space<hbm>>
      %dma_start3A_137 = tpu.memref_slice %arg5[%add3A_14] : memref<320000xi32, #tpu.memory_space<hbm>> -> memref<80xi32, #tpu.memory_space<hbm>>
      tpu.enqueue_dma source(%dma_start3A_137 : memref<80xi32, #tpu.memory_space<hbm>>) target(%arg12 : memref<80xi32, #tpu.memory_space<vmem>>) target_semaphore(%run_scoped3A : memref<!tpu.dma_semaphore, #tpu.memory_space<semaphore_mem>>)
      %dma_wait3A_138 = tpu.memref_slice %arg5[%add3A_14] : memref<320000xi32, #tpu.memory_space<hbm>> -> memref<80xi32, #tpu.memory_space<hbm>>
      %dma_wait3A_139 = tpu.memref_slice %arg5[%add3A_14] : memref<320000xi32, #tpu.memory_space<hbm>> -> memref<80xi32, #tpu.memory_space<hbm>>
      tpu.wait_dma2 semaphore(%run_scoped3A : memref<!tpu.dma_semaphore, #tpu.memory_space<semaphore_mem>>) src(%dma_wait3A_139 : memref<80xi32, #tpu.memory_space<hbm>>) dst(%arg12 : memref<80xi32, #tpu.memory_space<vmem>>)
      tpu.yield
    }) : () -> ()
    %dma_start3A_15 = arith.constant 0 : i32
    %dma_start3A_16 = arith.constant 0 : i32
    %dma_start3A_17 = tpu.memref_slice %arg2[%dma_start3A_15, %dma_start3A_16] : memref<10000x144xf32, #tpu.memory_space<hbm>> -> memref<10000x144xf32, #tpu.memory_space<hbm>>
    tpu.enqueue_indirect_dma source(%dma_start3A_17 : memref<10000x144xf32, #tpu.memory_space<hbm>>) target(%arg14 : memref<80x144xf32, #tpu.memory_space<vmem>>) offsets(%arg11 : memref<80xi32, #tpu.memory_space<vmem>>) semaphore(%arg18 : memref<!tpu.dma_semaphore, #tpu.memory_space<semaphore_mem>>)
    %scan3A = arith.constant 0 : i32
    %scan3A_18 = arith.constant 0 : i32
    %scan3A_19 = arith.constant 62 : i32
    %scan3A_20 = arith.addi %scan3A_18, %scan3A_19 : i32
    %scan3A_21 = arith.constant 1 : i32
    %scan3A_22 = scf.for %scan3A_136 = %scan3A_18 to %scan3A_20 step %scan3A_21 iter_args(%scan3A_137 = %scan3A) -> (i32)  : i32 {
      %mul3A_138 = arith.constant 2 : i32
      %mul3A_139 = arith.muli %mul3A_138, %scan3A_136 : i32
      %dma_wait3A_140 = arith.constant 0 : i32
      %dma_wait3A_141 = arith.constant 0 : i32
      %dma_wait3A_142 = tpu.memref_slice %arg2[%dma_wait3A_140, %dma_wait3A_141] : memref<10000x144xf32, #tpu.memory_space<hbm>> -> memref<10000x144xf32, #tpu.memory_space<hbm>>
      tpu.wait_indirect_dma semaphore(%arg17 : memref<!tpu.dma_semaphore, #tpu.memory_space<semaphore_mem>>) src(%dma_wait3A_142 : memref<10000x144xf32, #tpu.memory_space<hbm>>) dst(%arg13 : memref<80x144xf32, #tpu.memory_space<vmem>>)
      %iota3A_143 = tpu.iota {dimensions = array<i32: 0>} : vector<16xi32>
      %broadcast_in_dim3A_144 = arith.constant 0 : i32
      %broadcast_in_dim3A_145 = vector.broadcast %broadcast_in_dim3A_144 : i32 to vector<16xi32>
      %add3A_146 = arith.constant 129 : i32
      %add3A_147 = vector.broadcast %add3A_146 : i32 to vector<16xi32>
      %add3A_148 = arith.addi %broadcast_in_dim3A_145, %add3A_147 : vector<16xi32>
      %get3A_149 = arith.constant 0 : index
      %get3A_150 = tpu.vector_load %arg10[%get3A_149] {strides = array<i32>} : memref<80xi32, #tpu.memory_space<vmem>>, vector<16xi32>,
      %add3A_151 = arith.constant 0 : i32
      %add3A_152 = vector.broadcast %add3A_151 : i32 to vector<16xi32>
      %add3A_153 = arith.addi %iota3A_143, %add3A_152 : vector<16xi32>
      %gather3A_154 = tpu.vector_load_idx %arg13[%add3A_153, %add3A_148] : memref<80x144xf32, #tpu.memory_space<vmem>>[vector<16xi32>, vector<16xi32>], vector<16xf32>,
      %gather3A_155 = tpu.vector_load_idx %arg8[%get3A_150] : memref<10000xf32, #tpu.memory_space<vmem>>[vector<16xi32>], vector<16xf32>,
      %add3A_156 = arith.addf %gather3A_154, %gather3A_155 : vector<16xf32>
      %ge3A_157 = arith.constant 0.000000e+00 : f32
      %ge3A_158 = vector.broadcast %ge3A_157 : f32 to vector<16xf32>
      %ge3A_159 = arith.cmpf oge, %add3A_156, %ge3A_158 : vector<16xf32>
      %mul3A_160 = arith.constant 2.000000e-01 : f32
      %mul3A_161 = vector.broadcast %mul3A_160 : f32 to vector<16xf32>
      %mul3A_162 = arith.mulf %mul3A_161, %add3A_156 : vector<16xf32>
      %select_n3A_163 = arith.select %ge3A_159, %add3A_156, %mul3A_162 : vector<16xi1>, vector<16xf32>
      %exp3A_164 = math.exp %select_n3A_163 : vector<16xf32>
      %swap3A_165 = arith.constant 0 : index
      %swap3A_166 = tpu.vector_load %arg15[%swap3A_165] {strides = array<i32>} : memref<80xf32, #tpu.memory_space<vmem>>, vector<16xf32>,
      tpu.vector_store %arg15[%swap3A_165], %exp3A_164 {strides = array<i32>} : memref<80xf32, #tpu.memory_space<vmem>>, vector<16xf32>,
      %get3A_167 = arith.constant 16 : index
      %get3A_168 = tpu.vector_load %arg10[%get3A_167] {strides = array<i32>} : memref<80xi32, #tpu.memory_space<vmem>>, vector<16xi32>,
      %add3A_169 = arith.constant 16 : i32
      %add3A_170 = vector.broadcast %add3A_169 : i32 to vector<16xi32>
      %add3A_171 = arith.addi %iota3A_143, %add3A_170 : vector<16xi32>
      %gather3A_172 = tpu.vector_load_idx %arg13[%add3A_171, %add3A_148] : memref<80x144xf32, #tpu.memory_space<vmem>>[vector<16xi32>, vector<16xi32>], vector<16xf32>,
      %gather3A_173 = tpu.vector_load_idx %arg8[%get3A_168] : memref<10000xf32, #tpu.memory_space<vmem>>[vector<16xi32>], vector<16xf32>,
      %add3A_174 = arith.addf %gather3A_172, %gather3A_173 : vector<16xf32>
      %ge3A_175 = arith.constant 0.000000e+00 : f32
      %ge3A_176 = vector.broadcast %ge3A_175 : f32 to vector<16xf32>
      %ge3A_177 = arith.cmpf oge, %add3A_174, %ge3A_176 : vector<16xf32>
      %mul3A_178 = arith.constant 2.000000e-01 : f32
      %mul3A_179 = vector.broadcast %mul3A_178 : f32 to vector<16xf32>
      %mul3A_180 = arith.mulf %mul3A_179, %add3A_174 : vector<16xf32>
      %select_n3A_181 = arith.select %ge3A_177, %add3A_174, %mul3A_180 : vector<16xi1>, vector<16xf32>
      %exp3A_182 = math.exp %select_n3A_181 : vector<16xf32>
      %swap3A_183 = arith.constant 16 : index
      %swap3A_184 = tpu.vector_load %arg15[%swap3A_183] {strides = array<i32>} : memref<80xf32, #tpu.memory_space<vmem>>, vector<16xf32>,
      tpu.vector_store %arg15[%swap3A_183], %exp3A_182 {strides = array<i32>} : memref<80xf32, #tpu.memory_space<vmem>>, vector<16xf32>,
      %get3A_185 = arith.constant 32 : index
      %get3A_186 = tpu.vector_load %arg10[%get3A_185] {strides = array<i32>} : memref<80xi32, #tpu.memory_space<vmem>>, vector<16xi32>,
      %add3A_187 = arith.constant 32 : i32
      %add3A_188 = vector.broadcast %add3A_187 : i32 to vector<16xi32>
      %add3A_189 = arith.addi %iota3A_143, %add3A_188 : vector<16xi32>
      %gather3A_190 = tpu.vector_load_idx %arg13[%add3A_189, %add3A_148] : memref<80x144xf32, #tpu.memory_space<vmem>>[vector<16xi32>, vector<16xi32>], vector<16xf32>,
      %gather3A_191 = tpu.vector_load_idx %arg8[%get3A_186] : memref<10000xf32, #tpu.memory_space<vmem>>[vector<16xi32>], vector<16xf32>,
      %add3A_192 = arith.addf %gather3A_190, %gather3A_191 : vector<16xf32>
      %ge3A_193 = arith.constant 0.000000e+00 : f32
      %ge3A_194 = vector.broadcast %ge3A_193 : f32 to vector<16xf32>
      %ge3A_195 = arith.cmpf oge, %add3A_192, %ge3A_194 : vector<16xf32>
      %mul3A_196 = arith.constant 2.000000e-01 : f32
      %mul3A_197 = vector.broadcast %mul3A_196 : f32 to vector<16xf32>
      %mul3A_198 = arith.mulf %mul3A_197, %add3A_192 : vector<16xf32>
      %select_n3A_199 = arith.select %ge3A_195, %add3A_192, %mul3A_198 : vector<16xi1>, vector<16xf32>
      %exp3A_200 = math.exp %select_n3A_199 : vector<16xf32>
      %swap3A_201 = arith.constant 32 : index
      %swap3A_202 = tpu.vector_load %arg15[%swap3A_201] {strides = array<i32>} : memref<80xf32, #tpu.memory_space<vmem>>, vector<16xf32>,
      tpu.vector_store %arg15[%swap3A_201], %exp3A_200 {strides = array<i32>} : memref<80xf32, #tpu.memory_space<vmem>>, vector<16xf32>,
      %get3A_203 = arith.constant 48 : index
      %get3A_204 = tpu.vector_load %arg10[%get3A_203] {strides = array<i32>} : memref<80xi32, #tpu.memory_space<vmem>>, vector<16xi32>,
      %add3A_205 = arith.constant 48 : i32
      %add3A_206 = vector.broadcast %add3A_205 : i32 to vector<16xi32>
      %add3A_207 = arith.addi %iota3A_143, %add3A_206 : vector<16xi32>
      %gather3A_208 = tpu.vector_load_idx %arg13[%add3A_207, %add3A_148] : memref<80x144xf32, #tpu.memory_space<vmem>>[vector<16xi32>, vector<16xi32>], vector<16xf32>,
      %gather3A_209 = tpu.vector_load_idx %arg8[%get3A_204] : memref<10000xf32, #tpu.memory_space<vmem>>[vector<16xi32>], vector<16xf32>,
      %add3A_210 = arith.addf %gather3A_208, %gather3A_209 : vector<16xf32>
      %ge3A_211 = arith.constant 0.000000e+00 : f32
      %ge3A_212 = vector.broadcast %ge3A_211 : f32 to vector<16xf32>
      %ge3A_213 = arith.cmpf oge, %add3A_210, %ge3A_212 : vector<16xf32>
      %mul3A_214 = arith.constant 2.000000e-01 : f32
      %mul3A_215 = vector.broadcast %mul3A_214 : f32 to vector<16xf32>
      %mul3A_216 = arith.mulf %mul3A_215, %add3A_210 : vector<16xf32>
      %select_n3A_217 = arith.select %ge3A_213, %add3A_210, %mul3A_216 : vector<16xi1>, vector<16xf32>
      %exp3A_218 = math.exp %select_n3A_217 : vector<16xf32>
      %swap3A_219 = arith.constant 48 : index
      %swap3A_220 = tpu.vector_load %arg15[%swap3A_219] {strides = array<i32>} : memref<80xf32, #tpu.memory_space<vmem>>, vector<16xf32>,
      tpu.vector_store %arg15[%swap3A_219], %exp3A_218 {strides = array<i32>} : memref<80xf32, #tpu.memory_space<vmem>>, vector<16xf32>,
      %get3A_221 = arith.constant 64 : index
      %get3A_222 = tpu.vector_load %arg10[%get3A_221] {strides = array<i32>} : memref<80xi32, #tpu.memory_space<vmem>>, vector<16xi32>,
      %add3A_223 = arith.constant 64 : i32
      %add3A_224 = vector.broadcast %add3A_223 : i32 to vector<16xi32>
      %add3A_225 = arith.addi %iota3A_143, %add3A_224 : vector<16xi32>
      %gather3A_226 = tpu.vector_load_idx %arg13[%add3A_225, %add3A_148] : memref<80x144xf32, #tpu.memory_space<vmem>>[vector<16xi32>, vector<16xi32>], vector<16xf32>,
      %gather3A_227 = tpu.vector_load_idx %arg8[%get3A_222] : memref<10000xf32, #tpu.memory_space<vmem>>[vector<16xi32>], vector<16xf32>,
      %add3A_228 = arith.addf %gather3A_226, %gather3A_227 : vector<16xf32>
      %ge3A_229 = arith.constant 0.000000e+00 : f32
      %ge3A_230 = vector.broadcast %ge3A_229 : f32 to vector<16xf32>
      %ge3A_231 = arith.cmpf oge, %add3A_228, %ge3A_230 : vector<16xf32>
      %mul3A_232 = arith.constant 2.000000e-01 : f32
      %mul3A_233 = vector.broadcast %mul3A_232 : f32 to vector<16xf32>
      %mul3A_234 = arith.mulf %mul3A_233, %add3A_228 : vector<16xf32>
      %select_n3A_235 = arith.select %ge3A_231, %add3A_228, %mul3A_234 : vector<16xi1>, vector<16xf32>
      %exp3A_236 = math.exp %select_n3A_235 : vector<16xf32>
      %swap3A_237 = arith.constant 64 : index
      %swap3A_238 = tpu.vector_load %arg15[%swap3A_237] {strides = array<i32>} : memref<80xf32, #tpu.memory_space<vmem>>, vector<16xf32>,
      tpu.vector_store %arg15[%swap3A_237], %exp3A_236 {strides = array<i32>} : memref<80xf32, #tpu.memory_space<vmem>>, vector<16xf32>,
      %scan3A_239 = arith.constant 0 : i32
      %scan3A_240 = arith.constant 0 : i32
      %scan3A_241 = arith.constant 80 : i32
      %scan3A_242 = arith.addi %scan3A_240, %scan3A_241 : i32
      %scan3A_243 = arith.constant 1 : i32
      %scan3A_244 = scf.for %scan3A_376 = %scan3A_240 to %scan3A_242 step %scan3A_243 iter_args(%scan3A_377 = %scan3A_239) -> (i32)  : i32 {
        %broadcast_in_dim3A_378 = arith.constant 0 : i32
        %broadcast_in_dim3A_379 = vector.broadcast %broadcast_in_dim3A_378 : i32 to vector<16xi32>
        %add3A_380 = vector.broadcast %scan3A_376 : i32 to vector<16xi32>
        %add3A_381 = arith.addi %broadcast_in_dim3A_379, %add3A_380 : vector<16xi32>
        %gather3A_382 = tpu.vector_load_idx %arg15[%add3A_381] : memref<80xf32, #tpu.memory_space<vmem>>[vector<16xi32>], vector<16xf32>,
        %get3A_383 = arith.index_cast %scan3A_376 : i32 to index
        %get3A_384 = arith.constant 0 : index
        %get3A_385 = tpu.vector_load %arg13[%get3A_383, %get3A_384] {strides = array<i32>} : memref<80x144xf32, #tpu.memory_space<vmem>>, vector<16xf32>,
        %mul3A_386 = arith.mulf %get3A_385, %gather3A_382 : vector<16xf32>
        %swap3A_387 = arith.index_cast %scan3A_376 : i32 to index
        %swap3A_388 = arith.constant 0 : index
        %swap3A_389 = tpu.vector_load %arg13[%swap3A_387, %swap3A_388] {strides = array<i32>} : memref<80x144xf32, #tpu.memory_space<vmem>>, vector<16xf32>,
        tpu.vector_store %arg13[%swap3A_387, %swap3A_388], %mul3A_386 {strides = array<i32>} : memref<80x144xf32, #tpu.memory_space<vmem>>, vector<16xf32>,
        %get3A_390 = arith.index_cast %scan3A_376 : i32 to index
        %get3A_391 = arith.constant 16 : index
        %get3A_392 = tpu.vector_load %arg13[%get3A_390, %get3A_391] {strides = array<i32>} : memref<80x144xf32, #tpu.memory_space<vmem>>, vector<16xf32>,
        %mul3A_393 = arith.mulf %get3A_392, %gather3A_382 : vector<16xf32>
        %swap3A_394 = arith.index_cast %scan3A_376 : i32 to index
        %swap3A_395 = arith.constant 16 : index
        %swap3A_396 = tpu.vector_load %arg13[%swap3A_394, %swap3A_395] {strides = array<i32>} : memref<80x144xf32, #tpu.memory_space<vmem>>, vector<16xf32>,
        tpu.vector_store %arg13[%swap3A_394, %swap3A_395], %mul3A_393 {strides = array<i32>} : memref<80x144xf32, #tpu.memory_space<vmem>>, vector<16xf32>,
        %get3A_397 = arith.index_cast %scan3A_376 : i32 to index
        %get3A_398 = arith.constant 32 : index
        %get3A_399 = tpu.vector_load %arg13[%get3A_397, %get3A_398] {strides = array<i32>} : memref<80x144xf32, #tpu.memory_space<vmem>>, vector<16xf32>,
        %mul3A_400 = arith.mulf %get3A_399, %gather3A_382 : vector<16xf32>
        %swap3A_401 = arith.index_cast %scan3A_376 : i32 to index
        %swap3A_402 = arith.constant 32 : index
        %swap3A_403 = tpu.vector_load %arg13[%swap3A_401, %swap3A_402] {strides = array<i32>} : memref<80x144xf32, #tpu.memory_space<vmem>>, vector<16xf32>,
        tpu.vector_store %arg13[%swap3A_401, %swap3A_402], %mul3A_400 {strides = array<i32>} : memref<80x144xf32, #tpu.memory_space<vmem>>, vector<16xf32>,
        %get3A_404 = arith.index_cast %scan3A_376 : i32 to index
        %get3A_405 = arith.constant 48 : index
        %get3A_406 = tpu.vector_load %arg13[%get3A_404, %get3A_405] {strides = array<i32>} : memref<80x144xf32, #tpu.memory_space<vmem>>, vector<16xf32>,
        %mul3A_407 = arith.mulf %get3A_406, %gather3A_382 : vector<16xf32>
        %swap3A_408 = arith.index_cast %scan3A_376 : i32 to index
        %swap3A_409 = arith.constant 48 : index
        %swap3A_410 = tpu.vector_load %arg13[%swap3A_408, %swap3A_409] {strides = array<i32>} : memref<80x144xf32, #tpu.memory_space<vmem>>, vector<16xf32>,
        tpu.vector_store %arg13[%swap3A_408, %swap3A_409], %mul3A_407 {strides = array<i32>} : memref<80x144xf32, #tpu.memory_space<vmem>>, vector<16xf32>,
        %get3A_411 = arith.index_cast %scan3A_376 : i32 to index
        %get3A_412 = arith.constant 64 : index
        %get3A_413 = tpu.vector_load %arg13[%get3A_411, %get3A_412] {strides = array<i32>} : memref<80x144xf32, #tpu.memory_space<vmem>>, vector<16xf32>,
        %mul3A_414 = arith.mulf %get3A_413, %gather3A_382 : vector<16xf32>
        %swap3A_415 = arith.index_cast %scan3A_376 : i32 to index
        %swap3A_416 = arith.constant 64 : index
        %swap3A_417 = tpu.vector_load %arg13[%swap3A_415, %swap3A_416] {strides = array<i32>} : memref<80x144xf32, #tpu.memory_space<vmem>>, vector<16xf32>,
        tpu.vector_store %arg13[%swap3A_415, %swap3A_416], %mul3A_414 {strides = array<i32>} : memref<80x144xf32, #tpu.memory_space<vmem>>, vector<16xf32>,
        %get3A_418 = arith.index_cast %scan3A_376 : i32 to index
        %get3A_419 = arith.constant 80 : index
        %get3A_420 = tpu.vector_load %arg13[%get3A_418, %get3A_419] {strides = array<i32>} : memref<80x144xf32, #tpu.memory_space<vmem>>, vector<16xf32>,
        %mul3A_421 = arith.mulf %get3A_420, %gather3A_382 : vector<16xf32>
        %swap3A_422 = arith.index_cast %scan3A_376 : i32 to index
        %swap3A_423 = arith.constant 80 : index
        %swap3A_424 = tpu.vector_load %arg13[%swap3A_422, %swap3A_423] {strides = array<i32>} : memref<80x144xf32, #tpu.memory_space<vmem>>, vector<16xf32>,
        tpu.vector_store %arg13[%swap3A_422, %swap3A_423], %mul3A_421 {strides = array<i32>} : memref<80x144xf32, #tpu.memory_space<vmem>>, vector<16xf32>,
        %get3A_425 = arith.index_cast %scan3A_376 : i32 to index
        %get3A_426 = arith.constant 96 : index
        %get3A_427 = tpu.vector_load %arg13[%get3A_425, %get3A_426] {strides = array<i32>} : memref<80x144xf32, #tpu.memory_space<vmem>>, vector<16xf32>,
        %mul3A_428 = arith.mulf %get3A_427, %gather3A_382 : vector<16xf32>
        %swap3A_429 = arith.index_cast %scan3A_376 : i32 to index
        %swap3A_430 = arith.constant 96 : index
        %swap3A_431 = tpu.vector_load %arg13[%swap3A_429, %swap3A_430] {strides = array<i32>} : memref<80x144xf32, #tpu.memory_space<vmem>>, vector<16xf32>,
        tpu.vector_store %arg13[%swap3A_429, %swap3A_430], %mul3A_428 {strides = array<i32>} : memref<80x144xf32, #tpu.memory_space<vmem>>, vector<16xf32>,
        %get3A_432 = arith.index_cast %scan3A_376 : i32 to index
        %get3A_433 = arith.constant 112 : index
        %get3A_434 = tpu.vector_load %arg13[%get3A_432, %get3A_433] {strides = array<i32>} : memref<80x144xf32, #tpu.memory_space<vmem>>, vector<16xf32>,
        %mul3A_435 = arith.mulf %get3A_434, %gather3A_382 : vector<16xf32>
        %swap3A_436 = arith.index_cast %scan3A_376 : i32 to index
        %swap3A_437 = arith.constant 112 : index
        %swap3A_438 = tpu.vector_load %arg13[%swap3A_436, %swap3A_437] {strides = array<i32>} : memref<80x144xf32, #tpu.memory_space<vmem>>, vector<16xf32>,
        tpu.vector_store %arg13[%swap3A_436, %swap3A_437], %mul3A_435 {strides = array<i32>} : memref<80x144xf32, #tpu.memory_space<vmem>>, vector<16xf32>,
        %get3A_439 = arith.index_cast %scan3A_376 : i32 to index
        %get3A_440 = arith.constant 128 : index
        %get3A_441 = tpu.vector_load %arg13[%get3A_439, %get3A_440] {strides = array<i32>} : memref<80x144xf32, #tpu.memory_space<vmem>>, vector<16xf32>,
        %mul3A_442 = arith.mulf %get3A_441, %gather3A_382 : vector<16xf32>
        %swap3A_443 = arith.index_cast %scan3A_376 : i32 to index
        %swap3A_444 = arith.constant 128 : index
        %swap3A_445 = tpu.vector_load %arg13[%swap3A_443, %swap3A_444] {strides = array<i32>} : memref<80x144xf32, #tpu.memory_space<vmem>>, vector<16xf32>,
        tpu.vector_store %arg13[%swap3A_443, %swap3A_444], %mul3A_442 {strides = array<i32>} : memref<80x144xf32, #tpu.memory_space<vmem>>, vector<16xf32>,
        %scan3A_446 = arith.constant 0 : i32
        scf.yield %scan3A_446 : i32
      }
      %scan3A_245 = arith.constant 80 : i32
      %dma_start3A_246 = arith.constant 0 : i32
      %dma_start3A_247 = arith.constant 0 : i32
      %dma_start3A_248 = tpu.memref_slice %arg16[%dma_start3A_246, %dma_start3A_247] : memref<10000x144xf32, #tpu.memory_space<vmem_shared>> -> memref<10000x144xf32, #tpu.memory_space<vmem_shared>>
      tpu.enqueue_indirect_dma source(%arg13 : memref<80x144xf32, #tpu.memory_space<vmem>>) target(%dma_start3A_248 : memref<10000x144xf32, #tpu.memory_space<vmem_shared>>) offsets(%arg10 : memref<80xi32, #tpu.memory_space<vmem>>) semaphore(%arg19 : memref<!tpu.dma_semaphore, #tpu.memory_space<semaphore_mem>>) {add = true}
      %dma_wait3A_249 = arith.constant 0 : i32
      %dma_wait3A_250 = arith.constant 0 : i32
      %dma_wait3A_251 = tpu.memref_slice %arg2[%dma_wait3A_249, %dma_wait3A_250] : memref<10000x144xf32, #tpu.memory_space<hbm>> -> memref<10000x144xf32, #tpu.memory_space<hbm>>
      tpu.wait_indirect_dma semaphore(%arg18 : memref<!tpu.dma_semaphore, #tpu.memory_space<semaphore_mem>>) src(%dma_wait3A_251 : memref<10000x144xf32, #tpu.memory_space<hbm>>) dst(%arg14 : memref<80x144xf32, #tpu.memory_space<vmem>>)
      %iota3A_252 = tpu.iota {dimensions = array<i32: 0>} : vector<16xi32>
      %broadcast_in_dim3A_253 = arith.constant 0 : i32
      %broadcast_in_dim3A_254 = vector.broadcast %broadcast_in_dim3A_253 : i32 to vector<16xi32>
      %add3A_255 = arith.constant 129 : i32
      %add3A_256 = vector.broadcast %add3A_255 : i32 to vector<16xi32>
      %add3A_257 = arith.addi %broadcast_in_dim3A_254, %add3A_256 : vector<16xi32>
      %get3A_258 = arith.constant 0 : index
      %get3A_259 = tpu.vector_load %arg12[%get3A_258] {strides = array<i32>} : memref<80xi32, #tpu.memory_space<vmem>>, vector<16xi32>,
      %add3A_260 = arith.constant 0 : i32
      %add3A_261 = vector.broadcast %add3A_260 : i32 to vector<16xi32>
      %add3A_262 = arith.addi %iota3A_252, %add3A_261 : vector<16xi32>
      %gather3A_263 = tpu.vector_load_idx %arg14[%add3A_262, %add3A_257] : memref<80x144xf32, #tpu.memory_space<vmem>>[vector<16xi32>, vector<16xi32>], vector<16xf32>,
      %gather3A_264 = tpu.vector_load_idx %arg8[%get3A_259] : memref<10000xf32, #tpu.memory_space<vmem>>[vector<16xi32>], vector<16xf32>,
      %add3A_265 = arith.addf %gather3A_263, %gather3A_264 : vector<16xf32>
      %ge3A_266 = arith.constant 0.000000e+00 : f32
      %ge3A_267 = vector.broadcast %ge3A_266 : f32 to vector<16xf32>
      %ge3A_268 = arith.cmpf oge, %add3A_265, %ge3A_267 : vector<16xf32>
      %mul3A_269 = arith.constant 2.000000e-01 : f32
      %mul3A_270 = vector.broadcast %mul3A_269 : f32 to vector<16xf32>
      %mul3A_271 = arith.mulf %mul3A_270, %add3A_265 : vector<16xf32>
      %select_n3A_272 = arith.select %ge3A_268, %add3A_265, %mul3A_271 : vector<16xi1>, vector<16xf32>
      %exp3A_273 = math.exp %select_n3A_272 : vector<16xf32>
      %swap3A_274 = arith.constant 0 : index
      %swap3A_275 = tpu.vector_load %arg15[%swap3A_274] {strides = array<i32>} : memref<80xf32, #tpu.memory_space<vmem>>, vector<16xf32>,
      tpu.vector_store %arg15[%swap3A_274], %exp3A_273 {strides = array<i32>} : memref<80xf32, #tpu.memory_space<vmem>>, vector<16xf32>,
      %get3A_276 = arith.constant 16 : index
      %get3A_277 = tpu.vector_load %arg12[%get3A_276] {strides = array<i32>} : memref<80xi32, #tpu.memory_space<vmem>>, vector<16xi32>,
      %add3A_278 = arith.constant 16 : i32
      %add3A_279 = vector.broadcast %add3A_278 : i32 to vector<16xi32>
      %add3A_280 = arith.addi %iota3A_252, %add3A_279 : vector<16xi32>
      %gather3A_281 = tpu.vector_load_idx %arg14[%add3A_280, %add3A_257] : memref<80x144xf32, #tpu.memory_space<vmem>>[vector<16xi32>, vector<16xi32>], vector<16xf32>,
      %gather3A_282 = tpu.vector_load_idx %arg8[%get3A_277] : memref<10000xf32, #tpu.memory_space<vmem>>[vector<16xi32>], vector<16xf32>,
      %add3A_283 = arith.addf %gather3A_281, %gather3A_282 : vector<16xf32>
      %ge3A_284 = arith.constant 0.000000e+00 : f32
      %ge3A_285 = vector.broadcast %ge3A_284 : f32 to vector<16xf32>
      %ge3A_286 = arith.cmpf oge, %add3A_283, %ge3A_285 : vector<16xf32>
      %mul3A_287 = arith.constant 2.000000e-01 : f32
      %mul3A_288 = vector.broadcast %mul3A_287 : f32 to vector<16xf32>
      %mul3A_289 = arith.mulf %mul3A_288, %add3A_283 : vector<16xf32>
      %select_n3A_290 = arith.select %ge3A_286, %add3A_283, %mul3A_289 : vector<16xi1>, vector<16xf32>
      %exp3A_291 = math.exp %select_n3A_290 : vector<16xf32>
      %swap3A_292 = arith.constant 16 : index
      %swap3A_293 = tpu.vector_load %arg15[%swap3A_292] {strides = array<i32>} : memref<80xf32, #tpu.memory_space<vmem>>, vector<16xf32>,
      tpu.vector_store %arg15[%swap3A_292], %exp3A_291 {strides = array<i32>} : memref<80xf32, #tpu.memory_space<vmem>>, vector<16xf32>,
      %get3A_294 = arith.constant 32 : index
      %get3A_295 = tpu.vector_load %arg12[%get3A_294] {strides = array<i32>} : memref<80xi32, #tpu.memory_space<vmem>>, vector<16xi32>,
      %add3A_296 = arith.constant 32 : i32
      %add3A_297 = vector.broadcast %add3A_296 : i32 to vector<16xi32>
      %add3A_298 = arith.addi %iota3A_252, %add3A_297 : vector<16xi32>
      %gather3A_299 = tpu.vector_load_idx %arg14[%add3A_298, %add3A_257] : memref<80x144xf32, #tpu.memory_space<vmem>>[vector<16xi32>, vector<16xi32>], vector<16xf32>,
      %gather3A_300 = tpu.vector_load_idx %arg8[%get3A_295] : memref<10000xf32, #tpu.memory_space<vmem>>[vector<16xi32>], vector<16xf32>,
      %add3A_301 = arith.addf %gather3A_299, %gather3A_300 : vector<16xf32>
      %ge3A_302 = arith.constant 0.000000e+00 : f32
      %ge3A_303 = vector.broadcast %ge3A_302 : f32 to vector<16xf32>
      %ge3A_304 = arith.cmpf oge, %add3A_301, %ge3A_303 : vector<16xf32>
      %mul3A_305 = arith.constant 2.000000e-01 : f32
      %mul3A_306 = vector.broadcast %mul3A_305 : f32 to vector<16xf32>
      %mul3A_307 = arith.mulf %mul3A_306, %add3A_301 : vector<16xf32>
      %select_n3A_308 = arith.select %ge3A_304, %add3A_301, %mul3A_307 : vector<16xi1>, vector<16xf32>
      %exp3A_309 = math.exp %select_n3A_308 : vector<16xf32>
      %swap3A_310 = arith.constant 32 : index
      %swap3A_311 = tpu.vector_load %arg15[%swap3A_310] {strides = array<i32>} : memref<80xf32, #tpu.memory_space<vmem>>, vector<16xf32>,
      tpu.vector_store %arg15[%swap3A_310], %exp3A_309 {strides = array<i32>} : memref<80xf32, #tpu.memory_space<vmem>>, vector<16xf32>,
      %get3A_312 = arith.constant 48 : index
      %get3A_313 = tpu.vector_load %arg12[%get3A_312] {strides = array<i32>} : memref<80xi32, #tpu.memory_space<vmem>>, vector<16xi32>,
      %add3A_314 = arith.constant 48 : i32
      %add3A_315 = vector.broadcast %add3A_314 : i32 to vector<16xi32>
      %add3A_316 = arith.addi %iota3A_252, %add3A_315 : vector<16xi32>
      %gather3A_317 = tpu.vector_load_idx %arg14[%add3A_316, %add3A_257] : memref<80x144xf32, #tpu.memory_space<vmem>>[vector<16xi32>, vector<16xi32>], vector<16xf32>,
      %gather3A_318 = tpu.vector_load_idx %arg8[%get3A_313] : memref<10000xf32, #tpu.memory_space<vmem>>[vector<16xi32>], vector<16xf32>,
      %add3A_319 = arith.addf %gather3A_317, %gather3A_318 : vector<16xf32>
      %ge3A_320 = arith.constant 0.000000e+00 : f32
      %ge3A_321 = vector.broadcast %ge3A_320 : f32 to vector<16xf32>
      %ge3A_322 = arith.cmpf oge, %add3A_319, %ge3A_321 : vector<16xf32>
      %mul3A_323 = arith.constant 2.000000e-01 : f32
      %mul3A_324 = vector.broadcast %mul3A_323 : f32 to vector<16xf32>
      %mul3A_325 = arith.mulf %mul3A_324, %add3A_319 : vector<16xf32>
      %select_n3A_326 = arith.select %ge3A_322, %add3A_319, %mul3A_325 : vector<16xi1>, vector<16xf32>
      %exp3A_327 = math.exp %select_n3A_326 : vector<16xf32>
      %swap3A_328 = arith.constant 48 : index
      %swap3A_329 = tpu.vector_load %arg15[%swap3A_328] {strides = array<i32>} : memref<80xf32, #tpu.memory_space<vmem>>, vector<16xf32>,
      tpu.vector_store %arg15[%swap3A_328], %exp3A_327 {strides = array<i32>} : memref<80xf32, #tpu.memory_space<vmem>>, vector<16xf32>,
      %get3A_330 = arith.constant 64 : index
      %get3A_331 = tpu.vector_load %arg12[%get3A_330] {strides = array<i32>} : memref<80xi32, #tpu.memory_space<vmem>>, vector<16xi32>,
      %add3A_332 = arith.constant 64 : i32
      %add3A_333 = vector.broadcast %add3A_332 : i32 to vector<16xi32>
      %add3A_334 = arith.addi %iota3A_252, %add3A_333 : vector<16xi32>
      %gather3A_335 = tpu.vector_load_idx %arg14[%add3A_334, %add3A_257] : memref<80x144xf32, #tpu.memory_space<vmem>>[vector<16xi32>, vector<16xi32>], vector<16xf32>,
      %gather3A_336 = tpu.vector_load_idx %arg8[%get3A_331] : memref<10000xf32, #tpu.memory_space<vmem>>[vector<16xi32>], vector<16xf32>,
      %add3A_337 = arith.addf %gather3A_335, %gather3A_336 : vector<16xf32>
      %ge3A_338 = arith.constant 0.000000e+00 : f32
      %ge3A_339 = vector.broadcast %ge3A_338 : f32 to vector<16xf32>
      %ge3A_340 = arith.cmpf oge, %add3A_337, %ge3A_339 : vector<16xf32>
      %mul3A_341 = arith.constant 2.000000e-01 : f32
      %mul3A_342 = vector.broadcast %mul3A_341 : f32 to vector<16xf32>
      %mul3A_343 = arith.mulf %mul3A_342, %add3A_337 : vector<16xf32>
      %select_n3A_344 = arith.select %ge3A_340, %add3A_337, %mul3A_343 : vector<16xi1>, vector<16xf32>
      %exp3A_345 = math.exp %select_n3A_344 : vector<16xf32>
      %swap3A_346 = arith.constant 64 : index
      %swap3A_347 = tpu.vector_load %arg15[%swap3A_346] {strides = array<i32>} : memref<80xf32, #tpu.memory_space<vmem>>, vector<16xf32>,
      tpu.vector_store %arg15[%swap3A_346], %exp3A_345 {strides = array<i32>} : memref<80xf32, #tpu.memory_space<vmem>>, vector<16xf32>,
      %scan3A_348 = arith.constant 0 : i32
      %scan3A_349 = arith.constant 0 : i32
      %scan3A_350 = arith.constant 80 : i32
      %scan3A_351 = arith.addi %scan3A_349, %scan3A_350 : i32
      %scan3A_352 = arith.constant 1 : i32
      %scan3A_353 = scf.for %scan3A_376 = %scan3A_349 to %scan3A_351 step %scan3A_352 iter_args(%scan3A_377 = %scan3A_348) -> (i32)  : i32 {
        %broadcast_in_dim3A_378 = arith.constant 0 : i32
        %broadcast_in_dim3A_379 = vector.broadcast %broadcast_in_dim3A_378 : i32 to vector<16xi32>
        %add3A_380 = vector.broadcast %scan3A_376 : i32 to vector<16xi32>
        %add3A_381 = arith.addi %broadcast_in_dim3A_379, %add3A_380 : vector<16xi32>
        %gather3A_382 = tpu.vector_load_idx %arg15[%add3A_381] : memref<80xf32, #tpu.memory_space<vmem>>[vector<16xi32>], vector<16xf32>,
        %get3A_383 = arith.index_cast %scan3A_376 : i32 to index
        %get3A_384 = arith.constant 0 : index
        %get3A_385 = tpu.vector_load %arg14[%get3A_383, %get3A_384] {strides = array<i32>} : memref<80x144xf32, #tpu.memory_space<vmem>>, vector<16xf32>,
        %mul3A_386 = arith.mulf %get3A_385, %gather3A_382 : vector<16xf32>
        %swap3A_387 = arith.index_cast %scan3A_376 : i32 to index
        %swap3A_388 = arith.constant 0 : index
        %swap3A_389 = tpu.vector_load %arg14[%swap3A_387, %swap3A_388] {strides = array<i32>} : memref<80x144xf32, #tpu.memory_space<vmem>>, vector<16xf32>,
        tpu.vector_store %arg14[%swap3A_387, %swap3A_388], %mul3A_386 {strides = array<i32>} : memref<80x144xf32, #tpu.memory_space<vmem>>, vector<16xf32>,
        %get3A_390 = arith.index_cast %scan3A_376 : i32 to index
        %get3A_391 = arith.constant 16 : index
        %get3A_392 = tpu.vector_load %arg14[%get3A_390, %get3A_391] {strides = array<i32>} : memref<80x144xf32, #tpu.memory_space<vmem>>, vector<16xf32>,
        %mul3A_393 = arith.mulf %get3A_392, %gather3A_382 : vector<16xf32>
        %swap3A_394 = arith.index_cast %scan3A_376 : i32 to index
        %swap3A_395 = arith.constant 16 : index
        %swap3A_396 = tpu.vector_load %arg14[%swap3A_394, %swap3A_395] {strides = array<i32>} : memref<80x144xf32, #tpu.memory_space<vmem>>, vector<16xf32>,
        tpu.vector_store %arg14[%swap3A_394, %swap3A_395], %mul3A_393 {strides = array<i32>} : memref<80x144xf32, #tpu.memory_space<vmem>>, vector<16xf32>,
        %get3A_397 = arith.index_cast %scan3A_376 : i32 to index
        %get3A_398 = arith.constant 32 : index
        %get3A_399 = tpu.vector_load %arg14[%get3A_397, %get3A_398] {strides = array<i32>} : memref<80x144xf32, #tpu.memory_space<vmem>>, vector<16xf32>,
        %mul3A_400 = arith.mulf %get3A_399, %gather3A_382 : vector<16xf32>
        %swap3A_401 = arith.index_cast %scan3A_376 : i32 to index
        %swap3A_402 = arith.constant 32 : index
        %swap3A_403 = tpu.vector_load %arg14[%swap3A_401, %swap3A_402] {strides = array<i32>} : memref<80x144xf32, #tpu.memory_space<vmem>>, vector<16xf32>,
        tpu.vector_store %arg14[%swap3A_401, %swap3A_402], %mul3A_400 {strides = array<i32>} : memref<80x144xf32, #tpu.memory_space<vmem>>, vector<16xf32>,
        %get3A_404 = arith.index_cast %scan3A_376 : i32 to index
        %get3A_405 = arith.constant 48 : index
        %get3A_406 = tpu.vector_load %arg14[%get3A_404, %get3A_405] {strides = array<i32>} : memref<80x144xf32, #tpu.memory_space<vmem>>, vector<16xf32>,
        %mul3A_407 = arith.mulf %get3A_406, %gather3A_382 : vector<16xf32>
        %swap3A_408 = arith.index_cast %scan3A_376 : i32 to index
        %swap3A_409 = arith.constant 48 : index
        %swap3A_410 = tpu.vector_load %arg14[%swap3A_408, %swap3A_409] {strides = array<i32>} : memref<80x144xf32, #tpu.memory_space<vmem>>, vector<16xf32>,
        tpu.vector_store %arg14[%swap3A_408, %swap3A_409], %mul3A_407 {strides = array<i32>} : memref<80x144xf32, #tpu.memory_space<vmem>>, vector<16xf32>,
        %get3A_411 = arith.index_cast %scan3A_376 : i32 to index
        %get3A_412 = arith.constant 64 : index
        %get3A_413 = tpu.vector_load %arg14[%get3A_411, %get3A_412] {strides = array<i32>} : memref<80x144xf32, #tpu.memory_space<vmem>>, vector<16xf32>,
        %mul3A_414 = arith.mulf %get3A_413, %gather3A_382 : vector<16xf32>
        %swap3A_415 = arith.index_cast %scan3A_376 : i32 to index
        %swap3A_416 = arith.constant 64 : index
        %swap3A_417 = tpu.vector_load %arg14[%swap3A_415, %swap3A_416] {strides = array<i32>} : memref<80x144xf32, #tpu.memory_space<vmem>>, vector<16xf32>,
        tpu.vector_store %arg14[%swap3A_415, %swap3A_416], %mul3A_414 {strides = array<i32>} : memref<80x144xf32, #tpu.memory_space<vmem>>, vector<16xf32>,
        %get3A_418 = arith.index_cast %scan3A_376 : i32 to index
        %get3A_419 = arith.constant 80 : index
        %get3A_420 = tpu.vector_load %arg14[%get3A_418, %get3A_419] {strides = array<i32>} : memref<80x144xf32, #tpu.memory_space<vmem>>, vector<16xf32>,
        %mul3A_421 = arith.mulf %get3A_420, %gather3A_382 : vector<16xf32>
        %swap3A_422 = arith.index_cast %scan3A_376 : i32 to index
        %swap3A_423 = arith.constant 80 : index
        %swap3A_424 = tpu.vector_load %arg14[%swap3A_422, %swap3A_423] {strides = array<i32>} : memref<80x144xf32, #tpu.memory_space<vmem>>, vector<16xf32>,
        tpu.vector_store %arg14[%swap3A_422, %swap3A_423], %mul3A_421 {strides = array<i32>} : memref<80x144xf32, #tpu.memory_space<vmem>>, vector<16xf32>,
        %get3A_425 = arith.index_cast %scan3A_376 : i32 to index
        %get3A_426 = arith.constant 96 : index
        %get3A_427 = tpu.vector_load %arg14[%get3A_425, %get3A_426] {strides = array<i32>} : memref<80x144xf32, #tpu.memory_space<vmem>>, vector<16xf32>,
        %mul3A_428 = arith.mulf %get3A_427, %gather3A_382 : vector<16xf32>
        %swap3A_429 = arith.index_cast %scan3A_376 : i32 to index
        %swap3A_430 = arith.constant 96 : index
        %swap3A_431 = tpu.vector_load %arg14[%swap3A_429, %swap3A_430] {strides = array<i32>} : memref<80x144xf32, #tpu.memory_space<vmem>>, vector<16xf32>,
        tpu.vector_store %arg14[%swap3A_429, %swap3A_430], %mul3A_428 {strides = array<i32>} : memref<80x144xf32, #tpu.memory_space<vmem>>, vector<16xf32>,
        %get3A_432 = arith.index_cast %scan3A_376 : i32 to index
        %get3A_433 = arith.constant 112 : index
        %get3A_434 = tpu.vector_load %arg14[%get3A_432, %get3A_433] {strides = array<i32>} : memref<80x144xf32, #tpu.memory_space<vmem>>, vector<16xf32>,
        %mul3A_435 = arith.mulf %get3A_434, %gather3A_382 : vector<16xf32>
        %swap3A_436 = arith.index_cast %scan3A_376 : i32 to index
        %swap3A_437 = arith.constant 112 : index
        %swap3A_438 = tpu.vector_load %arg14[%swap3A_436, %swap3A_437] {strides = array<i32>} : memref<80x144xf32, #tpu.memory_space<vmem>>, vector<16xf32>,
        tpu.vector_store %arg14[%swap3A_436, %swap3A_437], %mul3A_435 {strides = array<i32>} : memref<80x144xf32, #tpu.memory_space<vmem>>, vector<16xf32>,
        %get3A_439 = arith.index_cast %scan3A_376 : i32 to index
        %get3A_440 = arith.constant 128 : index
        %get3A_441 = tpu.vector_load %arg14[%get3A_439, %get3A_440] {strides = array<i32>} : memref<80x144xf32, #tpu.memory_space<vmem>>, vector<16xf32>,
        %mul3A_442 = arith.mulf %get3A_441, %gather3A_382 : vector<16xf32>
        %swap3A_443 = arith.index_cast %scan3A_376 : i32 to index
        %swap3A_444 = arith.constant 128 : index
        %swap3A_445 = tpu.vector_load %arg14[%swap3A_443, %swap3A_444] {strides = array<i32>} : memref<80x144xf32, #tpu.memory_space<vmem>>, vector<16xf32>,
        tpu.vector_store %arg14[%swap3A_443, %swap3A_444], %mul3A_442 {strides = array<i32>} : memref<80x144xf32, #tpu.memory_space<vmem>>, vector<16xf32>,
        %scan3A_446 = arith.constant 0 : i32
        scf.yield %scan3A_446 : i32
      }
      %scan3A_354 = arith.constant 80 : i32
      %dma_start3A_355 = arith.constant 0 : i32
      %dma_start3A_356 = arith.constant 0 : i32
      %dma_start3A_357 = tpu.memref_slice %arg16[%dma_start3A_355, %dma_start3A_356] : memref<10000x144xf32, #tpu.memory_space<vmem_shared>> -> memref<10000x144xf32, #tpu.memory_space<vmem_shared>>
      tpu.enqueue_indirect_dma source(%arg14 : memref<80x144xf32, #tpu.memory_space<vmem>>) target(%dma_start3A_357 : memref<10000x144xf32, #tpu.memory_space<vmem_shared>>) offsets(%arg12 : memref<80xi32, #tpu.memory_space<vmem>>) semaphore(%arg20 : memref<!tpu.dma_semaphore, #tpu.memory_space<semaphore_mem>>) {add = true}
      %dma_wait3A_358 = arith.constant 0 : i32
      %dma_wait3A_359 = arith.constant 0 : i32
      %dma_wait3A_360 = tpu.memref_slice %arg16[%dma_wait3A_358, %dma_wait3A_359] : memref<10000x144xf32, #tpu.memory_space<vmem_shared>> -> memref<10000x144xf32, #tpu.memory_space<vmem_shared>>
      tpu.wait_indirect_dma semaphore(%arg19 : memref<!tpu.dma_semaphore, #tpu.memory_space<semaphore_mem>>) src(%arg13 : memref<80x144xf32, #tpu.memory_space<vmem>>) dst(%dma_wait3A_360 : memref<10000x144xf32, #tpu.memory_space<vmem_shared>>)
      %add3A_361 = arith.constant 2 : i32
      %add3A_362 = arith.addi %mul3A_139, %add3A_361 : i32
      %mul3A_363 = arith.constant 10000 : i32
      %mul3A_364 = arith.muli %add3A, %mul3A_363 : i32
      %mul3A_365 = arith.constant 80 : i32
      %mul3A_366 = arith.muli %add3A_362, %mul3A_365 : i32
      %add3A_367 = arith.addi %mul3A_364, %mul3A_366 : i32
      "tpu.region"() ({
        %run_scoped3A = tpu.sem_alloc : memref<!tpu.dma_semaphore, #tpu.memory_space<semaphore_mem>>
        %dma_start3A_376 = tpu.memref_slice %arg4[%add3A_367] : memref<320000xi32, #tpu.memory_space<hbm>> -> memref<80xi32, #tpu.memory_space<hbm>>
        %dma_start3A_377 = tpu.memref_slice %arg4[%add3A_367] : memref<320000xi32, #tpu.memory_space<hbm>> -> memref<80xi32, #tpu.memory_space<hbm>>
        tpu.enqueue_dma source(%dma_start3A_377 : memref<80xi32, #tpu.memory_space<hbm>>) target(%arg9 : memref<80xi32, #tpu.memory_space<vmem>>) target_semaphore(%run_scoped3A : memref<!tpu.dma_semaphore, #tpu.memory_space<semaphore_mem>>)
        %dma_wait3A_378 = tpu.memref_slice %arg4[%add3A_367] : memref<320000xi32, #tpu.memory_space<hbm>> -> memref<80xi32, #tpu.memory_space<hbm>>
        %dma_wait3A_379 = tpu.memref_slice %arg4[%add3A_367] : memref<320000xi32, #tpu.memory_space<hbm>> -> memref<80xi32, #tpu.memory_space<hbm>>
        tpu.wait_dma2 semaphore(%run_scoped3A : memref<!tpu.dma_semaphore, #tpu.memory_space<semaphore_mem>>) src(%dma_wait3A_379 : memref<80xi32, #tpu.memory_space<hbm>>) dst(%arg9 : memref<80xi32, #tpu.memory_space<vmem>>)
        tpu.yield
      }) : () -> ()
      "tpu.region"() ({
        %run_scoped3A = tpu.sem_alloc : memref<!tpu.dma_semaphore, #tpu.memory_space<semaphore_mem>>
        %dma_start3A_376 = tpu.memref_slice %arg5[%add3A_367] : memref<320000xi32, #tpu.memory_space<hbm>> -> memref<80xi32, #tpu.memory_space<hbm>>
        %dma_start3A_377 = tpu.memref_slice %arg5[%add3A_367] : memref<320000xi32, #tpu.memory_space<hbm>> -> memref<80xi32, #tpu.memory_space<hbm>>
        tpu.enqueue_dma source(%dma_start3A_377 : memref<80xi32, #tpu.memory_space<hbm>>) target(%arg10 : memref<80xi32, #tpu.memory_space<vmem>>) target_semaphore(%run_scoped3A : memref<!tpu.dma_semaphore, #tpu.memory_space<semaphore_mem>>)
        %dma_wait3A_378 = tpu.memref_slice %arg5[%add3A_367] : memref<320000xi32, #tpu.memory_space<hbm>> -> memref<80xi32, #tpu.memory_space<hbm>>
        %dma_wait3A_379 = tpu.memref_slice %arg5[%add3A_367] : memref<320000xi32, #tpu.memory_space<hbm>> -> memref<80xi32, #tpu.memory_space<hbm>>
        tpu.wait_dma2 semaphore(%run_scoped3A : memref<!tpu.dma_semaphore, #tpu.memory_space<semaphore_mem>>) src(%dma_wait3A_379 : memref<80xi32, #tpu.memory_space<hbm>>) dst(%arg10 : memref<80xi32, #tpu.memory_space<vmem>>)
        tpu.yield
      }) : () -> ()
      %dma_start3A_368 = arith.constant 0 : i32
      %dma_start3A_369 = arith.constant 0 : i32
      %dma_start3A_370 = tpu.memref_slice %arg2[%dma_start3A_368, %dma_start3A_369] : memref<10000x144xf32, #tpu.memory_space<hbm>> -> memref<10000x144xf32, #tpu.memory_space<hbm>>
      tpu.enqueue_indirect_dma source(%dma_start3A_370 : memref<10000x144xf32, #tpu.memory_space<hbm>>) target(%arg13 : memref<80x144xf32, #tpu.memory_space<vmem>>) offsets(%arg9 : memref<80xi32, #tpu.memory_space<vmem>>) semaphore(%arg17 : memref<!tpu.dma_semaphore, #tpu.memory_space<semaphore_mem>>)
      %lt3A = arith.constant 61 : i32
      %lt3A_371 = arith.cmpi slt, %scan3A_136, %lt3A : i32
      %convert_element_type3A_372 = arith.extui %lt3A_371 : i1 to i32
      %cond3A_373 = arith.constant 0 : i32
      %cond3A_374 = arith.cmpi ne, %convert_element_type3A_372, %cond3A_373 : i32
      scf.if %cond3A_374 {
        %dma_wait3A_376 = arith.constant 0 : i32
        %dma_wait3A_377 = arith.constant 0 : i32
        %dma_wait3A_378 = tpu.memref_slice %arg16[%dma_wait3A_376, %dma_wait3A_377] : memref<10000x144xf32, #tpu.memory_space<vmem_shared>> -> memref<10000x144xf32, #tpu.memory_space<vmem_shared>>
        tpu.wait_indirect_dma semaphore(%arg20 : memref<!tpu.dma_semaphore, #tpu.memory_space<semaphore_mem>>) src(%arg14 : memref<80x144xf32, #tpu.memory_space<vmem>>) dst(%dma_wait3A_378 : memref<10000x144xf32, #tpu.memory_space<vmem_shared>>)
        %add3A_379 = arith.constant 3 : i32
        %add3A_380 = arith.addi %mul3A_139, %add3A_379 : i32
        %mul3A_381 = arith.constant 10000 : i32
        %mul3A_382 = arith.muli %add3A, %mul3A_381 : i32
        %mul3A_383 = arith.constant 80 : i32
        %mul3A_384 = arith.muli %add3A_380, %mul3A_383 : i32
        %add3A_385 = arith.addi %mul3A_382, %mul3A_384 : i32
        "tpu.region"() ({
          %run_scoped3A = tpu.sem_alloc : memref<!tpu.dma_semaphore, #tpu.memory_space<semaphore_mem>>
          %dma_start3A_389 = tpu.memref_slice %arg4[%add3A_385] : memref<320000xi32, #tpu.memory_space<hbm>> -> memref<80xi32, #tpu.memory_space<hbm>>
          %dma_start3A_390 = tpu.memref_slice %arg4[%add3A_385] : memref<320000xi32, #tpu.memory_space<hbm>> -> memref<80xi32, #tpu.memory_space<hbm>>
          tpu.enqueue_dma source(%dma_start3A_390 : memref<80xi32, #tpu.memory_space<hbm>>) target(%arg11 : memref<80xi32, #tpu.memory_space<vmem>>) target_semaphore(%run_scoped3A : memref<!tpu.dma_semaphore, #tpu.memory_space<semaphore_mem>>)
          %dma_wait3A_391 = tpu.memref_slice %arg4[%add3A_385] : memref<320000xi32, #tpu.memory_space<hbm>> -> memref<80xi32, #tpu.memory_space<hbm>>
          %dma_wait3A_392 = tpu.memref_slice %arg4[%add3A_385] : memref<320000xi32, #tpu.memory_space<hbm>> -> memref<80xi32, #tpu.memory_space<hbm>>
          tpu.wait_dma2 semaphore(%run_scoped3A : memref<!tpu.dma_semaphore, #tpu.memory_space<semaphore_mem>>) src(%dma_wait3A_392 : memref<80xi32, #tpu.memory_space<hbm>>) dst(%arg11 : memref<80xi32, #tpu.memory_space<vmem>>)
          tpu.yield
        }) : () -> ()
        "tpu.region"() ({
          %run_scoped3A = tpu.sem_alloc : memref<!tpu.dma_semaphore, #tpu.memory_space<semaphore_mem>>
          %dma_start3A_389 = tpu.memref_slice %arg5[%add3A_385] : memref<320000xi32, #tpu.memory_space<hbm>> -> memref<80xi32, #tpu.memory_space<hbm>>
          %dma_start3A_390 = tpu.memref_slice %arg5[%add3A_385] : memref<320000xi32, #tpu.memory_space<hbm>> -> memref<80xi32, #tpu.memory_space<hbm>>
          tpu.enqueue_dma source(%dma_start3A_390 : memref<80xi32, #tpu.memory_space<hbm>>) target(%arg12 : memref<80xi32, #tpu.memory_space<vmem>>) target_semaphore(%run_scoped3A : memref<!tpu.dma_semaphore, #tpu.memory_space<semaphore_mem>>)
          %dma_wait3A_391 = tpu.memref_slice %arg5[%add3A_385] : memref<320000xi32, #tpu.memory_space<hbm>> -> memref<80xi32, #tpu.memory_space<hbm>>
          %dma_wait3A_392 = tpu.memref_slice %arg5[%add3A_385] : memref<320000xi32, #tpu.memory_space<hbm>> -> memref<80xi32, #tpu.memory_space<hbm>>
          tpu.wait_dma2 semaphore(%run_scoped3A : memref<!tpu.dma_semaphore, #tpu.memory_space<semaphore_mem>>) src(%dma_wait3A_392 : memref<80xi32, #tpu.memory_space<hbm>>) dst(%arg12 : memref<80xi32, #tpu.memory_space<vmem>>)
          tpu.yield
        }) : () -> ()
        %dma_start3A_386 = arith.constant 0 : i32
        %dma_start3A_387 = arith.constant 0 : i32
        %dma_start3A_388 = tpu.memref_slice %arg2[%dma_start3A_386, %dma_start3A_387] : memref<10000x144xf32, #tpu.memory_space<hbm>> -> memref<10000x144xf32, #tpu.memory_space<hbm>>
        tpu.enqueue_indirect_dma source(%dma_start3A_388 : memref<10000x144xf32, #tpu.memory_space<hbm>>) target(%arg14 : memref<80x144xf32, #tpu.memory_space<vmem>>) offsets(%arg11 : memref<80xi32, #tpu.memory_space<vmem>>) semaphore(%arg18 : memref<!tpu.dma_semaphore, #tpu.memory_space<semaphore_mem>>)
      } else {
      }
      %scan3A_375 = arith.constant 0 : i32
      scf.yield %scan3A_375 : i32
    }
    %scan3A_23 = arith.constant 62 : i32
    %dma_wait3A = arith.constant 0 : i32
    %dma_wait3A_24 = arith.constant 0 : i32
    %dma_wait3A_25 = tpu.memref_slice %arg2[%dma_wait3A, %dma_wait3A_24] : memref<10000x144xf32, #tpu.memory_space<hbm>> -> memref<10000x144xf32, #tpu.memory_space<hbm>>
    tpu.wait_indirect_dma semaphore(%arg17 : memref<!tpu.dma_semaphore, #tpu.memory_space<semaphore_mem>>) src(%dma_wait3A_25 : memref<10000x144xf32, #tpu.memory_space<hbm>>) dst(%arg13 : memref<80x144xf32, #tpu.memory_space<vmem>>)
    %iota3A = tpu.iota {dimensions = array<i32: 0>} : vector<16xi32>
    %broadcast_in_dim3A = arith.constant 0 : i32
    %broadcast_in_dim3A_26 = vector.broadcast %broadcast_in_dim3A : i32 to vector<16xi32>
    %add3A_27 = arith.constant 129 : i32
    %add3A_28 = vector.broadcast %add3A_27 : i32 to vector<16xi32>
    %add3A_29 = arith.addi %broadcast_in_dim3A_26, %add3A_28 : vector<16xi32>
    %get3A = arith.constant 0 : index
    %get3A_30 = tpu.vector_load %arg10[%get3A] {strides = array<i32>} : memref<80xi32, #tpu.memory_space<vmem>>, vector<16xi32>,
    %add3A_31 = arith.constant 0 : i32
    %add3A_32 = vector.broadcast %add3A_31 : i32 to vector<16xi32>
    %add3A_33 = arith.addi %iota3A, %add3A_32 : vector<16xi32>
    %gather3A = tpu.vector_load_idx %arg13[%add3A_33, %add3A_29] : memref<80x144xf32, #tpu.memory_space<vmem>>[vector<16xi32>, vector<16xi32>], vector<16xf32>,
    %gather3A_34 = tpu.vector_load_idx %arg8[%get3A_30] : memref<10000xf32, #tpu.memory_space<vmem>>[vector<16xi32>], vector<16xf32>,
    %add3A_35 = arith.addf %gather3A, %gather3A_34 : vector<16xf32>
    %ge3A = arith.constant 0.000000e+00 : f32
    %ge3A_36 = vector.broadcast %ge3A : f32 to vector<16xf32>
    %ge3A_37 = arith.cmpf oge, %add3A_35, %ge3A_36 : vector<16xf32>
    %mul3A_38 = arith.constant 2.000000e-01 : f32
    %mul3A_39 = vector.broadcast %mul3A_38 : f32 to vector<16xf32>
    %mul3A_40 = arith.mulf %mul3A_39, %add3A_35 : vector<16xf32>
    %select_n3A = arith.select %ge3A_37, %add3A_35, %mul3A_40 : vector<16xi1>, vector<16xf32>
    %exp3A = math.exp %select_n3A : vector<16xf32>
    %swap3A = arith.constant 0 : index
    %swap3A_41 = tpu.vector_load %arg15[%swap3A] {strides = array<i32>} : memref<80xf32, #tpu.memory_space<vmem>>, vector<16xf32>,
    tpu.vector_store %arg15[%swap3A], %exp3A {strides = array<i32>} : memref<80xf32, #tpu.memory_space<vmem>>, vector<16xf32>,
    %get3A_42 = arith.constant 16 : index
    %get3A_43 = tpu.vector_load %arg10[%get3A_42] {strides = array<i32>} : memref<80xi32, #tpu.memory_space<vmem>>, vector<16xi32>,
    %add3A_44 = arith.constant 16 : i32
    %add3A_45 = vector.broadcast %add3A_44 : i32 to vector<16xi32>
    %add3A_46 = arith.addi %iota3A, %add3A_45 : vector<16xi32>
    %gather3A_47 = tpu.vector_load_idx %arg13[%add3A_46, %add3A_29] : memref<80x144xf32, #tpu.memory_space<vmem>>[vector<16xi32>, vector<16xi32>], vector<16xf32>,
    %gather3A_48 = tpu.vector_load_idx %arg8[%get3A_43] : memref<10000xf32, #tpu.memory_space<vmem>>[vector<16xi32>], vector<16xf32>,
    %add3A_49 = arith.addf %gather3A_47, %gather3A_48 : vector<16xf32>
    %ge3A_50 = arith.constant 0.000000e+00 : f32
    %ge3A_51 = vector.broadcast %ge3A_50 : f32 to vector<16xf32>
    %ge3A_52 = arith.cmpf oge, %add3A_49, %ge3A_51 : vector<16xf32>
    %mul3A_53 = arith.constant 2.000000e-01 : f32
    %mul3A_54 = vector.broadcast %mul3A_53 : f32 to vector<16xf32>
    %mul3A_55 = arith.mulf %mul3A_54, %add3A_49 : vector<16xf32>
    %select_n3A_56 = arith.select %ge3A_52, %add3A_49, %mul3A_55 : vector<16xi1>, vector<16xf32>
    %exp3A_57 = math.exp %select_n3A_56 : vector<16xf32>
    %swap3A_58 = arith.constant 16 : index
    %swap3A_59 = tpu.vector_load %arg15[%swap3A_58] {strides = array<i32>} : memref<80xf32, #tpu.memory_space<vmem>>, vector<16xf32>,
    tpu.vector_store %arg15[%swap3A_58], %exp3A_57 {strides = array<i32>} : memref<80xf32, #tpu.memory_space<vmem>>, vector<16xf32>,
    %get3A_60 = arith.constant 32 : index
    %get3A_61 = tpu.vector_load %arg10[%get3A_60] {strides = array<i32>} : memref<80xi32, #tpu.memory_space<vmem>>, vector<16xi32>,
    %add3A_62 = arith.constant 32 : i32
    %add3A_63 = vector.broadcast %add3A_62 : i32 to vector<16xi32>
    %add3A_64 = arith.addi %iota3A, %add3A_63 : vector<16xi32>
    %gather3A_65 = tpu.vector_load_idx %arg13[%add3A_64, %add3A_29] : memref<80x144xf32, #tpu.memory_space<vmem>>[vector<16xi32>, vector<16xi32>], vector<16xf32>,
    %gather3A_66 = tpu.vector_load_idx %arg8[%get3A_61] : memref<10000xf32, #tpu.memory_space<vmem>>[vector<16xi32>], vector<16xf32>,
    %add3A_67 = arith.addf %gather3A_65, %gather3A_66 : vector<16xf32>
    %ge3A_68 = arith.constant 0.000000e+00 : f32
    %ge3A_69 = vector.broadcast %ge3A_68 : f32 to vector<16xf32>
    %ge3A_70 = arith.cmpf oge, %add3A_67, %ge3A_69 : vector<16xf32>
    %mul3A_71 = arith.constant 2.000000e-01 : f32
    %mul3A_72 = vector.broadcast %mul3A_71 : f32 to vector<16xf32>
    %mul3A_73 = arith.mulf %mul3A_72, %add3A_67 : vector<16xf32>
    %select_n3A_74 = arith.select %ge3A_70, %add3A_67, %mul3A_73 : vector<16xi1>, vector<16xf32>
    %exp3A_75 = math.exp %select_n3A_74 : vector<16xf32>
    %swap3A_76 = arith.constant 32 : index
    %swap3A_77 = tpu.vector_load %arg15[%swap3A_76] {strides = array<i32>} : memref<80xf32, #tpu.memory_space<vmem>>, vector<16xf32>,
    tpu.vector_store %arg15[%swap3A_76], %exp3A_75 {strides = array<i32>} : memref<80xf32, #tpu.memory_space<vmem>>, vector<16xf32>,
    %get3A_78 = arith.constant 48 : index
    %get3A_79 = tpu.vector_load %arg10[%get3A_78] {strides = array<i32>} : memref<80xi32, #tpu.memory_space<vmem>>, vector<16xi32>,
    %add3A_80 = arith.constant 48 : i32
    %add3A_81 = vector.broadcast %add3A_80 : i32 to vector<16xi32>
    %add3A_82 = arith.addi %iota3A, %add3A_81 : vector<16xi32>
    %gather3A_83 = tpu.vector_load_idx %arg13[%add3A_82, %add3A_29] : memref<80x144xf32, #tpu.memory_space<vmem>>[vector<16xi32>, vector<16xi32>], vector<16xf32>,
    %gather3A_84 = tpu.vector_load_idx %arg8[%get3A_79] : memref<10000xf32, #tpu.memory_space<vmem>>[vector<16xi32>], vector<16xf32>,
    %add3A_85 = arith.addf %gather3A_83, %gather3A_84 : vector<16xf32>
    %ge3A_86 = arith.constant 0.000000e+00 : f32
    %ge3A_87 = vector.broadcast %ge3A_86 : f32 to vector<16xf32>
    %ge3A_88 = arith.cmpf oge, %add3A_85, %ge3A_87 : vector<16xf32>
    %mul3A_89 = arith.constant 2.000000e-01 : f32
    %mul3A_90 = vector.broadcast %mul3A_89 : f32 to vector<16xf32>
    %mul3A_91 = arith.mulf %mul3A_90, %add3A_85 : vector<16xf32>
    %select_n3A_92 = arith.select %ge3A_88, %add3A_85, %mul3A_91 : vector<16xi1>, vector<16xf32>
    %exp3A_93 = math.exp %select_n3A_92 : vector<16xf32>
    %swap3A_94 = arith.constant 48 : index
    %swap3A_95 = tpu.vector_load %arg15[%swap3A_94] {strides = array<i32>} : memref<80xf32, #tpu.memory_space<vmem>>, vector<16xf32>,
    tpu.vector_store %arg15[%swap3A_94], %exp3A_93 {strides = array<i32>} : memref<80xf32, #tpu.memory_space<vmem>>, vector<16xf32>,
    %get3A_96 = arith.constant 64 : index
    %get3A_97 = tpu.vector_load %arg10[%get3A_96] {strides = array<i32>} : memref<80xi32, #tpu.memory_space<vmem>>, vector<16xi32>,
    %add3A_98 = arith.constant 64 : i32
    %add3A_99 = vector.broadcast %add3A_98 : i32 to vector<16xi32>
    %add3A_100 = arith.addi %iota3A, %add3A_99 : vector<16xi32>
    %gather3A_101 = tpu.vector_load_idx %arg13[%add3A_100, %add3A_29] : memref<80x144xf32, #tpu.memory_space<vmem>>[vector<16xi32>, vector<16xi32>], vector<16xf32>,
    %gather3A_102 = tpu.vector_load_idx %arg8[%get3A_97] : memref<10000xf32, #tpu.memory_space<vmem>>[vector<16xi32>], vector<16xf32>,
    %add3A_103 = arith.addf %gather3A_101, %gather3A_102 : vector<16xf32>
    %ge3A_104 = arith.constant 0.000000e+00 : f32
    %ge3A_105 = vector.broadcast %ge3A_104 : f32 to vector<16xf32>
    %ge3A_106 = arith.cmpf oge, %add3A_103, %ge3A_105 : vector<16xf32>
    %mul3A_107 = arith.constant 2.000000e-01 : f32
    %mul3A_108 = vector.broadcast %mul3A_107 : f32 to vector<16xf32>
    %mul3A_109 = arith.mulf %mul3A_108, %add3A_103 : vector<16xf32>
    %select_n3A_110 = arith.select %ge3A_106, %add3A_103, %mul3A_109 : vector<16xi1>, vector<16xf32>
    %exp3A_111 = math.exp %select_n3A_110 : vector<16xf32>
    %swap3A_112 = arith.constant 64 : index
    %swap3A_113 = tpu.vector_load %arg15[%swap3A_112] {strides = array<i32>} : memref<80xf32, #tpu.memory_space<vmem>>, vector<16xf32>,
    tpu.vector_store %arg15[%swap3A_112], %exp3A_111 {strides = array<i32>} : memref<80xf32, #tpu.memory_space<vmem>>, vector<16xf32>,
    %scan3A_114 = arith.constant 0 : i32
    %scan3A_115 = arith.constant 0 : i32
    %scan3A_116 = arith.constant 80 : i32
    %scan3A_117 = arith.addi %scan3A_115, %scan3A_116 : i32
    %scan3A_118 = arith.constant 1 : i32
    %scan3A_119 = scf.for %scan3A_136 = %scan3A_115 to %scan3A_117 step %scan3A_118 iter_args(%scan3A_137 = %scan3A_114) -> (i32)  : i32 {
      %broadcast_in_dim3A_138 = arith.constant 0 : i32
      %broadcast_in_dim3A_139 = vector.broadcast %broadcast_in_dim3A_138 : i32 to vector<16xi32>
      %add3A_140 = vector.broadcast %scan3A_136 : i32 to vector<16xi32>
      %add3A_141 = arith.addi %broadcast_in_dim3A_139, %add3A_140 : vector<16xi32>
      %gather3A_142 = tpu.vector_load_idx %arg15[%add3A_141] : memref<80xf32, #tpu.memory_space<vmem>>[vector<16xi32>], vector<16xf32>,
      %get3A_143 = arith.index_cast %scan3A_136 : i32 to index
      %get3A_144 = arith.constant 0 : index
      %get3A_145 = tpu.vector_load %arg13[%get3A_143, %get3A_144] {strides = array<i32>} : memref<80x144xf32, #tpu.memory_space<vmem>>, vector<16xf32>,
      %mul3A_146 = arith.mulf %get3A_145, %gather3A_142 : vector<16xf32>
      %swap3A_147 = arith.index_cast %scan3A_136 : i32 to index
      %swap3A_148 = arith.constant 0 : index
      %swap3A_149 = tpu.vector_load %arg13[%swap3A_147, %swap3A_148] {strides = array<i32>} : memref<80x144xf32, #tpu.memory_space<vmem>>, vector<16xf32>,
      tpu.vector_store %arg13[%swap3A_147, %swap3A_148], %mul3A_146 {strides = array<i32>} : memref<80x144xf32, #tpu.memory_space<vmem>>, vector<16xf32>,
      %get3A_150 = arith.index_cast %scan3A_136 : i32 to index
      %get3A_151 = arith.constant 16 : index
      %get3A_152 = tpu.vector_load %arg13[%get3A_150, %get3A_151] {strides = array<i32>} : memref<80x144xf32, #tpu.memory_space<vmem>>, vector<16xf32>,
      %mul3A_153 = arith.mulf %get3A_152, %gather3A_142 : vector<16xf32>
      %swap3A_154 = arith.index_cast %scan3A_136 : i32 to index
      %swap3A_155 = arith.constant 16 : index
      %swap3A_156 = tpu.vector_load %arg13[%swap3A_154, %swap3A_155] {strides = array<i32>} : memref<80x144xf32, #tpu.memory_space<vmem>>, vector<16xf32>,
      tpu.vector_store %arg13[%swap3A_154, %swap3A_155], %mul3A_153 {strides = array<i32>} : memref<80x144xf32, #tpu.memory_space<vmem>>, vector<16xf32>,
      %get3A_157 = arith.index_cast %scan3A_136 : i32 to index
      %get3A_158 = arith.constant 32 : index
      %get3A_159 = tpu.vector_load %arg13[%get3A_157, %get3A_158] {strides = array<i32>} : memref<80x144xf32, #tpu.memory_space<vmem>>, vector<16xf32>,
      %mul3A_160 = arith.mulf %get3A_159, %gather3A_142 : vector<16xf32>
      %swap3A_161 = arith.index_cast %scan3A_136 : i32 to index
      %swap3A_162 = arith.constant 32 : index
      %swap3A_163 = tpu.vector_load %arg13[%swap3A_161, %swap3A_162] {strides = array<i32>} : memref<80x144xf32, #tpu.memory_space<vmem>>, vector<16xf32>,
      tpu.vector_store %arg13[%swap3A_161, %swap3A_162], %mul3A_160 {strides = array<i32>} : memref<80x144xf32, #tpu.memory_space<vmem>>, vector<16xf32>,
      %get3A_164 = arith.index_cast %scan3A_136 : i32 to index
      %get3A_165 = arith.constant 48 : index
      %get3A_166 = tpu.vector_load %arg13[%get3A_164, %get3A_165] {strides = array<i32>} : memref<80x144xf32, #tpu.memory_space<vmem>>, vector<16xf32>,
      %mul3A_167 = arith.mulf %get3A_166, %gather3A_142 : vector<16xf32>
      %swap3A_168 = arith.index_cast %scan3A_136 : i32 to index
      %swap3A_169 = arith.constant 48 : index
      %swap3A_170 = tpu.vector_load %arg13[%swap3A_168, %swap3A_169] {strides = array<i32>} : memref<80x144xf32, #tpu.memory_space<vmem>>, vector<16xf32>,
      tpu.vector_store %arg13[%swap3A_168, %swap3A_169], %mul3A_167 {strides = array<i32>} : memref<80x144xf32, #tpu.memory_space<vmem>>, vector<16xf32>,
      %get3A_171 = arith.index_cast %scan3A_136 : i32 to index
      %get3A_172 = arith.constant 64 : index
      %get3A_173 = tpu.vector_load %arg13[%get3A_171, %get3A_172] {strides = array<i32>} : memref<80x144xf32, #tpu.memory_space<vmem>>, vector<16xf32>,
      %mul3A_174 = arith.mulf %get3A_173, %gather3A_142 : vector<16xf32>
      %swap3A_175 = arith.index_cast %scan3A_136 : i32 to index
      %swap3A_176 = arith.constant 64 : index
      %swap3A_177 = tpu.vector_load %arg13[%swap3A_175, %swap3A_176] {strides = array<i32>} : memref<80x144xf32, #tpu.memory_space<vmem>>, vector<16xf32>,
      tpu.vector_store %arg13[%swap3A_175, %swap3A_176], %mul3A_174 {strides = array<i32>} : memref<80x144xf32, #tpu.memory_space<vmem>>, vector<16xf32>,
      %get3A_178 = arith.index_cast %scan3A_136 : i32 to index
      %get3A_179 = arith.constant 80 : index
      %get3A_180 = tpu.vector_load %arg13[%get3A_178, %get3A_179] {strides = array<i32>} : memref<80x144xf32, #tpu.memory_space<vmem>>, vector<16xf32>,
      %mul3A_181 = arith.mulf %get3A_180, %gather3A_142 : vector<16xf32>
      %swap3A_182 = arith.index_cast %scan3A_136 : i32 to index
      %swap3A_183 = arith.constant 80 : index
      %swap3A_184 = tpu.vector_load %arg13[%swap3A_182, %swap3A_183] {strides = array<i32>} : memref<80x144xf32, #tpu.memory_space<vmem>>, vector<16xf32>,
      tpu.vector_store %arg13[%swap3A_182, %swap3A_183], %mul3A_181 {strides = array<i32>} : memref<80x144xf32, #tpu.memory_space<vmem>>, vector<16xf32>,
      %get3A_185 = arith.index_cast %scan3A_136 : i32 to index
      %get3A_186 = arith.constant 96 : index
      %get3A_187 = tpu.vector_load %arg13[%get3A_185, %get3A_186] {strides = array<i32>} : memref<80x144xf32, #tpu.memory_space<vmem>>, vector<16xf32>,
      %mul3A_188 = arith.mulf %get3A_187, %gather3A_142 : vector<16xf32>
      %swap3A_189 = arith.index_cast %scan3A_136 : i32 to index
      %swap3A_190 = arith.constant 96 : index
      %swap3A_191 = tpu.vector_load %arg13[%swap3A_189, %swap3A_190] {strides = array<i32>} : memref<80x144xf32, #tpu.memory_space<vmem>>, vector<16xf32>,
      tpu.vector_store %arg13[%swap3A_189, %swap3A_190], %mul3A_188 {strides = array<i32>} : memref<80x144xf32, #tpu.memory_space<vmem>>, vector<16xf32>,
      %get3A_192 = arith.index_cast %scan3A_136 : i32 to index
      %get3A_193 = arith.constant 112 : index
      %get3A_194 = tpu.vector_load %arg13[%get3A_192, %get3A_193] {strides = array<i32>} : memref<80x144xf32, #tpu.memory_space<vmem>>, vector<16xf32>,
      %mul3A_195 = arith.mulf %get3A_194, %gather3A_142 : vector<16xf32>
      %swap3A_196 = arith.index_cast %scan3A_136 : i32 to index
      %swap3A_197 = arith.constant 112 : index
      %swap3A_198 = tpu.vector_load %arg13[%swap3A_196, %swap3A_197] {strides = array<i32>} : memref<80x144xf32, #tpu.memory_space<vmem>>, vector<16xf32>,
      tpu.vector_store %arg13[%swap3A_196, %swap3A_197], %mul3A_195 {strides = array<i32>} : memref<80x144xf32, #tpu.memory_space<vmem>>, vector<16xf32>,
      %get3A_199 = arith.index_cast %scan3A_136 : i32 to index
      %get3A_200 = arith.constant 128 : index
      %get3A_201 = tpu.vector_load %arg13[%get3A_199, %get3A_200] {strides = array<i32>} : memref<80x144xf32, #tpu.memory_space<vmem>>, vector<16xf32>,
      %mul3A_202 = arith.mulf %get3A_201, %gather3A_142 : vector<16xf32>
      %swap3A_203 = arith.index_cast %scan3A_136 : i32 to index
      %swap3A_204 = arith.constant 128 : index
      %swap3A_205 = tpu.vector_load %arg13[%swap3A_203, %swap3A_204] {strides = array<i32>} : memref<80x144xf32, #tpu.memory_space<vmem>>, vector<16xf32>,
      tpu.vector_store %arg13[%swap3A_203, %swap3A_204], %mul3A_202 {strides = array<i32>} : memref<80x144xf32, #tpu.memory_space<vmem>>, vector<16xf32>,
      %scan3A_206 = arith.constant 0 : i32
      scf.yield %scan3A_206 : i32
    }
    %scan3A_120 = arith.constant 80 : i32
    %dma_start3A_121 = arith.constant 0 : i32
    %dma_start3A_122 = arith.constant 0 : i32
    %dma_start3A_123 = tpu.memref_slice %arg16[%dma_start3A_121, %dma_start3A_122] : memref<10000x144xf32, #tpu.memory_space<vmem_shared>> -> memref<10000x144xf32, #tpu.memory_space<vmem_shared>>
    tpu.enqueue_indirect_dma source(%arg13 : memref<80x144xf32, #tpu.memory_space<vmem>>) target(%dma_start3A_123 : memref<10000x144xf32, #tpu.memory_space<vmem_shared>>) offsets(%arg10 : memref<80xi32, #tpu.memory_space<vmem>>) semaphore(%arg19 : memref<!tpu.dma_semaphore, #tpu.memory_space<semaphore_mem>>) {add = true}
    %dma_wait3A_124 = arith.constant 0 : i32
    %dma_wait3A_125 = arith.constant 0 : i32
    %dma_wait3A_126 = tpu.memref_slice %arg16[%dma_wait3A_124, %dma_wait3A_125] : memref<10000x144xf32, #tpu.memory_space<vmem_shared>> -> memref<10000x144xf32, #tpu.memory_space<vmem_shared>>
    tpu.wait_indirect_dma semaphore(%arg19 : memref<!tpu.dma_semaphore, #tpu.memory_space<semaphore_mem>>) src(%arg13 : memref<80x144xf32, #tpu.memory_space<vmem>>) dst(%dma_wait3A_126 : memref<10000x144xf32, #tpu.memory_space<vmem_shared>>)
    %dma_wait3A_127 = arith.constant 0 : i32
    %dma_wait3A_128 = arith.constant 0 : i32
    %dma_wait3A_129 = tpu.memref_slice %arg16[%dma_wait3A_127, %dma_wait3A_128] : memref<10000x144xf32, #tpu.memory_space<vmem_shared>> -> memref<10000x144xf32, #tpu.memory_space<vmem_shared>>
    tpu.wait_indirect_dma semaphore(%arg20 : memref<!tpu.dma_semaphore, #tpu.memory_space<semaphore_mem>>) src(%arg14 : memref<80x144xf32, #tpu.memory_space<vmem>>) dst(%dma_wait3A_129 : memref<10000x144xf32, #tpu.memory_space<vmem_shared>>)
    %barrier3A_130 = arith.constant 0 : index
    tpu.barrier barrier_id(%barrier3A_130)
    "tpu.region"() ({
      %run_scoped3A = tpu.sem_alloc : memref<!tpu.dma_semaphore, #tpu.memory_space<semaphore_mem>>
      %dma_start3A_136 = arith.constant 0 : i32
      %dma_start3A_137 = tpu.memref_slice %arg7[%arg0, %mul3A_2, %dma_start3A_136] : memref<2x10000x144xf32, #tpu.memory_space<hbm>> -> memref<1x624x144xf32, #tpu.memory_space<hbm>>
      %dma_start3A_138 = tpu.memref_squeeze %dma_start3A_137 : memref<1x624x144xf32, #tpu.memory_space<hbm>> -> memref<624x144xf32, #tpu.memory_space<hbm>>
      %dma_start3A_139 = arith.constant 0 : i32
      %dma_start3A_140 = tpu.memref_slice %arg16[%mul3A_2, %dma_start3A_139] : memref<10000x144xf32, #tpu.memory_space<vmem_shared>> -> memref<624x144xf32, #tpu.memory_space<vmem_shared>>
      tpu.enqueue_dma source(%dma_start3A_140 : memref<624x144xf32, #tpu.memory_space<vmem_shared>>) target(%dma_start3A_138 : memref<624x144xf32, #tpu.memory_space<hbm>>) target_semaphore(%run_scoped3A : memref<!tpu.dma_semaphore, #tpu.memory_space<semaphore_mem>>)
      %dma_wait3A_141 = arith.constant 0 : i32
      %dma_wait3A_142 = tpu.memref_slice %arg7[%arg0, %mul3A_2, %dma_wait3A_141] : memref<2x10000x144xf32, #tpu.memory_space<hbm>> -> memref<1x624x144xf32, #tpu.memory_space<hbm>>
      %dma_wait3A_143 = tpu.memref_squeeze %dma_wait3A_142 : memref<1x624x144xf32, #tpu.memory_space<hbm>> -> memref<624x144xf32, #tpu.memory_space<hbm>>
      %dma_wait3A_144 = arith.constant 0 : i32
      %dma_wait3A_145 = tpu.memref_slice %arg16[%mul3A_2, %dma_wait3A_144] : memref<10000x144xf32, #tpu.memory_space<vmem_shared>> -> memref<624x144xf32, #tpu.memory_space<vmem_shared>>
      tpu.wait_dma2 semaphore(%run_scoped3A : memref<!tpu.dma_semaphore, #tpu.memory_space<semaphore_mem>>) src(%dma_wait3A_145 : memref<624x144xf32, #tpu.memory_space<vmem_shared>>) dst(%dma_wait3A_143 : memref<624x144xf32, #tpu.memory_space<hbm>>)
      tpu.yield
    }) : () -> ()
    %eq3A_131 = arith.constant 15 : i32
    %eq3A_132 = arith.cmpi eq, %arg1, %eq3A_131 : i32
    %convert_element_type3A_133 = arith.extui %eq3A_132 : i1 to i32
    %cond3A_134 = arith.constant 0 : i32
    %cond3A_135 = arith.cmpi ne, %convert_element_type3A_133, %cond3A_134 : i32
    scf.if %cond3A_135 {
      "tpu.region"() ({
        %run_scoped3A = tpu.sem_alloc : memref<!tpu.dma_semaphore, #tpu.memory_space<semaphore_mem>>
        %dma_start3A_136 = arith.constant 9984 : i32
        %dma_start3A_137 = arith.constant 0 : i32
        %dma_start3A_138 = tpu.memref_slice %arg7[%arg0, %dma_start3A_136, %dma_start3A_137] : memref<2x10000x144xf32, #tpu.memory_space<hbm>> -> memref<1x16x144xf32, #tpu.memory_space<hbm>>
        %dma_start3A_139 = tpu.memref_squeeze %dma_start3A_138 : memref<1x16x144xf32, #tpu.memory_space<hbm>> -> memref<16x144xf32, #tpu.memory_space<hbm>>
        %dma_start3A_140 = arith.constant 9984 : i32
        %dma_start3A_141 = arith.constant 0 : i32
        %dma_start3A_142 = tpu.memref_slice %arg16[%dma_start3A_140, %dma_start3A_141] : memref<10000x144xf32, #tpu.memory_space<vmem_shared>> -> memref<16x144xf32, #tpu.memory_space<vmem_shared>>
        tpu.enqueue_dma source(%dma_start3A_142 : memref<16x144xf32, #tpu.memory_space<vmem_shared>>) target(%dma_start3A_139 : memref<16x144xf32, #tpu.memory_space<hbm>>) target_semaphore(%run_scoped3A : memref<!tpu.dma_semaphore, #tpu.memory_space<semaphore_mem>>)
        %dma_wait3A_143 = arith.constant 9984 : i32
        %dma_wait3A_144 = arith.constant 0 : i32
        %dma_wait3A_145 = tpu.memref_slice %arg7[%arg0, %dma_wait3A_143, %dma_wait3A_144] : memref<2x10000x144xf32, #tpu.memory_space<hbm>> -> memref<1x16x144xf32, #tpu.memory_space<hbm>>
        %dma_wait3A_146 = tpu.memref_squeeze %dma_wait3A_145 : memref<1x16x144xf32, #tpu.memory_space<hbm>> -> memref<16x144xf32, #tpu.memory_space<hbm>>
        %dma_wait3A_147 = arith.constant 9984 : i32
        %dma_wait3A_148 = arith.constant 0 : i32
        %dma_wait3A_149 = tpu.memref_slice %arg16[%dma_wait3A_147, %dma_wait3A_148] : memref<10000x144xf32, #tpu.memory_space<vmem_shared>> -> memref<16x144xf32, #tpu.memory_space<vmem_shared>>
        tpu.wait_dma2 semaphore(%run_scoped3A : memref<!tpu.dma_semaphore, #tpu.memory_space<semaphore_mem>>) src(%dma_wait3A_149 : memref<16x144xf32, #tpu.memory_space<vmem_shared>>) dst(%dma_wait3A_146 : memref<16x144xf32, #tpu.memory_space<hbm>>)
        tpu.yield
      }) : () -> ()
    } else {
    }
    return
  }
}

module attributes {stable_mosaic.version = 14 : i64} {
  func.func @_encode_body(%arg0: i32, %arg1: memref<2000x128xf32, #tpu.memory_space<vmem>>, %arg2: memref<2000x64xf32, #tpu.memory_space<vmem>>, %arg3: memref<128x128xf32, #tpu.memory_space<vmem>>, %arg4: memref<1x128xf32, #tpu.memory_space<vmem>>, %arg5: memref<64x128xf32, #tpu.memory_space<vmem>>, %arg6: memref<1x128xf32, #tpu.memory_space<vmem>>, %arg7: memref<128x384xf32, #tpu.memory_space<vmem>>, %arg8: memref<1x384xf32, #tpu.memory_space<vmem>>, %arg9: memref<2000x384xf32, #tpu.memory_space<vmem>>) attributes {dimension_semantics = [#tpu.dimension_semantics<arbitrary>], iteration_bounds = array<i64: 5>, scalar_prefetch = 0 : i64, scratch_operands = 0 : i64, tpu.core_type = #tpu.core_type<tc>, window_params = [{transform_indices = @transform_0, window_bounds = array<i64: 2000, 128>}, {transform_indices = @transform_1, window_bounds = array<i64: 2000, 64>}, {pipeline_mode = #tpu.pipeline_mode<synchronous>, transform_indices = @transform_2, window_bounds = array<i64: 128, 128>}, {pipeline_mode = #tpu.pipeline_mode<synchronous>, transform_indices = @transform_3, window_bounds = array<i64: 1, 128>}, {pipeline_mode = #tpu.pipeline_mode<synchronous>, transform_indices = @transform_4, window_bounds = array<i64: 64, 128>}, {pipeline_mode = #tpu.pipeline_mode<synchronous>, transform_indices = @transform_5, window_bounds = array<i64: 1, 128>}, {pipeline_mode = #tpu.pipeline_mode<synchronous>, transform_indices = @transform_6, window_bounds = array<i64: 128, 384>}, {pipeline_mode = #tpu.pipeline_mode<synchronous>, transform_indices = @transform_7, window_bounds = array<i64: 1, 384>}, {transform_indices = @transform_8, window_bounds = array<i64: 2000, 384>}]} {
    %get3A = arith.constant 0 : index
    %get3A_0 = arith.constant 0 : index
    %get3A_1 = vector.load %arg1[%get3A, %get3A_0] : memref<2000x128xf32, #tpu.memory_space<vmem>>, vector<2000x128xf32>
    %get3A_2 = arith.constant 0 : index
    %get3A_3 = arith.constant 0 : index
    %get3A_4 = vector.load %arg3[%get3A_2, %get3A_3] : memref<128x128xf32, #tpu.memory_space<vmem>>, vector<128x128xf32>
    %dot_general3A = arith.constant dense<0.000000e+00> : vector<2000x128xf32>
    %dot_general3A_5 = tpu.matmul %get3A_1, %get3A_4, %dot_general3A {dimension_numbers = #tpu.dot_dimension_numbers<[1], [0], [0], [1], [0, 0, 1, 1], [], []>, transpose_lhs_hint = false} : vector<2000x128xf32>, vector<128x128xf32>, vector<2000x128xf32> -> vector<2000x128xf32>
    %get3A_6 = arith.constant 0 : index
    %get3A_7 = arith.constant 0 : index
    %get3A_8 = vector.load %arg4[%get3A_6, %get3A_7] : memref<1x128xf32, #tpu.memory_space<vmem>>, vector<1x128xf32>
    %add3A = vector.broadcast %get3A_8 : vector<1x128xf32> to vector<2000x128xf32>
    %add3A_9 = arith.addf %dot_general3A_5, %add3A : vector<2000x128xf32>
    %max3A = arith.constant 0.000000e+00 : f32
    %max3A_10 = vector.broadcast %max3A : f32 to vector<2000x128xf32>
    %max3A_11 = arith.maximumf %add3A_9, %max3A_10 : vector<2000x128xf32>
    %get3A_12 = arith.constant 0 : index
    %get3A_13 = arith.constant 0 : index
    %get3A_14 = vector.load %arg2[%get3A_12, %get3A_13] : memref<2000x64xf32, #tpu.memory_space<vmem>>, vector<2000x64xf32>
    %get3A_15 = arith.constant 0 : index
    %get3A_16 = arith.constant 0 : index
    %get3A_17 = vector.load %arg5[%get3A_15, %get3A_16] : memref<64x128xf32, #tpu.memory_space<vmem>>, vector<64x128xf32>
    %dot_general3A_18 = arith.constant dense<0.000000e+00> : vector<2000x128xf32>
    %dot_general3A_19 = tpu.matmul %get3A_14, %get3A_17, %dot_general3A_18 {dimension_numbers = #tpu.dot_dimension_numbers<[1], [0], [0], [1], [0, 0, 1, 1], [], []>, transpose_lhs_hint = false} : vector<2000x64xf32>, vector<64x128xf32>, vector<2000x128xf32> -> vector<2000x128xf32>
    %get3A_20 = arith.constant 0 : index
    %get3A_21 = arith.constant 0 : index
    %get3A_22 = vector.load %arg6[%get3A_20, %get3A_21] : memref<1x128xf32, #tpu.memory_space<vmem>>, vector<1x128xf32>
    %add3A_23 = vector.broadcast %get3A_22 : vector<1x128xf32> to vector<2000x128xf32>
    %add3A_24 = arith.addf %dot_general3A_19, %add3A_23 : vector<2000x128xf32>
    %max3A_25 = arith.constant 0.000000e+00 : f32
    %max3A_26 = vector.broadcast %max3A_25 : f32 to vector<2000x128xf32>
    %max3A_27 = arith.maximumf %add3A_24, %max3A_26 : vector<2000x128xf32>
    %add3A_28 = arith.addf %max3A_11, %max3A_27 : vector<2000x128xf32>
    %get3A_29 = arith.constant 0 : index
    %get3A_30 = arith.constant 0 : index
    %get3A_31 = vector.load %arg7[%get3A_29, %get3A_30] : memref<128x384xf32, #tpu.memory_space<vmem>>, vector<128x384xf32>
    %dot_general3A_32 = arith.constant dense<0.000000e+00> : vector<2000x384xf32>
    %dot_general3A_33 = tpu.matmul %add3A_28, %get3A_31, %dot_general3A_32 {dimension_numbers = #tpu.dot_dimension_numbers<[1], [0], [0], [1], [0, 0, 1, 1], [], []>, transpose_lhs_hint = false} : vector<2000x128xf32>, vector<128x384xf32>, vector<2000x384xf32> -> vector<2000x384xf32>
    %get3A_34 = arith.constant 0 : index
    %get3A_35 = arith.constant 0 : index
    %get3A_36 = vector.load %arg8[%get3A_34, %get3A_35] : memref<1x384xf32, #tpu.memory_space<vmem>>, vector<1x384xf32>
    %add3A_37 = vector.broadcast %get3A_36 : vector<1x384xf32> to vector<2000x384xf32>
    %add3A_38 = arith.addf %dot_general3A_33, %add3A_37 : vector<2000x384xf32>
    %swap3A = arith.constant 0 : index
    %swap3A_39 = arith.constant 0 : index
    %swap3A_40 = vector.load %arg9[%swap3A, %swap3A_39] : memref<2000x384xf32, #tpu.memory_space<vmem>>, vector<2000x384xf32>
    tpu.vector_store %arg9[%swap3A, %swap3A_39], %add3A_38 {strides = array<i32>} : memref<2000x384xf32, #tpu.memory_space<vmem>>, vector<2000x384xf32>,
    return
  }
  func.func @transform_0(%arg0: i32) -> (i32, i32) {
    %c0_i32 = arith.constant 0 : i32
    %c0_i32_0 = arith.constant 0 : i32
    return %arg0, %c0_i32 : i32, i32
  }
  func.func @transform_1(%arg0: i32) -> (i32, i32) {
    %c0_i32 = arith.constant 0 : i32
    %c0_i32_0 = arith.constant 0 : i32
    return %arg0, %c0_i32 : i32, i32
  }
  func.func @transform_2(%arg0: i32) -> (i32, i32) {
    %c0_i32 = arith.constant 0 : i32
    %c0_i32_0 = arith.constant 0 : i32
    %c0_i32_1 = arith.constant 0 : i32
    return %c0_i32, %c0_i32_0 : i32, i32
  }
  func.func @transform_3(%arg0: i32) -> (i32, i32) {
    %c0_i32 = arith.constant 0 : i32
    %c0_i32_0 = arith.constant 0 : i32
    %c0_i32_1 = arith.constant 0 : i32
    return %c0_i32, %c0_i32_0 : i32, i32
  }
  func.func @transform_4(%arg0: i32) -> (i32, i32) {
    %c0_i32 = arith.constant 0 : i32
    %c0_i32_0 = arith.constant 0 : i32
    %c0_i32_1 = arith.constant 0 : i32
    return %c0_i32, %c0_i32_0 : i32, i32
  }
  func.func @transform_5(%arg0: i32) -> (i32, i32) {
    %c0_i32 = arith.constant 0 : i32
    %c0_i32_0 = arith.constant 0 : i32
    %c0_i32_1 = arith.constant 0 : i32
    return %c0_i32, %c0_i32_0 : i32, i32
  }
  func.func @transform_6(%arg0: i32) -> (i32, i32) {
    %c0_i32 = arith.constant 0 : i32
    %c0_i32_0 = arith.constant 0 : i32
    %c0_i32_1 = arith.constant 0 : i32
    return %c0_i32, %c0_i32_0 : i32, i32
  }
  func.func @transform_7(%arg0: i32) -> (i32, i32) {
    %c0_i32 = arith.constant 0 : i32
    %c0_i32_0 = arith.constant 0 : i32
    %c0_i32_1 = arith.constant 0 : i32
    return %c0_i32, %c0_i32_0 : i32, i32
  }
  func.func @transform_8(%arg0: i32) -> (i32, i32) {
    %c0_i32 = arith.constant 0 : i32
    %c0_i32_0 = arith.constant 0 : i32
    return %arg0, %c0_i32 : i32, i32
  }
}

module attributes {stable_mosaic.version = 14 : i64} {
  func.func @_gru_body(%arg0: i32, %arg1: memref<10000x384xf32, #tpu.memory_space<vmem>>, %arg2: memref<256x1152xbf16, #tpu.memory_space<vmem>>, %arg3: memref<1x1152xf32, #tpu.memory_space<vmem>>, %arg4: memref<10000x128xf32, #tpu.memory_space<vmem>>) attributes {dimension_semantics = [#tpu.dimension_semantics<arbitrary>], iteration_bounds = array<i64: 1>, scalar_prefetch = 0 : i64, scratch_operands = 0 : i64, tpu.core_type = #tpu.core_type<tc>, window_params = [{pipeline_mode = #tpu.pipeline_mode<synchronous>, transform_indices = @transform_0, window_bounds = array<i64: 10000, 384>}, {pipeline_mode = #tpu.pipeline_mode<synchronous>, transform_indices = @transform_1, window_bounds = array<i64: 256, 1152>}, {pipeline_mode = #tpu.pipeline_mode<synchronous>, transform_indices = @transform_2, window_bounds = array<i64: 1, 1152>}, {pipeline_mode = #tpu.pipeline_mode<synchronous>, transform_indices = @transform_3, window_bounds = array<i64: 10000, 128>}]} {
    %get3A = arith.constant 0 : index
    %get3A_0 = arith.constant 0 : index
    %get3A_1 = vector.load %arg2[%get3A, %get3A_0] : memref<256x1152xbf16, #tpu.memory_space<vmem>>, vector<256x1152xbf16>
    %get3A_2 = arith.constant 0 : index
    %get3A_3 = arith.constant 0 : index
    %get3A_4 = vector.load %arg3[%get3A_2, %get3A_3] : memref<1x1152xf32, #tpu.memory_space<vmem>>, vector<1x1152xf32>
    %broadcast_in_dim3A = vector.shape_cast %get3A_4 : vector<1x1152xf32> to vector<1x1152xf32>
    %broadcast_in_dim3A_5 = vector.broadcast %broadcast_in_dim3A : vector<1x1152xf32> to vector<8x1152xf32>
    %broadcast_in_dim3A_6 = arith.constant 0.000000e+00 : f32
    %broadcast_in_dim3A_7 = vector.broadcast %broadcast_in_dim3A_6 : f32 to vector<8x128xf32>
    %get3A_8 = arith.constant 0 : index
    %get3A_9 = arith.constant 0 : index
    %get3A_10 = vector.load %arg1[%get3A_8, %get3A_9] : memref<10000x384xf32, #tpu.memory_space<vmem>>, vector<1x384xf32>
    %broadcast_in_dim3A_11 = vector.shape_cast %get3A_10 : vector<1x384xf32> to vector<1x384xf32>
    %broadcast_in_dim3A_12 = vector.broadcast %broadcast_in_dim3A_11 : vector<1x384xf32> to vector<8x384xf32>
    %slice3A = vector.extract_strided_slice %broadcast_in_dim3A_5 {offsets = [0, 0], sizes = [8, 384], strides = [1, 1]} : vector<8x1152xf32> to vector<8x384xf32>
    %slice3A_13 = vector.extract_strided_slice %broadcast_in_dim3A_12 {offsets = [0, 0], sizes = [8, 128], strides = [1, 1]} : vector<8x384xf32> to vector<8x128xf32>
    %slice3A_14 = vector.extract_strided_slice %slice3A {offsets = [0, 0], sizes = [8, 128], strides = [1, 1]} : vector<8x384xf32> to vector<8x128xf32>
    %add3A = arith.addf %slice3A_13, %slice3A_14 : vector<8x128xf32>
    %logistic3A = arith.negf %add3A : vector<8x128xf32>
    %logistic3A_15 = math.exp %logistic3A : vector<8x128xf32>
    %logistic3A_16 = arith.constant 1.000000e+00 : f32
    %logistic3A_17 = vector.broadcast %logistic3A_16 : f32 to vector<8x128xf32>
    %logistic3A_18 = arith.addf %logistic3A_17, %logistic3A_15 : vector<8x128xf32>
    %logistic3A_19 = arith.divf %logistic3A_17, %logistic3A_18 : vector<8x128xf32>
    %slice3A_20 = vector.extract_strided_slice %broadcast_in_dim3A_12 {offsets = [0, 128], sizes = [8, 128], strides = [1, 1]} : vector<8x384xf32> to vector<8x128xf32>
    %slice3A_21 = vector.extract_strided_slice %slice3A {offsets = [0, 128], sizes = [8, 128], strides = [1, 1]} : vector<8x384xf32> to vector<8x128xf32>
    %add3A_22 = arith.addf %slice3A_20, %slice3A_21 : vector<8x128xf32>
    %logistic3A_23 = arith.negf %add3A_22 : vector<8x128xf32>
    %logistic3A_24 = math.exp %logistic3A_23 : vector<8x128xf32>
    %logistic3A_25 = arith.constant 1.000000e+00 : f32
    %logistic3A_26 = vector.broadcast %logistic3A_25 : f32 to vector<8x128xf32>
    %logistic3A_27 = arith.addf %logistic3A_26, %logistic3A_24 : vector<8x128xf32>
    %logistic3A_28 = arith.divf %logistic3A_26, %logistic3A_27 : vector<8x128xf32>
    %slice3A_29 = vector.extract_strided_slice %broadcast_in_dim3A_12 {offsets = [0, 256], sizes = [8, 128], strides = [1, 1]} : vector<8x384xf32> to vector<8x128xf32>
    %slice3A_30 = vector.extract_strided_slice %slice3A {offsets = [0, 256], sizes = [8, 128], strides = [1, 1]} : vector<8x384xf32> to vector<8x128xf32>
    %mul3A = arith.mulf %logistic3A_19, %slice3A_30 : vector<8x128xf32>
    %add3A_31 = arith.addf %slice3A_29, %mul3A : vector<8x128xf32>
    %tanh3A = math.tanh %add3A_31 : vector<8x128xf32>
    %sub3A = arith.constant 1.000000e+00 : f32
    %sub3A_32 = vector.broadcast %sub3A : f32 to vector<8x128xf32>
    %sub3A_33 = arith.subf %sub3A_32, %logistic3A_28 : vector<8x128xf32>
    %mul3A_34 = arith.mulf %sub3A_33, %tanh3A : vector<8x128xf32>
    %mul3A_35 = arith.mulf %logistic3A_28, %broadcast_in_dim3A_7 : vector<8x128xf32>
    %add3A_36 = arith.addf %mul3A_34, %mul3A_35 : vector<8x128xf32>
    %scan3A = arith.constant 1 : i32
    %scan3A_37 = arith.constant 9999 : i32
    %scan3A_38 = arith.addi %scan3A, %scan3A_37 : i32
    %scan3A_39 = arith.constant 1 : i32
    %scan3A_40:2 = scf.for %scan3A_80 = %scan3A to %scan3A_38 step %scan3A_39 iter_args(%scan3A_81 = %add3A_36, %scan3A_82 = %broadcast_in_dim3A_7) -> (vector<8x128xf32>, vector<8x128xf32>)  : i32 {
      %concatenate3A_83 = tpu.concatenate %scan3A_81, %scan3A_82 in 1 : vector<8x128xf32>, vector<8x128xf32> -> vector<8x256xf32>
      %convert_element_type3A_84 = arith.truncf %concatenate3A_83 : vector<8x256xf32> to vector<8x256xbf16>
      %dot_general3A_85 = arith.constant dense<0.000000e+00> : vector<8x1152xf32>
      %dot_general3A_86 = tpu.matmul %convert_element_type3A_84, %get3A_1, %dot_general3A_85 {dimension_numbers = #tpu.dot_dimension_numbers<[1], [0], [0], [1], [0, 0, 1, 1], [], []>, transpose_lhs_hint = false} : vector<8x256xbf16>, vector<256x1152xbf16>, vector<8x1152xf32> -> vector<8x1152xf32>
      %add3A_87 = arith.addf %dot_general3A_86, %broadcast_in_dim3A_5 : vector<8x1152xf32>
      %get3A_88 = arith.index_cast %scan3A_80 : i32 to index
      %get3A_89 = arith.constant 0 : index
      %get3A_90 = vector.load %arg1[%get3A_88, %get3A_89] : memref<10000x384xf32, #tpu.memory_space<vmem>>, vector<1x384xf32>
      %broadcast_in_dim3A_91 = vector.shape_cast %get3A_90 : vector<1x384xf32> to vector<1x384xf32>
      %broadcast_in_dim3A_92 = vector.broadcast %broadcast_in_dim3A_91 : vector<1x384xf32> to vector<8x384xf32>
      %slice3A_93 = vector.extract_strided_slice %add3A_87 {offsets = [0, 0], sizes = [8, 384], strides = [1, 1]} : vector<8x1152xf32> to vector<8x384xf32>
      %slice3A_94 = vector.extract_strided_slice %broadcast_in_dim3A_92 {offsets = [0, 0], sizes = [8, 128], strides = [1, 1]} : vector<8x384xf32> to vector<8x128xf32>
      %slice3A_95 = vector.extract_strided_slice %slice3A_93 {offsets = [0, 0], sizes = [8, 128], strides = [1, 1]} : vector<8x384xf32> to vector<8x128xf32>
      %add3A_96 = arith.addf %slice3A_94, %slice3A_95 : vector<8x128xf32>
      %logistic3A_97 = arith.negf %add3A_96 : vector<8x128xf32>
      %logistic3A_98 = math.exp %logistic3A_97 : vector<8x128xf32>
      %logistic3A_99 = arith.constant 1.000000e+00 : f32
      %logistic3A_100 = vector.broadcast %logistic3A_99 : f32 to vector<8x128xf32>
      %logistic3A_101 = arith.addf %logistic3A_100, %logistic3A_98 : vector<8x128xf32>
      %logistic3A_102 = arith.divf %logistic3A_100, %logistic3A_101 : vector<8x128xf32>
      %slice3A_103 = vector.extract_strided_slice %broadcast_in_dim3A_92 {offsets = [0, 128], sizes = [8, 128], strides = [1, 1]} : vector<8x384xf32> to vector<8x128xf32>
      %slice3A_104 = vector.extract_strided_slice %slice3A_93 {offsets = [0, 128], sizes = [8, 128], strides = [1, 1]} : vector<8x384xf32> to vector<8x128xf32>
      %add3A_105 = arith.addf %slice3A_103, %slice3A_104 : vector<8x128xf32>
      %logistic3A_106 = arith.negf %add3A_105 : vector<8x128xf32>
      %logistic3A_107 = math.exp %logistic3A_106 : vector<8x128xf32>
      %logistic3A_108 = arith.constant 1.000000e+00 : f32
      %logistic3A_109 = vector.broadcast %logistic3A_108 : f32 to vector<8x128xf32>
      %logistic3A_110 = arith.addf %logistic3A_109, %logistic3A_107 : vector<8x128xf32>
      %logistic3A_111 = arith.divf %logistic3A_109, %logistic3A_110 : vector<8x128xf32>
      %slice3A_112 = vector.extract_strided_slice %broadcast_in_dim3A_92 {offsets = [0, 256], sizes = [8, 128], strides = [1, 1]} : vector<8x384xf32> to vector<8x128xf32>
      %slice3A_113 = vector.extract_strided_slice %slice3A_93 {offsets = [0, 256], sizes = [8, 128], strides = [1, 1]} : vector<8x384xf32> to vector<8x128xf32>
      %mul3A_114 = arith.mulf %logistic3A_102, %slice3A_113 : vector<8x128xf32>
      %add3A_115 = arith.addf %slice3A_112, %mul3A_114 : vector<8x128xf32>
      %tanh3A_116 = math.tanh %add3A_115 : vector<8x128xf32>
      %sub3A_117 = arith.constant 1.000000e+00 : f32
      %sub3A_118 = vector.broadcast %sub3A_117 : f32 to vector<8x128xf32>
      %sub3A_119 = arith.subf %sub3A_118, %logistic3A_111 : vector<8x128xf32>
      %mul3A_120 = arith.mulf %sub3A_119, %tanh3A_116 : vector<8x128xf32>
      %mul3A_121 = arith.mulf %logistic3A_111, %scan3A_81 : vector<8x128xf32>
      %add3A_122 = arith.addf %mul3A_120, %mul3A_121 : vector<8x128xf32>
      %slice3A_123 = vector.extract_strided_slice %add3A_87 {offsets = [0, 768], sizes = [8, 384], strides = [1, 1]} : vector<8x1152xf32> to vector<8x384xf32>
      %slice3A_124 = vector.extract_strided_slice %add3A_87 {offsets = [0, 384], sizes = [8, 384], strides = [1, 1]} : vector<8x1152xf32> to vector<8x384xf32>
      %slice3A_125 = vector.extract_strided_slice %slice3A_123 {offsets = [0, 0], sizes = [8, 128], strides = [1, 1]} : vector<8x384xf32> to vector<8x128xf32>
      %slice3A_126 = vector.extract_strided_slice %slice3A_124 {offsets = [0, 0], sizes = [8, 128], strides = [1, 1]} : vector<8x384xf32> to vector<8x128xf32>
      %add3A_127 = arith.addf %slice3A_125, %slice3A_126 : vector<8x128xf32>
      %logistic3A_128 = arith.negf %add3A_127 : vector<8x128xf32>
      %logistic3A_129 = math.exp %logistic3A_128 : vector<8x128xf32>
      %logistic3A_130 = arith.constant 1.000000e+00 : f32
      %logistic3A_131 = vector.broadcast %logistic3A_130 : f32 to vector<8x128xf32>
      %logistic3A_132 = arith.addf %logistic3A_131, %logistic3A_129 : vector<8x128xf32>
      %logistic3A_133 = arith.divf %logistic3A_131, %logistic3A_132 : vector<8x128xf32>
      %slice3A_134 = vector.extract_strided_slice %slice3A_123 {offsets = [0, 128], sizes = [8, 128], strides = [1, 1]} : vector<8x384xf32> to vector<8x128xf32>
      %slice3A_135 = vector.extract_strided_slice %slice3A_124 {offsets = [0, 128], sizes = [8, 128], strides = [1, 1]} : vector<8x384xf32> to vector<8x128xf32>
      %add3A_136 = arith.addf %slice3A_134, %slice3A_135 : vector<8x128xf32>
      %logistic3A_137 = arith.negf %add3A_136 : vector<8x128xf32>
      %logistic3A_138 = math.exp %logistic3A_137 : vector<8x128xf32>
      %logistic3A_139 = arith.constant 1.000000e+00 : f32
      %logistic3A_140 = vector.broadcast %logistic3A_139 : f32 to vector<8x128xf32>
      %logistic3A_141 = arith.addf %logistic3A_140, %logistic3A_138 : vector<8x128xf32>
      %logistic3A_142 = arith.divf %logistic3A_140, %logistic3A_141 : vector<8x128xf32>
      %slice3A_143 = vector.extract_strided_slice %slice3A_123 {offsets = [0, 256], sizes = [8, 128], strides = [1, 1]} : vector<8x384xf32> to vector<8x128xf32>
      %slice3A_144 = vector.extract_strided_slice %slice3A_124 {offsets = [0, 256], sizes = [8, 128], strides = [1, 1]} : vector<8x384xf32> to vector<8x128xf32>
      %mul3A_145 = arith.mulf %logistic3A_133, %slice3A_144 : vector<8x128xf32>
      %add3A_146 = arith.addf %slice3A_143, %mul3A_145 : vector<8x128xf32>
      %tanh3A_147 = math.tanh %add3A_146 : vector<8x128xf32>
      %sub3A_148 = arith.constant 1.000000e+00 : f32
      %sub3A_149 = vector.broadcast %sub3A_148 : f32 to vector<8x128xf32>
      %sub3A_150 = arith.subf %sub3A_149, %logistic3A_142 : vector<8x128xf32>
      %mul3A_151 = arith.mulf %sub3A_150, %tanh3A_147 : vector<8x128xf32>
      %mul3A_152 = arith.mulf %logistic3A_142, %scan3A_82 : vector<8x128xf32>
      %add3A_153 = arith.addf %mul3A_151, %mul3A_152 : vector<8x128xf32>
      %slice3A_154 = vector.extract_strided_slice %add3A_153 {offsets = [0, 0], sizes = [1, 128], strides = [1, 1]} : vector<8x128xf32> to vector<1x128xf32>
      %max3A_155 = arith.constant 0.000000e+00 : f32
      %max3A_156 = vector.broadcast %max3A_155 : f32 to vector<1x128xf32>
      %max3A_157 = arith.maximumf %slice3A_154, %max3A_156 : vector<1x128xf32>
      %sub3A_158 = arith.constant 1 : i32
      %sub3A_159 = arith.subi %scan3A_80, %sub3A_158 : i32
      %swap3A_160 = arith.index_cast %sub3A_159 : i32 to index
      %swap3A_161 = arith.constant 0 : index
      %swap3A_162 = vector.load %arg4[%swap3A_160, %swap3A_161] : memref<10000x128xf32, #tpu.memory_space<vmem>>, vector<1x128xf32>
      tpu.vector_store %arg4[%swap3A_160, %swap3A_161], %max3A_157 {strides = array<i32>} : memref<10000x128xf32, #tpu.memory_space<vmem>>, vector<1x128xf32>,
      scf.yield %add3A_122, %add3A_153 : vector<8x128xf32>, vector<8x128xf32>
    }
    %scan3A_41 = arith.constant 9999 : i32
    %concatenate3A = tpu.concatenate %scan3A_40#0, %scan3A_40#1 in 1 : vector<8x128xf32>, vector<8x128xf32> -> vector<8x256xf32>
    %convert_element_type3A = arith.truncf %concatenate3A : vector<8x256xf32> to vector<8x256xbf16>
    %dot_general3A = arith.constant dense<0.000000e+00> : vector<8x1152xf32>
    %dot_general3A_42 = tpu.matmul %convert_element_type3A, %get3A_1, %dot_general3A {dimension_numbers = #tpu.dot_dimension_numbers<[1], [0], [0], [1], [0, 0, 1, 1], [], []>, transpose_lhs_hint = false} : vector<8x256xbf16>, vector<256x1152xbf16>, vector<8x1152xf32> -> vector<8x1152xf32>
    %add3A_43 = arith.addf %dot_general3A_42, %broadcast_in_dim3A_5 : vector<8x1152xf32>
    %slice3A_44 = vector.extract_strided_slice %add3A_43 {offsets = [0, 768], sizes = [8, 384], strides = [1, 1]} : vector<8x1152xf32> to vector<8x384xf32>
    %slice3A_45 = vector.extract_strided_slice %add3A_43 {offsets = [0, 384], sizes = [8, 384], strides = [1, 1]} : vector<8x1152xf32> to vector<8x384xf32>
    %slice3A_46 = vector.extract_strided_slice %slice3A_44 {offsets = [0, 0], sizes = [8, 128], strides = [1, 1]} : vector<8x384xf32> to vector<8x128xf32>
    %slice3A_47 = vector.extract_strided_slice %slice3A_45 {offsets = [0, 0], sizes = [8, 128], strides = [1, 1]} : vector<8x384xf32> to vector<8x128xf32>
    %add3A_48 = arith.addf %slice3A_46, %slice3A_47 : vector<8x128xf32>
    %logistic3A_49 = arith.negf %add3A_48 : vector<8x128xf32>
    %logistic3A_50 = math.exp %logistic3A_49 : vector<8x128xf32>
    %logistic3A_51 = arith.constant 1.000000e+00 : f32
    %logistic3A_52 = vector.broadcast %logistic3A_51 : f32 to vector<8x128xf32>
    %logistic3A_53 = arith.addf %logistic3A_52, %logistic3A_50 : vector<8x128xf32>
    %logistic3A_54 = arith.divf %logistic3A_52, %logistic3A_53 : vector<8x128xf32>
    %slice3A_55 = vector.extract_strided_slice %slice3A_44 {offsets = [0, 128], sizes = [8, 128], strides = [1, 1]} : vector<8x384xf32> to vector<8x128xf32>
    %slice3A_56 = vector.extract_strided_slice %slice3A_45 {offsets = [0, 128], sizes = [8, 128], strides = [1, 1]} : vector<8x384xf32> to vector<8x128xf32>
    %add3A_57 = arith.addf %slice3A_55, %slice3A_56 : vector<8x128xf32>
    %logistic3A_58 = arith.negf %add3A_57 : vector<8x128xf32>
    %logistic3A_59 = math.exp %logistic3A_58 : vector<8x128xf32>
    %logistic3A_60 = arith.constant 1.000000e+00 : f32
    %logistic3A_61 = vector.broadcast %logistic3A_60 : f32 to vector<8x128xf32>
    %logistic3A_62 = arith.addf %logistic3A_61, %logistic3A_59 : vector<8x128xf32>
    %logistic3A_63 = arith.divf %logistic3A_61, %logistic3A_62 : vector<8x128xf32>
    %slice3A_64 = vector.extract_strided_slice %slice3A_44 {offsets = [0, 256], sizes = [8, 128], strides = [1, 1]} : vector<8x384xf32> to vector<8x128xf32>
    %slice3A_65 = vector.extract_strided_slice %slice3A_45 {offsets = [0, 256], sizes = [8, 128], strides = [1, 1]} : vector<8x384xf32> to vector<8x128xf32>
    %mul3A_66 = arith.mulf %logistic3A_54, %slice3A_65 : vector<8x128xf32>
    %add3A_67 = arith.addf %slice3A_64, %mul3A_66 : vector<8x128xf32>
    %tanh3A_68 = math.tanh %add3A_67 : vector<8x128xf32>
    %sub3A_69 = arith.constant 1.000000e+00 : f32
    %sub3A_70 = vector.broadcast %sub3A_69 : f32 to vector<8x128xf32>
    %sub3A_71 = arith.subf %sub3A_70, %logistic3A_63 : vector<8x128xf32>
    %mul3A_72 = arith.mulf %sub3A_71, %tanh3A_68 : vector<8x128xf32>
    %mul3A_73 = arith.mulf %logistic3A_63, %scan3A_40#1 : vector<8x128xf32>
    %add3A_74 = arith.addf %mul3A_72, %mul3A_73 : vector<8x128xf32>
    %slice3A_75 = vector.extract_strided_slice %add3A_74 {offsets = [0, 0], sizes = [1, 128], strides = [1, 1]} : vector<8x128xf32> to vector<1x128xf32>
    %max3A = arith.constant 0.000000e+00 : f32
    %max3A_76 = vector.broadcast %max3A : f32 to vector<1x128xf32>
    %max3A_77 = arith.maximumf %slice3A_75, %max3A_76 : vector<1x128xf32>
    %swap3A = arith.constant 9999 : index
    %swap3A_78 = arith.constant 0 : index
    %swap3A_79 = vector.load %arg4[%swap3A, %swap3A_78] : memref<10000x128xf32, #tpu.memory_space<vmem>>, vector<1x128xf32>
    tpu.vector_store %arg4[%swap3A, %swap3A_78], %max3A_77 {strides = array<i32>} : memref<10000x128xf32, #tpu.memory_space<vmem>>, vector<1x128xf32>,
    return
  }
  func.func @transform_0(%arg0: i32) -> (i32, i32) {
    %c0_i32 = arith.constant 0 : i32
    %c0_i32_0 = arith.constant 0 : i32
    %c0_i32_1 = arith.constant 0 : i32
    return %c0_i32, %c0_i32_0 : i32, i32
  }
  func.func @transform_1(%arg0: i32) -> (i32, i32) {
    %c0_i32 = arith.constant 0 : i32
    %c0_i32_0 = arith.constant 0 : i32
    %c0_i32_1 = arith.constant 0 : i32
    return %c0_i32, %c0_i32_0 : i32, i32
  }
  func.func @transform_2(%arg0: i32) -> (i32, i32) {
    %c0_i32 = arith.constant 0 : i32
    %c0_i32_0 = arith.constant 0 : i32
    %c0_i32_1 = arith.constant 0 : i32
    return %c0_i32, %c0_i32_0 : i32, i32
  }
  func.func @transform_3(%arg0: i32) -> (i32, i32) {
    %c0_i32 = arith.constant 0 : i32
    %c0_i32_0 = arith.constant 0 : i32
    %c0_i32_1 = arith.constant 0 : i32
    return %c0_i32, %c0_i32_0 : i32, i32
  }
}

module attributes {stable_mosaic.version = 14 : i64} {
  func.func @_prep_body(%arg0: i32, %arg1: memref<2000x128xf32, #tpu.memory_space<vmem>>, %arg2: memref<128x128xf32, #tpu.memory_space<vmem>>, %arg3: memref<128x1xf32, #tpu.memory_space<vmem>>, %arg4: memref<128x1xf32, #tpu.memory_space<vmem>>, %arg5: memref<2000x144xf32, #tpu.memory_space<vmem>>, %arg6: memref<2000x1xf32, #tpu.memory_space<vmem>>) attributes {dimension_semantics = [#tpu.dimension_semantics<arbitrary>], iteration_bounds = array<i64: 5>, scalar_prefetch = 0 : i64, scratch_operands = 0 : i64, tpu.core_type = #tpu.core_type<tc>, window_params = [{transform_indices = @transform_0, window_bounds = array<i64: 2000, 128>}, {pipeline_mode = #tpu.pipeline_mode<synchronous>, transform_indices = @transform_1, window_bounds = array<i64: 128, 128>}, {pipeline_mode = #tpu.pipeline_mode<synchronous>, transform_indices = @transform_2, window_bounds = array<i64: 128, 1>}, {pipeline_mode = #tpu.pipeline_mode<synchronous>, transform_indices = @transform_3, window_bounds = array<i64: 128, 1>}, {transform_indices = @transform_4, window_bounds = array<i64: 2000, 144>}, {transform_indices = @transform_5, window_bounds = array<i64: 2000, 1>}]} {
    %get3A = arith.constant 0 : index
    %get3A_0 = arith.constant 0 : index
    %get3A_1 = vector.load %arg1[%get3A, %get3A_0] : memref<2000x128xf32, #tpu.memory_space<vmem>>, vector<2000x128xf32>
    %get3A_2 = arith.constant 0 : index
    %get3A_3 = arith.constant 0 : index
    %get3A_4 = vector.load %arg2[%get3A_2, %get3A_3] : memref<128x128xf32, #tpu.memory_space<vmem>>, vector<128x128xf32>
    %dot_general3A = arith.constant dense<0.000000e+00> : vector<2000x128xf32>
    %dot_general3A_5 = tpu.matmul %get3A_1, %get3A_4, %dot_general3A {dimension_numbers = #tpu.dot_dimension_numbers<[1], [0], [0], [1], [0, 0, 1, 1], [], []>, transpose_lhs_hint = false} : vector<2000x128xf32>, vector<128x128xf32>, vector<2000x128xf32> -> vector<2000x128xf32>
    %get3A_6 = arith.constant 0 : index
    %get3A_7 = arith.constant 0 : index
    %get3A_8 = vector.load %arg3[%get3A_6, %get3A_7] : memref<128x1xf32, #tpu.memory_space<vmem>>, vector<128x1xf32>
    %dot_general3A_9 = arith.constant dense<0.000000e+00> : vector<2000x1xf32>
    %dot_general3A_10 = tpu.matmul %dot_general3A_5, %get3A_8, %dot_general3A_9 {dimension_numbers = #tpu.dot_dimension_numbers<[1], [0], [0], [1], [0, 0, 1, 1], [], []>, transpose_lhs_hint = false} : vector<2000x128xf32>, vector<128x1xf32>, vector<2000x1xf32> -> vector<2000x1xf32>
    %get3A_11 = arith.constant 0 : index
    %get3A_12 = arith.constant 0 : index
    %get3A_13 = vector.load %arg4[%get3A_11, %get3A_12] : memref<128x1xf32, #tpu.memory_space<vmem>>, vector<128x1xf32>
    %dot_general3A_14 = arith.constant dense<0.000000e+00> : vector<2000x1xf32>
    %dot_general3A_15 = tpu.matmul %dot_general3A_5, %get3A_13, %dot_general3A_14 {dimension_numbers = #tpu.dot_dimension_numbers<[1], [0], [0], [1], [0, 0, 1, 1], [], []>, transpose_lhs_hint = false} : vector<2000x128xf32>, vector<128x1xf32>, vector<2000x1xf32> -> vector<2000x1xf32>
    %swap3A = arith.constant 0 : index
    %swap3A_16 = arith.constant 0 : index
    %swap3A_17 = vector.load %arg6[%swap3A, %swap3A_16] : memref<2000x1xf32, #tpu.memory_space<vmem>>, vector<2000x1xf32>
    tpu.vector_store %arg6[%swap3A, %swap3A_16], %dot_general3A_15 {strides = array<i32>} : memref<2000x1xf32, #tpu.memory_space<vmem>>, vector<2000x1xf32>,
    %iota3A = tpu.iota {dimensions = array<i32: 1>} : vector<2000x16xi32>
    %eq3A = arith.constant 0 : i32
    %eq3A_18 = vector.broadcast %eq3A : i32 to vector<2000x16xi32>
    %eq3A_19 = arith.cmpi eq, %iota3A, %eq3A_18 : vector<2000x16xi32>
    %eq3A_20 = arith.constant 1 : i32
    %eq3A_21 = vector.broadcast %eq3A_20 : i32 to vector<2000x16xi32>
    %eq3A_22 = arith.cmpi eq, %iota3A, %eq3A_21 : vector<2000x16xi32>
    %jit3A = arith.constant 0.000000e+00 : f32
    %broadcast_in_dim3A = vector.shape_cast %dot_general3A_10 : vector<2000x1xf32> to vector<2000x1xf32>
    %broadcast_in_dim3A_23 = vector.broadcast %broadcast_in_dim3A : vector<2000x1xf32> to vector<2000x16xf32>
    %broadcast_in_dim3A_24 = vector.broadcast %jit3A : f32 to vector<2000x16xf32>
    %select_n3A = arith.select %eq3A_22, %broadcast_in_dim3A_23, %broadcast_in_dim3A_24 : vector<2000x16xi1>, vector<2000x16xf32>
    %jit3A_25 = arith.constant 1.000000e+00 : f32
    %broadcast_in_dim3A_26 = vector.broadcast %jit3A_25 : f32 to vector<2000x16xf32>
    %select_n3A_27 = arith.select %eq3A_19, %broadcast_in_dim3A_26, %select_n3A : vector<2000x16xi1>, vector<2000x16xf32>
    %concatenate3A = tpu.concatenate %dot_general3A_5, %select_n3A_27 in 1 : vector<2000x128xf32>, vector<2000x16xf32> -> vector<2000x144xf32>
    %swap3A_28 = arith.constant 0 : index
    %swap3A_29 = arith.constant 0 : index
    %swap3A_30 = vector.load %arg5[%swap3A_28, %swap3A_29] : memref<2000x144xf32, #tpu.memory_space<vmem>>, vector<2000x144xf32>
    tpu.vector_store %arg5[%swap3A_28, %swap3A_29], %concatenate3A {strides = array<i32>} : memref<2000x144xf32, #tpu.memory_space<vmem>>, vector<2000x144xf32>,
    return
  }
  func.func @transform_0(%arg0: i32) -> (i32, i32) {
    %c0_i32 = arith.constant 0 : i32
    %c0_i32_0 = arith.constant 0 : i32
    return %arg0, %c0_i32 : i32, i32
  }
  func.func @transform_1(%arg0: i32) -> (i32, i32) {
    %c0_i32 = arith.constant 0 : i32
    %c0_i32_0 = arith.constant 0 : i32
    %c0_i32_1 = arith.constant 0 : i32
    return %c0_i32, %c0_i32_0 : i32, i32
  }
  func.func @transform_2(%arg0: i32) -> (i32, i32) {
    %c0_i32 = arith.constant 0 : i32
    %c0_i32_0 = arith.constant 0 : i32
    %c0_i32_1 = arith.constant 0 : i32
    return %c0_i32, %c0_i32_0 : i32, i32
  }
  func.func @transform_3(%arg0: i32) -> (i32, i32) {
    %c0_i32 = arith.constant 0 : i32
    %c0_i32_0 = arith.constant 0 : i32
    %c0_i32_1 = arith.constant 0 : i32
    return %c0_i32, %c0_i32_0 : i32, i32
  }
  func.func @transform_4(%arg0: i32) -> (i32, i32) {
    %c0_i32 = arith.constant 0 : i32
    %c0_i32_0 = arith.constant 0 : i32
    return %arg0, %c0_i32 : i32, i32
  }
  func.func @transform_5(%arg0: i32) -> (i32, i32) {
    %c0_i32 = arith.constant 0 : i32
    %c0_i32_0 = arith.constant 0 : i32
    return %arg0, %c0_i32 : i32, i32
  }
}

module attributes {stable_mosaic.version = 14 : i64} {
  func.func @_mid_body(%arg0: i32, %arg1: memref<1x2000x144xf32, #tpu.memory_space<vmem>>, %arg2: memref<1x2000x144xf32, #tpu.memory_space<vmem>>, %arg3: memref<128x128xf32, #tpu.memory_space<vmem>>, %arg4: memref<128x1xf32, #tpu.memory_space<vmem>>, %arg5: memref<128x1xf32, #tpu.memory_space<vmem>>, %arg6: memref<2000x144xf32, #tpu.memory_space<vmem>>, %arg7: memref<2000x1xf32, #tpu.memory_space<vmem>>) attributes {dimension_semantics = [#tpu.dimension_semantics<arbitrary>], iteration_bounds = array<i64: 5>, scalar_prefetch = 0 : i64, scratch_operands = 0 : i64, tpu.core_type = #tpu.core_type<tc>, window_params = [{transform_indices = @transform_0, window_bounds = array<i64: 1, 2000, 144>}, {transform_indices = @transform_1, window_bounds = array<i64: 1, 2000, 144>}, {pipeline_mode = #tpu.pipeline_mode<synchronous>, transform_indices = @transform_2, window_bounds = array<i64: 128, 128>}, {pipeline_mode = #tpu.pipeline_mode<synchronous>, transform_indices = @transform_3, window_bounds = array<i64: 128, 1>}, {pipeline_mode = #tpu.pipeline_mode<synchronous>, transform_indices = @transform_4, window_bounds = array<i64: 128, 1>}, {transform_indices = @transform_5, window_bounds = array<i64: 2000, 144>}, {transform_indices = @transform_6, window_bounds = array<i64: 2000, 1>}]} {
    %get3A = arith.constant 0 : index
    %get3A_0 = arith.constant 0 : index
    %get3A_1 = arith.constant 0 : index
    %get3A_2 = vector.load %arg1[%get3A, %get3A_0, %get3A_1] : memref<1x2000x144xf32, #tpu.memory_space<vmem>>, vector<1x2000x144xf32>
    %get3A_3 = vector.shape_cast %get3A_2 : vector<1x2000x144xf32> to vector<2000x144xf32>
    %get3A_4 = arith.constant 0 : index
    %get3A_5 = arith.constant 0 : index
    %get3A_6 = arith.constant 0 : index
    %get3A_7 = vector.load %arg2[%get3A_4, %get3A_5, %get3A_6] : memref<1x2000x144xf32, #tpu.memory_space<vmem>>, vector<1x2000x144xf32>
    %get3A_8 = vector.shape_cast %get3A_7 : vector<1x2000x144xf32> to vector<2000x144xf32>
    %add3A = arith.addf %get3A_3, %get3A_8 : vector<2000x144xf32>
    %slice3A = vector.extract_strided_slice %add3A {offsets = [0, 128], sizes = [2000, 1], strides = [1, 1]} : vector<2000x144xf32> to vector<2000x1xf32>
    %slice3A_9 = vector.extract_strided_slice %add3A {offsets = [0, 0], sizes = [2000, 128], strides = [1, 1]} : vector<2000x144xf32> to vector<2000x128xf32>
    %add3A_10 = arith.constant 1.000000e-16 : f32
    %add3A_11 = vector.broadcast %add3A_10 : f32 to vector<2000x1xf32>
    %add3A_12 = arith.addf %slice3A, %add3A_11 : vector<2000x1xf32>
    %div3A = vector.broadcast %add3A_12 : vector<2000x1xf32> to vector<2000x128xf32>
    %div3A_13 = arith.divf %slice3A_9, %div3A : vector<2000x128xf32>
    %max3A = arith.constant 0.000000e+00 : f32
    %max3A_14 = vector.broadcast %max3A : f32 to vector<2000x128xf32>
    %max3A_15 = arith.maximumf %div3A_13, %max3A_14 : vector<2000x128xf32>
    %get3A_16 = arith.constant 0 : index
    %get3A_17 = arith.constant 0 : index
    %get3A_18 = vector.load %arg3[%get3A_16, %get3A_17] : memref<128x128xf32, #tpu.memory_space<vmem>>, vector<128x128xf32>
    %dot_general3A = arith.constant dense<0.000000e+00> : vector<2000x128xf32>
    %dot_general3A_19 = tpu.matmul %max3A_15, %get3A_18, %dot_general3A {dimension_numbers = #tpu.dot_dimension_numbers<[1], [0], [0], [1], [0, 0, 1, 1], [], []>, transpose_lhs_hint = false} : vector<2000x128xf32>, vector<128x128xf32>, vector<2000x128xf32> -> vector<2000x128xf32>
    %get3A_20 = arith.constant 0 : index
    %get3A_21 = arith.constant 0 : index
    %get3A_22 = vector.load %arg4[%get3A_20, %get3A_21] : memref<128x1xf32, #tpu.memory_space<vmem>>, vector<128x1xf32>
    %dot_general3A_23 = arith.constant dense<0.000000e+00> : vector<2000x1xf32>
    %dot_general3A_24 = tpu.matmul %dot_general3A_19, %get3A_22, %dot_general3A_23 {dimension_numbers = #tpu.dot_dimension_numbers<[1], [0], [0], [1], [0, 0, 1, 1], [], []>, transpose_lhs_hint = false} : vector<2000x128xf32>, vector<128x1xf32>, vector<2000x1xf32> -> vector<2000x1xf32>
    %get3A_25 = arith.constant 0 : index
    %get3A_26 = arith.constant 0 : index
    %get3A_27 = vector.load %arg5[%get3A_25, %get3A_26] : memref<128x1xf32, #tpu.memory_space<vmem>>, vector<128x1xf32>
    %dot_general3A_28 = arith.constant dense<0.000000e+00> : vector<2000x1xf32>
    %dot_general3A_29 = tpu.matmul %dot_general3A_19, %get3A_27, %dot_general3A_28 {dimension_numbers = #tpu.dot_dimension_numbers<[1], [0], [0], [1], [0, 0, 1, 1], [], []>, transpose_lhs_hint = false} : vector<2000x128xf32>, vector<128x1xf32>, vector<2000x1xf32> -> vector<2000x1xf32>
    %swap3A = arith.constant 0 : index
    %swap3A_30 = arith.constant 0 : index
    %swap3A_31 = vector.load %arg7[%swap3A, %swap3A_30] : memref<2000x1xf32, #tpu.memory_space<vmem>>, vector<2000x1xf32>
    tpu.vector_store %arg7[%swap3A, %swap3A_30], %dot_general3A_29 {strides = array<i32>} : memref<2000x1xf32, #tpu.memory_space<vmem>>, vector<2000x1xf32>,
    %iota3A = tpu.iota {dimensions = array<i32: 1>} : vector<2000x16xi32>
    %eq3A = arith.constant 0 : i32
    %eq3A_32 = vector.broadcast %eq3A : i32 to vector<2000x16xi32>
    %eq3A_33 = arith.cmpi eq, %iota3A, %eq3A_32 : vector<2000x16xi32>
    %eq3A_34 = arith.constant 1 : i32
    %eq3A_35 = vector.broadcast %eq3A_34 : i32 to vector<2000x16xi32>
    %eq3A_36 = arith.cmpi eq, %iota3A, %eq3A_35 : vector<2000x16xi32>
    %jit3A = arith.constant 0.000000e+00 : f32
    %broadcast_in_dim3A = vector.shape_cast %dot_general3A_24 : vector<2000x1xf32> to vector<2000x1xf32>
    %broadcast_in_dim3A_37 = vector.broadcast %broadcast_in_dim3A : vector<2000x1xf32> to vector<2000x16xf32>
    %broadcast_in_dim3A_38 = vector.broadcast %jit3A : f32 to vector<2000x16xf32>
    %select_n3A = arith.select %eq3A_36, %broadcast_in_dim3A_37, %broadcast_in_dim3A_38 : vector<2000x16xi1>, vector<2000x16xf32>
    %jit3A_39 = arith.constant 1.000000e+00 : f32
    %broadcast_in_dim3A_40 = vector.broadcast %jit3A_39 : f32 to vector<2000x16xf32>
    %select_n3A_41 = arith.select %eq3A_33, %broadcast_in_dim3A_40, %select_n3A : vector<2000x16xi1>, vector<2000x16xf32>
    %concatenate3A = tpu.concatenate %dot_general3A_19, %select_n3A_41 in 1 : vector<2000x128xf32>, vector<2000x16xf32> -> vector<2000x144xf32>
    %swap3A_42 = arith.constant 0 : index
    %swap3A_43 = arith.constant 0 : index
    %swap3A_44 = vector.load %arg6[%swap3A_42, %swap3A_43] : memref<2000x144xf32, #tpu.memory_space<vmem>>, vector<2000x144xf32>
    tpu.vector_store %arg6[%swap3A_42, %swap3A_43], %concatenate3A {strides = array<i32>} : memref<2000x144xf32, #tpu.memory_space<vmem>>, vector<2000x144xf32>,
    return
  }
  func.func @transform_0(%arg0: i32) -> (i32, i32, i32) {
    %c0_i32 = arith.constant 0 : i32
    %c0_i32_0 = arith.constant 0 : i32
    %c0_i32_1 = arith.constant 0 : i32
    return %c0_i32, %arg0, %c0_i32_0 : i32, i32, i32
  }
  func.func @transform_1(%arg0: i32) -> (i32, i32, i32) {
    %c1_i32 = arith.constant 1 : i32
    %c0_i32 = arith.constant 0 : i32
    %c0_i32_0 = arith.constant 0 : i32
    return %c1_i32, %arg0, %c0_i32 : i32, i32, i32
  }
  func.func @transform_2(%arg0: i32) -> (i32, i32) {
    %c0_i32 = arith.constant 0 : i32
    %c0_i32_0 = arith.constant 0 : i32
    %c0_i32_1 = arith.constant 0 : i32
    return %c0_i32, %c0_i32_0 : i32, i32
  }
  func.func @transform_3(%arg0: i32) -> (i32, i32) {
    %c0_i32 = arith.constant 0 : i32
    %c0_i32_0 = arith.constant 0 : i32
    %c0_i32_1 = arith.constant 0 : i32
    return %c0_i32, %c0_i32_0 : i32, i32
  }
  func.func @transform_4(%arg0: i32) -> (i32, i32) {
    %c0_i32 = arith.constant 0 : i32
    %c0_i32_0 = arith.constant 0 : i32
    %c0_i32_1 = arith.constant 0 : i32
    return %c0_i32, %c0_i32_0 : i32, i32
  }
  func.func @transform_5(%arg0: i32) -> (i32, i32) {
    %c0_i32 = arith.constant 0 : i32
    %c0_i32_0 = arith.constant 0 : i32
    return %arg0, %c0_i32 : i32, i32
  }
  func.func @transform_6(%arg0: i32) -> (i32, i32) {
    %c0_i32 = arith.constant 0 : i32
    %c0_i32_0 = arith.constant 0 : i32
    return %arg0, %c0_i32 : i32, i32
  }
}

module attributes {stable_mosaic.version = 14 : i64} {
  func.func @_final_body(%arg0: i32, %arg1: memref<1x2000x144xf32, #tpu.memory_space<vmem>>, %arg2: memref<1x2000x144xf32, #tpu.memory_space<vmem>>, %arg3: memref<2000x128xf32, #tpu.memory_space<vmem>>, %arg4: memref<128x1xf32, #tpu.memory_space<vmem>>, %arg5: memref<1x1xf32, #tpu.memory_space<vmem>>, %arg6: memref<128x8xf32, #tpu.memory_space<vmem>>, %arg7: memref<128x8xf32, #tpu.memory_space<vmem>>, %arg8: memref<1x8xf32, #tpu.memory_space<vmem>>, %arg9: memref<128x64xf32, #tpu.memory_space<vmem>>, %arg10: memref<1x64xf32, #tpu.memory_space<vmem>>, %arg11: memref<2000x1xf32, #tpu.memory_space<vmem>>, %arg12: memref<2000x64xf32, #tpu.memory_space<vmem>>, %arg13: memref<2000x8xf32, #tpu.memory_space<vmem>>) attributes {dimension_semantics = [#tpu.dimension_semantics<arbitrary>], iteration_bounds = array<i64: 5>, scalar_prefetch = 0 : i64, scratch_operands = 0 : i64, tpu.core_type = #tpu.core_type<tc>, window_params = [{transform_indices = @transform_0, window_bounds = array<i64: 1, 2000, 144>}, {transform_indices = @transform_1, window_bounds = array<i64: 1, 2000, 144>}, {transform_indices = @transform_2, window_bounds = array<i64: 2000, 128>}, {pipeline_mode = #tpu.pipeline_mode<synchronous>, transform_indices = @transform_3, window_bounds = array<i64: 128, 1>}, {pipeline_mode = #tpu.pipeline_mode<synchronous>, transform_indices = @transform_4, window_bounds = array<i64: 1, 1>}, {pipeline_mode = #tpu.pipeline_mode<synchronous>, transform_indices = @transform_5, window_bounds = array<i64: 128, 8>}, {pipeline_mode = #tpu.pipeline_mode<synchronous>, transform_indices = @transform_6, window_bounds = array<i64: 128, 8>}, {pipeline_mode = #tpu.pipeline_mode<synchronous>, transform_indices = @transform_7, window_bounds = array<i64: 1, 8>}, {pipeline_mode = #tpu.pipeline_mode<synchronous>, transform_indices = @transform_8, window_bounds = array<i64: 128, 64>}, {pipeline_mode = #tpu.pipeline_mode<synchronous>, transform_indices = @transform_9, window_bounds = array<i64: 1, 64>}, {transform_indices = @transform_10, window_bounds = array<i64: 2000, 1>}, {transform_indices = @transform_11, window_bounds = array<i64: 2000, 64>}, {transform_indices = @transform_12, window_bounds = array<i64: 2000, 8>}]} {
    %get3A = arith.constant 0 : index
    %get3A_0 = arith.constant 0 : index
    %get3A_1 = arith.constant 0 : index
    %get3A_2 = vector.load %arg1[%get3A, %get3A_0, %get3A_1] : memref<1x2000x144xf32, #tpu.memory_space<vmem>>, vector<1x2000x144xf32>
    %get3A_3 = vector.shape_cast %get3A_2 : vector<1x2000x144xf32> to vector<2000x144xf32>
    %get3A_4 = arith.constant 0 : index
    %get3A_5 = arith.constant 0 : index
    %get3A_6 = arith.constant 0 : index
    %get3A_7 = vector.load %arg2[%get3A_4, %get3A_5, %get3A_6] : memref<1x2000x144xf32, #tpu.memory_space<vmem>>, vector<1x2000x144xf32>
    %get3A_8 = vector.shape_cast %get3A_7 : vector<1x2000x144xf32> to vector<2000x144xf32>
    %add3A = arith.addf %get3A_3, %get3A_8 : vector<2000x144xf32>
    %slice3A = vector.extract_strided_slice %add3A {offsets = [0, 128], sizes = [2000, 1], strides = [1, 1]} : vector<2000x144xf32> to vector<2000x1xf32>
    %slice3A_9 = vector.extract_strided_slice %add3A {offsets = [0, 0], sizes = [2000, 128], strides = [1, 1]} : vector<2000x144xf32> to vector<2000x128xf32>
    %add3A_10 = arith.constant 1.000000e-16 : f32
    %add3A_11 = vector.broadcast %add3A_10 : f32 to vector<2000x1xf32>
    %add3A_12 = arith.addf %slice3A, %add3A_11 : vector<2000x1xf32>
    %div3A = vector.broadcast %add3A_12 : vector<2000x1xf32> to vector<2000x128xf32>
    %div3A_13 = arith.divf %slice3A_9, %div3A : vector<2000x128xf32>
    %get3A_14 = arith.constant 0 : index
    %get3A_15 = arith.constant 0 : index
    %get3A_16 = vector.load %arg3[%get3A_14, %get3A_15] : memref<2000x128xf32, #tpu.memory_space<vmem>>, vector<2000x128xf32>
    %get3A_17 = arith.constant 0 : index
    %get3A_18 = arith.constant 0 : index
    %get3A_19 = vector.load %arg4[%get3A_17, %get3A_18] : memref<128x1xf32, #tpu.memory_space<vmem>>, vector<128x1xf32>
    %dot_general3A = arith.constant dense<0.000000e+00> : vector<2000x1xf32>
    %dot_general3A_20 = tpu.matmul %div3A_13, %get3A_19, %dot_general3A {dimension_numbers = #tpu.dot_dimension_numbers<[1], [0], [0], [1], [0, 0, 1, 1], [], []>, transpose_lhs_hint = false} : vector<2000x128xf32>, vector<128x1xf32>, vector<2000x1xf32> -> vector<2000x1xf32>
    %get3A_21 = arith.constant 0 : index
    %get3A_22 = arith.constant 0 : index
    %get3A_23 = vector.load %arg5[%get3A_21, %get3A_22] : memref<1x1xf32, #tpu.memory_space<vmem>>, vector<1x1xf32>
    %add3A_24 = vector.broadcast %get3A_23 : vector<1x1xf32> to vector<2000x1xf32>
    %add3A_25 = arith.addf %dot_general3A_20, %add3A_24 : vector<2000x1xf32>
    %logistic3A = arith.negf %add3A_25 : vector<2000x1xf32>
    %logistic3A_26 = math.exp %logistic3A : vector<2000x1xf32>
    %logistic3A_27 = arith.constant 1.000000e+00 : f32
    %logistic3A_28 = vector.broadcast %logistic3A_27 : f32 to vector<2000x1xf32>
    %logistic3A_29 = arith.addf %logistic3A_28, %logistic3A_26 : vector<2000x1xf32>
    %logistic3A_30 = arith.divf %logistic3A_28, %logistic3A_29 : vector<2000x1xf32>
    %swap3A = arith.constant 0 : index
    %swap3A_31 = arith.constant 0 : index
    %swap3A_32 = vector.load %arg11[%swap3A, %swap3A_31] : memref<2000x1xf32, #tpu.memory_space<vmem>>, vector<2000x1xf32>
    tpu.vector_store %arg11[%swap3A, %swap3A_31], %logistic3A_30 {strides = array<i32>} : memref<2000x1xf32, #tpu.memory_space<vmem>>, vector<2000x1xf32>,
    %get3A_33 = arith.constant 0 : index
    %get3A_34 = arith.constant 0 : index
    %get3A_35 = vector.load %arg6[%get3A_33, %get3A_34] : memref<128x8xf32, #tpu.memory_space<vmem>>, vector<128x8xf32>
    %dot_general3A_36 = arith.constant dense<0.000000e+00> : vector<2000x8xf32>
    %dot_general3A_37 = tpu.matmul %get3A_16, %get3A_35, %dot_general3A_36 {dimension_numbers = #tpu.dot_dimension_numbers<[1], [0], [0], [1], [0, 0, 1, 1], [], []>, transpose_lhs_hint = false} : vector<2000x128xf32>, vector<128x8xf32>, vector<2000x8xf32> -> vector<2000x8xf32>
    %get3A_38 = arith.constant 0 : index
    %get3A_39 = arith.constant 0 : index
    %get3A_40 = vector.load %arg7[%get3A_38, %get3A_39] : memref<128x8xf32, #tpu.memory_space<vmem>>, vector<128x8xf32>
    %dot_general3A_41 = arith.constant dense<0.000000e+00> : vector<2000x8xf32>
    %dot_general3A_42 = tpu.matmul %div3A_13, %get3A_40, %dot_general3A_41 {dimension_numbers = #tpu.dot_dimension_numbers<[1], [0], [0], [1], [0, 0, 1, 1], [], []>, transpose_lhs_hint = false} : vector<2000x128xf32>, vector<128x8xf32>, vector<2000x8xf32> -> vector<2000x8xf32>
    %add3A_43 = arith.addf %dot_general3A_37, %dot_general3A_42 : vector<2000x8xf32>
    %get3A_44 = arith.constant 0 : index
    %get3A_45 = arith.constant 0 : index
    %get3A_46 = vector.load %arg8[%get3A_44, %get3A_45] : memref<1x8xf32, #tpu.memory_space<vmem>>, vector<1x8xf32>
    %add3A_47 = vector.broadcast %get3A_46 : vector<1x8xf32> to vector<2000x8xf32>
    %add3A_48 = arith.addf %add3A_43, %add3A_47 : vector<2000x8xf32>
    %tanh3A = math.tanh %add3A_48 : vector<2000x8xf32>
    %swap3A_49 = arith.constant 0 : index
    %swap3A_50 = arith.constant 0 : index
    %swap3A_51 = vector.load %arg13[%swap3A_49, %swap3A_50] : memref<2000x8xf32, #tpu.memory_space<vmem>>, vector<2000x8xf32>
    tpu.vector_store %arg13[%swap3A_49, %swap3A_50], %tanh3A {strides = array<i32>} : memref<2000x8xf32, #tpu.memory_space<vmem>>, vector<2000x8xf32>,
    %get3A_52 = arith.constant 0 : index
    %get3A_53 = arith.constant 0 : index
    %get3A_54 = vector.load %arg9[%get3A_52, %get3A_53] : memref<128x64xf32, #tpu.memory_space<vmem>>, vector<128x64xf32>
    %dot_general3A_55 = arith.constant dense<0.000000e+00> : vector<2000x64xf32>
    %dot_general3A_56 = tpu.matmul %div3A_13, %get3A_54, %dot_general3A_55 {dimension_numbers = #tpu.dot_dimension_numbers<[1], [0], [0], [1], [0, 0, 1, 1], [], []>, transpose_lhs_hint = false} : vector<2000x128xf32>, vector<128x64xf32>, vector<2000x64xf32> -> vector<2000x64xf32>
    %get3A_57 = arith.constant 0 : index
    %get3A_58 = arith.constant 0 : index
    %get3A_59 = vector.load %arg10[%get3A_57, %get3A_58] : memref<1x64xf32, #tpu.memory_space<vmem>>, vector<1x64xf32>
    %add3A_60 = vector.broadcast %get3A_59 : vector<1x64xf32> to vector<2000x64xf32>
    %add3A_61 = arith.addf %dot_general3A_56, %add3A_60 : vector<2000x64xf32>
    %tanh3A_62 = math.tanh %add3A_61 : vector<2000x64xf32>
    %swap3A_63 = arith.constant 0 : index
    %swap3A_64 = arith.constant 0 : index
    %swap3A_65 = vector.load %arg12[%swap3A_63, %swap3A_64] : memref<2000x64xf32, #tpu.memory_space<vmem>>, vector<2000x64xf32>
    tpu.vector_store %arg12[%swap3A_63, %swap3A_64], %tanh3A_62 {strides = array<i32>} : memref<2000x64xf32, #tpu.memory_space<vmem>>, vector<2000x64xf32>,
    return
  }
  func.func @transform_0(%arg0: i32) -> (i32, i32, i32) {
    %c0_i32 = arith.constant 0 : i32
    %c0_i32_0 = arith.constant 0 : i32
    %c0_i32_1 = arith.constant 0 : i32
    return %c0_i32, %arg0, %c0_i32_0 : i32, i32, i32
  }
  func.func @transform_1(%arg0: i32) -> (i32, i32, i32) {
    %c1_i32 = arith.constant 1 : i32
    %c0_i32 = arith.constant 0 : i32
    %c0_i32_0 = arith.constant 0 : i32
    return %c1_i32, %arg0, %c0_i32 : i32, i32, i32
  }
  func.func @transform_2(%arg0: i32) -> (i32, i32) {
    %c0_i32 = arith.constant 0 : i32
    %c0_i32_0 = arith.constant 0 : i32
    return %arg0, %c0_i32 : i32, i32
  }
  func.func @transform_3(%arg0: i32) -> (i32, i32) {
    %c0_i32 = arith.constant 0 : i32
    %c0_i32_0 = arith.constant 0 : i32
    %c0_i32_1 = arith.constant 0 : i32
    return %c0_i32, %c0_i32_0 : i32, i32
  }
  func.func @transform_4(%arg0: i32) -> (i32, i32) {
    %c0_i32 = arith.constant 0 : i32
    %c0_i32_0 = arith.constant 0 : i32
    %c0_i32_1 = arith.constant 0 : i32
    return %c0_i32, %c0_i32_0 : i32, i32
  }
  func.func @transform_5(%arg0: i32) -> (i32, i32) {
    %c0_i32 = arith.constant 0 : i32
    %c0_i32_0 = arith.constant 0 : i32
    %c0_i32_1 = arith.constant 0 : i32
    return %c0_i32, %c0_i32_0 : i32, i32
  }
  func.func @transform_6(%arg0: i32) -> (i32, i32) {
    %c0_i32 = arith.constant 0 : i32
    %c0_i32_0 = arith.constant 0 : i32
    %c0_i32_1 = arith.constant 0 : i32
    return %c0_i32, %c0_i32_0 : i32, i32
  }
  func.func @transform_7(%arg0: i32) -> (i32, i32) {
    %c0_i32 = arith.constant 0 : i32
    %c0_i32_0 = arith.constant 0 : i32
    %c0_i32_1 = arith.constant 0 : i32
    return %c0_i32, %c0_i32_0 : i32, i32
  }
  func.func @transform_8(%arg0: i32) -> (i32, i32) {
    %c0_i32 = arith.constant 0 : i32
    %c0_i32_0 = arith.constant 0 : i32
    %c0_i32_1 = arith.constant 0 : i32
    return %c0_i32, %c0_i32_0 : i32, i32
  }
  func.func @transform_9(%arg0: i32) -> (i32, i32) {
    %c0_i32 = arith.constant 0 : i32
    %c0_i32_0 = arith.constant 0 : i32
    %c0_i32_1 = arith.constant 0 : i32
    return %c0_i32, %c0_i32_0 : i32, i32
  }
  func.func @transform_10(%arg0: i32) -> (i32, i32) {
    %c0_i32 = arith.constant 0 : i32
    %c0_i32_0 = arith.constant 0 : i32
    return %arg0, %c0_i32 : i32, i32
  }
  func.func @transform_11(%arg0: i32) -> (i32, i32) {
    %c0_i32 = arith.constant 0 : i32
    %c0_i32_0 = arith.constant 0 : i32
    return %arg0, %c0_i32 : i32, i32
  }
  func.func @transform_12(%arg0: i32) -> (i32, i32) {
    %c0_i32 = arith.constant 0 : i32
    %c0_i32_0 = arith.constant 0 : i32
    return %arg0, %c0_i32 : i32, i32
  }
}

</mosaic_0001>

<sc_bundles>
// kernel: kernel.12.cloned.1.call-start
scs
__scs_entry_jumppad:
0x0: {  	(pc) =	sbr.rel $0x88, $3  }
0x1: {  	(tag) =	ssettag $0x0;
	lr =	simm.s32 $0x1  }
0x2: {  	[smem:$0x3F86] =	sst lr;
	_ =	strace $0xD0000000  }
0x3: {  	_ = 	snop  }
0x4: {  	_ = 	snop  }
0x5: {  	_ = 	snop  }
0x6: {  	_ = 	snop  }
0x7: {  	_ = 	snop  }
__scs_overlays_trampoline_lowered:
0x8: {  	[smem:$0x3F95] =	sst s0  }
0x9: {  	[smem:$0x3F96] =	sst s1  }
0xa: {  	[smem:$0x3F97] =	sst s2  }
0xb: {  	[smem:$0x3F98] =	sst s3  }
0xc: {  	[smem:$0x3F99] =	sst s4  }
0xd: {  	[smem:$0x3F9A] =	sst s5  }
0xe: {  	[smem:$0x3F9B] =	sst s6  }
0xf: {  	[smem:$0x3F9C] =	sst s7  }
0x10: {  	[smem:$0x3F9D] =	sst s8  }
0x11: {  	[smem:$0x3F9E] =	sst s9;
	s0 =	simm.s32 @!p0 $0x0  }
0x12: {  	s1 =	sld [smem:$0x3F84];
	s0 =	simm.s32 @p0 $0x1  }
0x13: {  	[smem:$0x3F9F] =	sst s0;
	s0 =	simm.s32 @!p1 $0x0  }
0x14: {  	s2 =	sld [smem:$0x3F83];
	s0 =	simm.s32 @p1 $0x1  }
0x15: {  	[smem:$0x3FA0] =	sst s0;
	s0 =	simm.s32 @!p2 $0x0  }
0x16: {  	s3 =	sld [smem:$0x3FDB];
	s0 =	simm.s32 @p2 $0x1  }
0x17: {  	s4 =	simm.s32 $0x1BF5;
	[smem:$0x3FA2] =	sst s0  }
0x18: {  	s0 =	sld [smem:$0x3F85];
	_ =	swait.ge [sflag:s4], $0x0  }
0x19: {  	s7 =	sld [smem:$0x3F86]  }
0x1a: {  	s8 =	sadd.s32 $0xFFFFE003, lr  }
0x1b: {  	s9 =	sadd.s32 $0xFFFFFEF7, lr;
	s5 =	simm.s32 $0xFFFFFFFF;
	p2 =	slt.u32 s8, $0xFFFFF086  }
0x1c: {  	p1 =	slt.u32 s9, $0xF7A;
	s5 =	simm.s32 @!p2 $0x0  }
0x1d: {  	s5 =	simm.s32 @p1 $0x1;
	p0 =	seq.s32 s7, s2  }
0x1e: {  	s7 =	smul.u32 @!p0 $0xF7A, s2;
	p2 =	seq.s32 @!p0 s5, $0x0  }
0x1f: {  	s9 =	smul.u32 $0xF7A, s1;
	s8 =	simm.s32 @!p0 $0x1BF5;
	p2 =	por !p2, p0  }
0x20: {  	[sflag:s8] =	ssyncset.s32 @!p0 $0xFFFFF086;
	s6 =	sadd.s32 @!p0 s3, s7;
	s7 =	simm.s32 @!p0 $0x108  }
0x21: {  	s3 =	sadd.s32 s3, s9;
	s6 =	sadd.s32 @!p0 $0x88, s6;
	s7 =	simm.s32 @p2 $0x1082  }
0x22: {  	[simem:s7], [sflag:s8] =	dma.local @!p0 [hbm:s6], $0xF7A  }
0x23: {  	s9 =	sor.u32 $0xD0000000, s2;
	s6 =	simm.s32 $0x108;
	_ =	swait.ge @!p0 [sflag:s8], $0x0  }
0x24: {  	s3 =	sadd.s32 $0x88, s3;
	s6 =	simm.s32 @!p1 $0x1082;
	[sflag:s4] =	ssyncset.s32 $0xFFFFF086  }
0x25: {  	[simem:s6], [sflag:s4] =	dma.local [hbm:s3], $0xF7A  }
0x26: {  	[smem:$0x3F86] =	sst s1;
	(tag) =	ssettag s2;
	_ =	strace s9  }
0x27: {  	s1 =	sld [smem:$0x3F96]  }
0x28: {  	s2 =	sld [smem:$0x3F97]  }
0x29: {  	s4 =	sld [smem:$0x3F99]  }
0x2a: {  	p0 =	seq.s32 s5, $0x0;
	s5 =	sld [smem:$0x3F9A]  }
0x2b: {  	s6 =	sld [smem:$0x3F9B]  }
0x2c: {  	s7 =	sld [smem:$0x3F9C]  }
0x2d: {  	s3 =	simm.s32 $0x108;
	s8 =	sld [smem:$0x3F9D]  }
0x2e: {  	s3 =	simm.s32 @!p0 $0x1082;
	s9 =	sld [smem:$0x3F9E]  }
0x2f: {  	lr =	sadd.s32 s0, s3;
	s0 =	sld [smem:$0x3F95]  }
0x30: {  	s3 =	sld [smem:$0x3F98]  }
0x31: {  	[smem:$0x3FA1] =	sst s10  }
0x32: {  	s10 =	sld [smem:$0x3F9F];
	_ =	sdelay $0x3  }
0x33: {  	p0 =	seq.s32 s10, $0x1;
	s10 =	sld [smem:$0x3FA1];
	_ =	sdelay $0x3  }
0x34: {  	[smem:$0x3FA1] =	sst s10  }
0x35: {  	s10 =	sld [smem:$0x3FA0];
	_ =	sdelay $0x3  }
0x36: {  	p1 =	seq.s32 s10, $0x1;
	s10 =	sld [smem:$0x3FA1];
	_ =	sdelay $0x3  }
0x37: {  	[smem:$0x3FA1] =	sst s10  }
0x38: {  	s10 =	sld [smem:$0x3FA2]  }
0x39: {  	_ = 	snop;
	(pc) =	sbr.ind lr, $3  }
0x3a: {  	_ = 	snop  }
0x3b: {  	_ = 	snop  }
0x3c: {  	p2 =	seq.s32 s10, $0x1;
	s10 =	sld [smem:$0x3FA1]  }
0x3d: {  	_ =	shalt  }
0x3e: {  	_ =	shalt  }
0x3f: {  	_ =	shalt  }
0x40: {  	_ =	shalt  }
0x41: {  	_ =	shalt  }
0x42: {  	_ =	shalt  }
0x43: {  	_ =	shalt  }
0x44: {  	_ =	shalt  }
0x45: {  	_ =	shalt  }
0x46: {  	_ =	shalt  }
0x47: {  	_ =	shalt  }
0x48: {  	_ =	shalt  }
0x49: {  	_ =	shalt  }
0x4a: {  	_ =	shalt  }
0x4b: {  	_ =	shalt  }
0x4c: {  	_ =	shalt  }
0x4d: {  	_ =	shalt  }
0x4e: {  	_ =	shalt  }
0x4f: {  	_ =	shalt  }
0x50: {  	_ =	shalt  }
0x51: {  	_ =	shalt  }
0x52: {  	_ =	shalt  }
0x53: {  	_ =	shalt  }
0x54: {  	_ =	shalt  }
0x55: {  	_ =	shalt  }
0x56: {  	_ =	shalt  }
0x57: {  	_ =	shalt  }
0x58: {  	_ =	shalt  }
0x59: {  	_ =	shalt  }
0x5a: {  	_ =	shalt  }
0x5b: {  	_ =	shalt  }
0x5c: {  	_ =	shalt  }
0x5d: {  	_ =	shalt  }
0x5e: {  	_ =	shalt  }
0x5f: {  	_ =	shalt  }
0x60: {  	_ =	shalt  }
0x61: {  	_ =	shalt  }
0x62: {  	_ =	shalt  }
0x63: {  	_ =	shalt  }
0x64: {  	_ =	shalt  }
0x65: {  	_ =	shalt  }
0x66: {  	_ =	shalt  }
0x67: {  	_ =	shalt  }
0x68: {  	_ =	shalt  }
0x69: {  	_ =	shalt  }
0x6a: {  	_ =	shalt  }
0x6b: {  	_ =	shalt  }
0x6c: {  	_ =	shalt  }
0x6d: {  	_ =	shalt  }
0x6e: {  	_ =	shalt  }
0x6f: {  	_ =	shalt  }
0x70: {  	_ =	shalt  }
0x71: {  	_ =	shalt  }
0x72: {  	_ =	shalt  }
0x73: {  	_ =	shalt  }
0x74: {  	_ =	shalt  }
0x75: {  	_ =	shalt  }
0x76: {  	_ =	shalt  }
0x77: {  	_ =	shalt  }
0x78: {  	_ =	shalt  }
0x79: {  	_ =	shalt  }
0x7a: {  	_ =	shalt  }
0x7b: {  	_ =	shalt  }
0x7c: {  	_ =	shalt  }
0x7d: {  	_ =	shalt  }
0x7e: {  	_ =	shalt  }
0x7f: {  	_ =	shalt  }
0x80: {  	_ =	shalt  }
0x81: {  	_ =	shalt  }
0x82: {  	_ =	shalt  }
0x83: {  	_ =	shalt  }
0x84: {  	_ =	shalt  }
0x85: {  	_ =	shalt  }
0x86: {  	_ =	shalt  }
0x87: {  	_ =	shalt  }
.Lfunc_end0:
.L_simem_size_0:
called_computation.1_lowered:
.L_overlay_start_0:
0x88: {  	s2 =	sld [smem:$0x3FD9]  }
0x89: {  	s3 =	sld [smem:$0x3FFE];
	_ =	sdelay $0x1  }
0x8a: {  	s1 =	srdreg.scid  }
0x8b: {  	s0 =	sand.u32 $0x1, s1  }
0x8c: {  	s14 =	sshll.u32 s0, $0xA;
	s2 =	sadd.s32 s3, s2  }
0x8d: {  	s2 =	sadd.s32 s2, s14  }
0x8e: {  	[smem:$0x3FAD] =	sst s2  }
0x8f: {  	_ = 	snop  }
0x90: {  	s2 =	sld [smem:$0x3FD0];
	_ =	sdelay $0x2  }
0x91: {  	s15 =	simm.s32 $0xA;
	s4 =	simm.s32 $0x10  }
0x92: {  	[smem:s4], [sflag:s15] =	dma.local [hbm:s2], $0x1  }
0x93: {  	_ =	swait.eq [sflag:s15], $0x1  }
0x94: {  	[sflag:s15] =	ssyncset.done $0x0  }
0x95: {  	s16 =	sld [smem:$0x11];
	[sflag:s15] =	ssyncadd.s32 $0xFFFFFFFF  }
0x96: {  	s17 =	sld [smem:$0x12];
	(tm) =	ssettm $0x1  }
0x97: {  	s18 =	sld [smem:$0x3FFB];
	_ =	sdelay $0x3  }
0x98: {  	_ =	strace s18  }
0x99: {  	s4 =	sld [smem:$0x3FFC];
	_ =	sdelay $0x3  }
0x9a: {  	_ =	strace s4  }
0x9b: {  	s4 =	sld [smem:$0x3FFD];
	_ =	sdelay $0x3  }
0x9c: {  	_ =	strace s4  }
0x9d: {  	_ =	strace $0x8FFFFFFF  }
0x9e: {  	s19 =	sld [smem:$0x3FDB];
	_ =	sdelay $0x1  }
0x9f: {  	s5 =	simm.s32 $_scs_section_size  }
0xa0: {  	s6 =	simm.s32 $_size__tile_overlayer_lowered;
	s7 =	simm.s32 $_tile_overlayer_lowered  }
0xa1: {  	s22 =	simm.s32 $0x1BFF;
	s21 =	sshll.u32 s7, $0x1;
	s4 =	sadd.s32 s5, s19  }
0xa2: {  	s8 =	simm.s32 $0x0;
	s20 =	sshll.u32 s6, $0x1;
	s6 =	sadd.s32 s21, s4  }
0xa3: {  	[timem:s8], [sflag:s22] =	dma.local [hbm:s6], s20  }
0xa4: {  	_ =	swait.ge [sflag:s22], s20  }
0xa5: {  	s5 =	ssub.s32 $0x0, s20;
	[sflag:s22] =	ssyncset.done $0x0  }
0xa6: {  	[sflag:s22] =	ssyncadd.s32 s5;
	_ =	sdelay $0x1  }
0xa7: {  	s23 =	simm.s32 $0x1B8B  }
0xa8: {  	_ =	swait.ge [sflag:s23], $0x1  }
0xa9: {  	[sflag:s23] =	ssyncset.done $0x0  }
0xaa: {  	s25 =	simm.s32 $0x1B8E;
	s24 =	sld [smem:$0x3FFE];
	[sflag:s23] =	ssyncadd.s32 $0xFFFFFFFF  }
0xab: {  	s26 =	simm.s32 $execute0_lowered;
	[smem:$0x3FD2] =	sst s25  }
0xac: {  	s6 =	sshll.u32 s26, $0x1;
	_ =	strace $0x80000049;
	[dreg:$0x1] =	wrdreg $0xFFFFFFFF  }
0xad: {  	s28 =	simm.s32 $_size_execute0_lowered;
	s4 =	sadd.s32 s4, s6;
	[dreg:$0x0] =	wrdreg $0x0  }
0xae: {  	s6 =	sshll.u32 s28, $0x1;
	[dreg:$0x2] =	wrdreg s4  }
0xaf: {  	[dreg:$0x3] =	wrdreg s6  }
0xb0: {  	[dreg:$0x4] =	wrdreg $0xC0  }
0xb1: {  	_ =	task [dreg:s8], $0x5FFFF  }
0xb2: {  	[dreg:$0x1] =	wrdreg $0xFFFFFFFF  }
0xb3: {  	[dreg:$0x0] =	wrdreg $0x60  }
0xb4: {  	[dreg:$0x2] =	wrdreg s24  }
0xb5: {  	[dreg:$0x3] =	wrdreg s17  }
0xb6: {  	[dreg:$0x4] =	wrdreg s16  }
0xb7: {  	[dreg:$0x5] =	wrdreg $0x82A00  }
0xb8: {  	[dreg:$0x6] =	wrdreg $0x9  }
0xb9: {  	_ =	task.clear_ibuf [dreg:s8], $0x7FFFF;
	_ =	strace $0x90000049  }
0xba: {  	s29 =	simm.s32 $0x9;
	_ =	strace $0x8000004B  }
0xbb: {  	_ =	swait.ge [sflag:s29], $0x1  }
0xbc: {  	[sflag:s29] =	ssyncadd.s32 $0xFFFFFFFF  }
0xbd: {  	_ =	strace $0x9000004B  }
0xbe: {  	_ =	sfence  }
0xbf: {  	s30 =	sld [smem:$0x0];
	_ =	sdelay $0x2  }
0xc0: {  	s31 =	sshll.u32 s1, $0xD;
	s1 =	sshrl.u32 s1, $0x2  }
0xc1: {  	s3 =	sand.u32 $0x4000, s31;
	s1 =	sadd.s32 s1, s30  }
0xc2: {  	s0 =	sor.u32 s3, s0;
	s1 =	sshll.u32 s1, $0x11  }
0xc3: {  	s0 =	sor.u32 s1, s0  }
0xc4: {  	s0 =	sadd.s32 $0x8F2B, s0  }
0xc5: {  	[sflag:s0] =	ssyncadd.remote.s32 $0x1  }
0xc6: {  	_ =	sfence.sel $0xFFFF  }
0xc7: {  	[dreg:$0x0] =	wrdreg $0xFFFFFFFF;
	(pc) =	sbr.abs _section_cstart, $3  }
0xc8: {  	[dreg:$0x1] =	wrdreg $0xFFFFFFFF  }
0xc9: {  	_ =	task.clear_ibuf [dreg:s8], $0x2FFFF;
	_ =	strace $0x9FFFFFFF  }
0xca: {  	(tm) =	ssettm $0x7FFFFFFF  }
0xcb: {  	_ =	shalt  }
tec
execute0_lowered:
.L_overlay_start_1:
0x0: {  	(tag) =	ssettag $0x1  }
0x1: {  	s0 =	rddreg [dreg:$0x0]  }
0x2: {  	s2 =	rddreg [dreg:$0x2]  }
0x3: {  	s4 =	rddreg [dreg:$0x3];
	s5 =	simm.s32 $0x0;
	s13 =	stileid.u32  }
0x4: {  	s3 =	srdreg.scid;
	s28 =	simm.s32 $0x2800;
	s29 =	simm.s32 $0x5550  }
0x5: {  	s30 =	simm.s32 $0x1;
	s31 =	simm.s32 $0x8250;
	[smem:$0x7FF] =	sst s5  }
0x6: {  	s1 =	smul.u32 $0x15F00, s13;
	s6 =	sadd.s32 $0x3600, s0;
	s3 =	sand.u32 $0x1, s3  }
0x7: {  	s7 =	sadd.s32 $0x2F600, s0;
	s11 =	sadd.s32 $0x65400, s0;
	s19 =	sadd.s32 $0x15F000, s4  }
0x8: {  	p0 =	sne.s32 s13, $0xF;
	_ =	strace $0x8000004A;
	s9 =	sshll.u32 s3, $0x4  }
0x9: {  	s10 =	ssub.s32 $0x2, s3;
	[dreg:$0x7] =	wrdreg s19;
	s3 =	smul.u32 $0x15F900, s3  }
0xa: {  	s8 =	sshrl.u32 s1, $0x3;
	s9 =	sor.u32 s13, s9;
	s12 =	sshrl.u32 s10, $0x1  }
0xb: {  	s18 =	sadd.s32 s1, s4;
	s8 =	sadd.s32 s8, s0;
	s9 =	smul.u32 $0x2710, s9  }
0xc: {  	s10 =	ssub.s32 s10, s12;
	[dreg:$0x5] =	wrdreg s18;
	s0 =	sadd.s32 $0x65200, s0  }
0xd: {  	s25 =	sadd.s32 s1, s3;
	s26 =	sshrl.u32 s3, $0x3;
	s3 =	simm.s32 $0x4  }
0xe: {  	s8 =	sadd.s32 $0x39400, s8;
	[dreg:$0x8] =	wrdreg s0;
	s1 =	sadd.s32 s11, s26  }
0xf: {  	s26 =	simm.s32 $0x27B0;
	[dreg:$0x6] =	wrdreg s8;
	s20 =	sshrl.u32 s9, $0x3  }
0x10: {  	s16 =	sadd.s32 $0xA0, s9;
	s17 =	sadd.s32 $0xF0, s9;
	s19 =	sadd.s32 $0x2BE00, s1  }
0x11: {  	s1 =	simm.s32 $0x3;
	s8 =	simm.s32 $0x0;
	s21 =	sadd.s32 s7, s20  }
0x12: {  	s22 =	sadd.s32 $0xA, s20;
	s0 =	sadd.s32 s2, s20;
	[dreg:$0x9] =	wrdreg s21  }
0x13: {  	v0 =	vlaneseq.u32;
	s20 =	smax.u32 s10, $0x1;
	[dreg:$0xa] =	wrdreg s0;
	s23 =	sadd.s32 s7, s22  }
0x14: {  	v4 =	vmul.u32 $0x90, v0;
	s24 =	sadd.s32 s2, s22;
	s0 =	sshrl.u32 s25, $0x3;
	s21 =	simm.s32 $0x5  }
0x15: {  	s22 =	simm.s32 $0x2710;
	s25 =	simm.s32 $0x2850;
	[dreg:$0xb] =	wrdreg s23  }
0x16: {  	v0 =	vadd.s32 $0x81, v4;
	v1 =	vadd.s32 $0x981, v4;
	[dreg:$0xc] =	wrdreg s24;
	s0 =	sadd.s32 s11, s0;
	s23 =	simm.s32 $0x2760  }
0x17: {  	v2 =	vadd.s32 $0x1281, v4;
	v3 =	vadd.s32 $0x1B81, v4;
	v4 =	vadd.s32 $0x2481, v4;
	s24 =	simm.s32 $0x50;
	[dreg:$0xd] =	wrdreg s0;
	s0 =	simm.s32 $0x2  }
.LBB2_1:
0x18: {  	s9 =	rddreg [dreg:$0x1];
	s12 =	stileid.u32  }
0x19: {  	[tilespmem:s5], [sflag:$0x5] =	stream.linear.gather [hbm4b:s9+s5], $0x2710, $0x38;
	[tilespmem:$0x1E230] =	vst v63  }
0x1a: {  	s9 =	sshll.u32 s12, $0x6;
	_ =	swait.ge [sflag:s21], $0x2710  }
0x1b: {  	s9 =	sor.u32 $0x1C05, s9;
	[sflag:s21] =	ssyncset.done $0x0;
	s10 =	rddreg [dreg:$0x5]  }
0x1c: {  	s11 =	rddreg [dreg:$0x6];
	[sflag:s21] =	ssyncadd.s32 $0xFFFFD8F0;
	s10 =	sshrl.u32 s10, $0x3  }
0x1d: {  	[spmem:s10], [sflag:s9] =	dma.local [hbm:s11], $0x2BE0  }
0x1e: {  	_ =	swait.ge [sflag:s21], $0x2BE0  }
0x1f: {  	[sflag:s21] =	ssyncset.done $0x0;
	s11 =	rddreg [dreg:$0x7]  }
0x20: {  	s12 =	rddreg [dreg:$0x8];
	[sflag:s21] =	ssyncadd.s32 $0xFFFFD420;
	s11 =	sshrl.u32 @!p0 s11, $0x3  }
0x21: {  	[spmem:s11], [sflag:s9] =	dma.local @!p0 [hbm:s12], $0x120  }
0x22: {  	s12 =	simm.s32 @!p0 $0x5  }
0x23: {  	_ =	swait.ge @!p0 [sflag:s12], $0x120  }
0x24: {  	[sflag:s12] =	ssyncset.done @!p0 $0x0  }
0x25: {  	[sflag:s12] =	ssyncadd.s32 @!p0 $0xFFFFFEE0  }
0x26: {  	[bflag:$0x0] =	sbarrier.arrive $0xFFFF  }
0x27: {  	s13 =	rddreg [dreg:$0x9]  }
0x28: {  	[tilespmem:s22], [sflag:$0x5] =	stream.linear.gather [hbm4b:s13+s5], $0x50, $0x38;
	[tilespmem:$0x1E230] =	vst v63  }
0x29: {  	_ =	swait.ge [sflag:s21], $0x50  }
0x2a: {  	[sflag:s21] =	ssyncset.done $0x0  }
0x2b: {  	s14 =	rddreg [dreg:$0xa];
	[sflag:s21] =	ssyncadd.s32 $0xFFFFFFB0  }
0x2c: {  	[tilespmem:s23], [sflag:$0x5] =	stream.linear.gather [hbm4b:s14+s5], $0x50, $0x38;
	[tilespmem:$0x1E230] =	vst v63  }
0x2d: {  	_ =	swait.ge [sflag:s21], $0x50  }
0x2e: {  	[sflag:s21] =	ssyncset.done $0x0  }
0x2f: {  	[sflag:s21] =	ssyncadd.s32 $0xFFFFFFB0  }
0x30: {  	[tilespmem:s25], [sflag:$0x1] =	stream.indirect.gather [hbm4b:s6+s24], $0x90, s22, s24, $0xb8;
	[tilespmem:$0x1E230] =	vst v63  }
0x31: {  	s15 =	rddreg [dreg:$0xb]  }
0x32: {  	[tilespmem:s26], [sflag:$0x5] =	stream.linear.gather [hbm4b:s15+s5], $0x50, $0x38;
	[tilespmem:$0x1E230] =	vst v63  }
0x33: {  	_ =	swait.ge [sflag:s21], $0x50  }
0x34: {  	[sflag:s21] =	ssyncset.done $0x0  }
0x35: {  	s18 =	rddreg [dreg:$0xc];
	[sflag:s21] =	ssyncadd.s32 $0xFFFFFFB0  }
0x36: {  	[tilespmem:s28], [sflag:$0x5] =	stream.linear.gather [hbm4b:s18+s5], $0x50, $0x38;
	[tilespmem:$0x1E230] =	vst v63  }
0x37: {  	_ =	swait.ge [sflag:s21], $0x50  }
0x38: {  	[sflag:s21] =	ssyncset.done $0x0  }
0x39: {  	s12 =	simm.s32 $0x0;
	[sflag:s21] =	ssyncadd.s32 $0xFFFFFFB0  }
0x3a: {  	[tilespmem:s29], [sflag:$0x2] =	stream.indirect.gather [hbm4b:s6+s24], $0x90, s26, s24, $0xb8;
	[tilespmem:$0x1E230] =	vst v63  }
.LBB2_2:
0x3b: {  	_ =	swait.ge [sflag:s30], $0x2D00  }
0x3c: {  	[sflag:s30] =	ssyncset.done $0x0  }
0x3d: {  	[sflag:s30] =	ssyncadd.s32 $0xFFFFD300  }
0x3e: {  	v5 =	vld [tilespmem:$0x2760];
	_ =	sdelay $0x6  }
0x3f: {  	s13 =	simm.s32 $0x0;
	v6 =	vld.idx.msk [tilespmem:v0+s25+$0x0], $0xffff  }
0x40: {  	v5 =	vld.idx.msk [tilespmem:v5+s13+$0x0], $0xffff;
	_ =	sdelay $0x4  }
0x41: {  	v5 =	vadd.f32 v5, v6;
	_ =	sdelay $0x1  }
0x42: {  	v6 =	vmul.f32 $2.000000030e-01, v5  }
0x43: {  	vm0 =	vge.f32 v5, $0.0e+00  }
0x44: {  	v5 =	vsel vm0, v5, v6  }
0x45: {  	v5 =	vmul.f32 $1.442695020e+00, v5;
	_ =	sdelay $0x1  }
0x46: {  	(erf) = vpow2.f32 v5;
	_ =	sdelay $0x3  }
0x47: {  	v5 =	vld [tilespmem:$0x2770];
	_ =	sdelay $0x4  }
0x48: {  	v6 =	vpop (erf)  }
0x49: {  	[tilespmem:$0x8250] =	vst v6  }
0x4a: {  	v6 =	vld.idx.msk [tilespmem:v1+s25+$0x0], $0xffff  }
0x4b: {  	v5 =	vld.idx.msk [tilespmem:v5+s13+$0x0], $0xffff;
	_ =	sdelay $0x4  }
0x4c: {  	v5 =	vadd.f32 v5, v6;
	_ =	sdelay $0x1  }
0x4d: {  	v6 =	vmul.f32 $2.000000030e-01, v5  }
0x4e: {  	vm12 =	vge.f32 v5, $0.0e+00  }
0x4f: {  	v5 =	vsel vm12, v5, v6  }
0x50: {  	v5 =	vmul.f32 $1.442695020e+00, v5;
	_ =	sdelay $0x1  }
0x51: {  	(erf) = vpow2.f32 v5;
	_ =	sdelay $0x3  }
0x52: {  	v5 =	vld [tilespmem:$0x2780];
	_ =	sdelay $0x4  }
0x53: {  	v6 =	vpop (erf)  }
0x54: {  	[tilespmem:$0x8260] =	vst v6  }
0x55: {  	v6 =	vld.idx.msk [tilespmem:v2+s25+$0x0], $0xffff  }
0x56: {  	v5 =	vld.idx.msk [tilespmem:v5+s13+$0x0], $0xffff;
	_ =	sdelay $0x4  }
0x57: {  	v5 =	vadd.f32 v5, v6;
	_ =	sdelay $0x1  }
0x58: {  	v6 =	vmul.f32 $2.000000030e-01, v5  }
0x59: {  	vm13 =	vge.f32 v5, $0.0e+00  }
0x5a: {  	v5 =	vsel vm13, v5, v6  }
0x5b: {  	v5 =	vmul.f32 $1.442695020e+00, v5;
	_ =	sdelay $0x1  }
0x5c: {  	(erf) = vpow2.f32 v5;
	_ =	sdelay $0x3  }
0x5d: {  	v5 =	vld [tilespmem:$0x2790];
	_ =	sdelay $0x4  }
0x5e: {  	v6 =	vpop (erf)  }
0x5f: {  	[tilespmem:$0x8270] =	vst v6  }
0x60: {  	v6 =	vld.idx.msk [tilespmem:v3+s25+$0x0], $0xffff  }
0x61: {  	v5 =	vld.idx.msk [tilespmem:v5+s13+$0x0], $0xffff;
	_ =	sdelay $0x4  }
0x62: {  	v5 =	vadd.f32 v5, v6;
	_ =	sdelay $0x1  }
0x63: {  	v6 =	vmul.f32 $2.000000030e-01, v5  }
0x64: {  	vm14 =	vge.f32 v5, $0.0e+00  }
0x65: {  	v5 =	vsel vm14, v5, v6  }
0x66: {  	v5 =	vmul.f32 $1.442695020e+00, v5;
	_ =	sdelay $0x1  }
0x67: {  	(erf) = vpow2.f32 v5;
	_ =	sdelay $0x3  }
0x68: {  	v5 =	vld [tilespmem:$0x27A0];
	_ =	sdelay $0x4  }
0x69: {  	v6 =	vpop (erf)  }
0x6a: {  	[tilespmem:$0x8280] =	vst v6  }
0x6b: {  	v6 =	vld.idx.msk [tilespmem:v4+s25+$0x0], $0xffff  }
0x6c: {  	v5 =	vld.idx.msk [tilespmem:v5+s13+$0x0], $0xffff;
	_ =	sdelay $0x4  }
0x6d: {  	v5 =	vadd.f32 v5, v6;
	_ =	sdelay $0x1  }
0x6e: {  	v6 =	vmul.f32 $2.000000030e-01, v5  }
0x6f: {  	vm15 =	vge.f32 v5, $0.0e+00  }
0x70: {  	v5 =	vsel vm15, v5, v6  }
0x71: {  	v5 =	vmul.f32 $1.442695020e+00, v5;
	_ =	sdelay $0x1  }
0x72: {  	(erf) = vpow2.f32 v5;
	_ =	sdelay $0x8  }
0x73: {  	v6 =	vmov s13;
	v5 =	vpop (erf)  }
0x74: {  	s13 =	simm.s32 $0x2890;
	[tilespmem:$0x8290] =	vst v5  }
0x75: {  	v10 =	vld [tilespmem:s13+$0xFFFFFFC0]  }
0x76: {  	v13 =	vld [tilespmem:s13+$0x30]  }
0x77: {  	v11 =	vld [tilespmem:s13+$0x40]  }
0x78: {  	v6 =	vld.idx.msk [tilespmem:v6+s31+$0x0], $0xffff  }
0x79: {  	v15 =	vld [tilespmem:s13+$0xFFFFFFE0]  }
0x7a: {  	v5 =	vld [tilespmem:s13+$0xFFFFFFF0]  }
0x7b: {  	v7 =	vld [tilespmem:s13+$0x20]  }
0x7c: {  	v8 =	vld [tilespmem:s13+$0xFFFFFFD0]  }
0x7d: {  	v9 =	vld [tilespmem:s13+$0x10]  }
0x7e: {  	v14 =	vmul.f32 v10, v6;
	v12 =	vmul.f32 v11, v6;
	v10 =	vld [tilespmem:s13+$0x0]  }
0x7f: {  	s14 =	simm.s32 $0x1;
	s15 =	simm.s32 $0x2890;
	v11 =	vmul.f32 v15, v6;
	v13 =	vmul.f32 v13, v6  }
.LBB2_3:
0x80: {  	p1 =	sne.s32 s14, $0x4F  }
0x81: {  	[tilespmem:s13+$0xFFFFFFC0] =	vst v14;
	v8 =	vmul.f32 v8, v6;
	v7 =	vmul.f32 v7, v6;
	s15 =	sadd.s32 $0x90, s15;
	s18 =	smov.u32 s14;
	s14 =	sadd.s32 $0x1, s14  }
0x82: {  	v14 =	vmul.f32 v5, v6;
	v5 =	vmul.f32 v9, v6;
	[tilespmem:s13+$0x40] =	vst v12  }
0x83: {  	v6 =	vmul.f32 v10, v6;
	[tilespmem:s13+$0x30] =	vst v13  }
0x84: {  	[tilespmem:s13+$0xFFFFFFE0] =	vst v11  }
0x85: {  	v9 =	vmov s18;
	[tilespmem:s13+$0x10] =	vst v5  }
0x86: {  	v5 =	vld [tilespmem:s15+$0xFFFFFFF0];
	[tilespmem:s13+$0x0] =	vst v6  }
0x87: {  	v11 =	vld [tilespmem:s15+$0xFFFFFFC0];
	[tilespmem:s13+$0xFFFFFFF0] =	vst v14  }
0x88: {  	v13 =	vld [tilespmem:s15+$0x30];
	[tilespmem:s13+$0x20] =	vst v7  }
0x89: {  	v12 =	vld [tilespmem:s15+$0x40];
	[tilespmem:s13+$0xFFFFFFD0] =	vst v8;
	s13 =	smov.u32 s15  }
0x8a: {  	v6 =	vld.idx.msk [tilespmem:v9+s31+$0x0], $0xffff  }
0x8b: {  	v15 =	vld [tilespmem:s15+$0xFFFFFFE0]  }
0x8c: {  	v7 =	vld [tilespmem:s15+$0x20]  }
.Ltmp0:
0x8d: {  	v8 =	vld [tilespmem:s15+$0xFFFFFFD0];
	(pc) =	sbr.rel @p1 .LBB2_3-.Ltmp0, $4  }
0x8e: {  	v9 =	vld [tilespmem:s15+$0x10]  }
0x8f: {  	v10 =	vld [tilespmem:s15+$0x0]  }
0x90: {  	v14 =	vmul.f32 v11, v6;
	v12 =	vmul.f32 v12, v6  }
0x91: {  	v13 =	vmul.f32 v13, v6;
	v11 =	vmul.f32 v15, v6  }
0x92: {  	[tilespmem:s13+$0xFFFFFFC0] =	vst v14  }
0x93: {  	[tilespmem:s13+$0x40] =	vst v12  }
0x94: {  	v5 =	vmul.f32 v5, v6;
	[tilespmem:s13+$0x30] =	vst v13  }
0x95: {  	v7 =	vmul.f32 v7, v6;
	[tilespmem:s13+$0xFFFFFFE0] =	vst v11  }
0x96: {  	v9 =	vmul.f32 v9, v6;
	[tilespmem:s13+$0xFFFFFFF0] =	vst v5  }
0x97: {  	v10 =	vmul.f32 v10, v6;
	[tilespmem:s13+$0x20] =	vst v7  }
0x98: {  	v6 =	vmul.f32 v8, v6;
	[tilespmem:s13+$0x10] =	vst v9  }
0x99: {  	[tilespmem:s13+$0x0] =	vst v10  }
0x9a: {  	[tilespmem:s13+$0xFFFFFFD0] =	vst v6  }
0x9b: {  	[spmem:s4] =	stream.indirect.scatter.add.f32 [tilespmem:s25], [sflag:$0x3], $0x90, s23, s24, $0xb8;
	[tilespmem:$0x1E230] =	vst v63  }
0x9c: {  	_ =	swait.ge [sflag:s0], $0x2D00  }
0x9d: {  	[sflag:s0] =	ssyncset.done $0x0  }
0x9e: {  	[sflag:s0] =	ssyncadd.s32 $0xFFFFD300  }
0x9f: {  	v5 =	vld [tilespmem:$0x2800];
	_ =	sdelay $0x6  }
0xa0: {  	s18 =	simm.s32 $0x0;
	v6 =	vld.idx.msk [tilespmem:v0+s29+$0x0], $0xffff  }
0xa1: {  	v5 =	vld.idx.msk [tilespmem:v5+s18+$0x0], $0xffff;
	_ =	sdelay $0x4  }
0xa2: {  	v5 =	vadd.f32 v5, v6;
	_ =	sdelay $0x1  }
0xa3: {  	v6 =	vmul.f32 $2.000000030e-01, v5  }
0xa4: {  	vm0 =	vge.f32 v5, $0.0e+00  }
0xa5: {  	v5 =	vsel vm0, v5, v6  }
0xa6: {  	v5 =	vmul.f32 $1.442695020e+00, v5;
	_ =	sdelay $0x1  }
0xa7: {  	(erf) = vpow2.f32 v5;
	_ =	sdelay $0x3  }
0xa8: {  	v5 =	vld [tilespmem:$0x2810];
	_ =	sdelay $0x4  }
0xa9: {  	v6 =	vpop (erf)  }
0xaa: {  	[tilespmem:$0x8250] =	vst v6  }
0xab: {  	v6 =	vld.idx.msk [tilespmem:v1+s29+$0x0], $0xffff  }
0xac: {  	v5 =	vld.idx.msk [tilespmem:v5+s18+$0x0], $0xffff;
	_ =	sdelay $0x4  }
0xad: {  	v5 =	vadd.f32 v5, v6;
	_ =	sdelay $0x1  }
0xae: {  	v6 =	vmul.f32 $2.000000030e-01, v5  }
0xaf: {  	vm12 =	vge.f32 v5, $0.0e+00  }
0xb0: {  	v5 =	vsel vm12, v5, v6  }
0xb1: {  	v5 =	vmul.f32 $1.442695020e+00, v5;
	_ =	sdelay $0x1  }
0xb2: {  	(erf) = vpow2.f32 v5;
	_ =	sdelay $0x3  }
0xb3: {  	v5 =	vld [tilespmem:$0x2820];
	_ =	sdelay $0x4  }
0xb4: {  	v6 =	vpop (erf)  }
0xb5: {  	[tilespmem:$0x8260] =	vst v6  }
0xb6: {  	v6 =	vld.idx.msk [tilespmem:v2+s29+$0x0], $0xffff  }
0xb7: {  	v5 =	vld.idx.msk [tilespmem:v5+s18+$0x0], $0xffff;
	_ =	sdelay $0x4  }
0xb8: {  	v5 =	vadd.f32 v5, v6;
	_ =	sdelay $0x1  }
0xb9: {  	v6 =	vmul.f32 $2.000000030e-01, v5  }
0xba: {  	vm13 =	vge.f32 v5, $0.0e+00  }
0xbb: {  	v5 =	vsel vm13, v5, v6  }
0xbc: {  	v5 =	vmul.f32 $1.442695020e+00, v5;
	_ =	sdelay $0x1  }
0xbd: {  	(erf) = vpow2.f32 v5;
	_ =	sdelay $0x3  }
0xbe: {  	v5 =	vld [tilespmem:$0x2830];
	_ =	sdelay $0x4  }
0xbf: {  	v6 =	vpop (erf)  }
0xc0: {  	[tilespmem:$0x8270] =	vst v6  }
0xc1: {  	v6 =	vld.idx.msk [tilespmem:v3+s29+$0x0], $0xffff  }
0xc2: {  	v5 =	vld.idx.msk [tilespmem:v5+s18+$0x0], $0xffff;
	_ =	sdelay $0x4  }
0xc3: {  	v5 =	vadd.f32 v5, v6;
	_ =	sdelay $0x1  }
0xc4: {  	v6 =	vmul.f32 $2.000000030e-01, v5  }
0xc5: {  	vm14 =	vge.f32 v5, $0.0e+00  }
0xc6: {  	v5 =	vsel vm14, v5, v6  }
0xc7: {  	v5 =	vmul.f32 $1.442695020e+00, v5;
	_ =	sdelay $0x1  }
0xc8: {  	(erf) = vpow2.f32 v5;
	_ =	sdelay $0x3  }
0xc9: {  	v5 =	vld [tilespmem:$0x2840];
	_ =	sdelay $0x4  }
0xca: {  	v6 =	vpop (erf)  }
0xcb: {  	[tilespmem:$0x8280] =	vst v6  }
0xcc: {  	v6 =	vld.idx.msk [tilespmem:v4+s29+$0x0], $0xffff  }
0xcd: {  	v5 =	vld.idx.msk [tilespmem:v5+s18+$0x0], $0xffff;
	_ =	sdelay $0x4  }
0xce: {  	v5 =	vadd.f32 v5, v6;
	_ =	sdelay $0x1  }
0xcf: {  	v6 =	vmul.f32 $2.000000030e-01, v5  }
0xd0: {  	vm15 =	vge.f32 v5, $0.0e+00  }
0xd1: {  	v5 =	vsel vm15, v5, v6  }
0xd2: {  	v5 =	vmul.f32 $1.442695020e+00, v5;
	_ =	sdelay $0x1  }
0xd3: {  	(erf) = vpow2.f32 v5;
	_ =	sdelay $0x8  }
0xd4: {  	v6 =	vmov s18;
	v5 =	vpop (erf)  }
0xd5: {  	s13 =	simm.s32 $0x5590;
	[tilespmem:$0x8290] =	vst v5  }
0xd6: {  	v10 =	vld [tilespmem:s13+$0xFFFFFFC0]  }
0xd7: {  	v13 =	vld [tilespmem:s13+$0x30]  }
0xd8: {  	v11 =	vld [tilespmem:s13+$0x40]  }
0xd9: {  	v6 =	vld.idx.msk [tilespmem:v6+s31+$0x0], $0xffff  }
0xda: {  	v15 =	vld [tilespmem:s13+$0xFFFFFFE0]  }
0xdb: {  	v5 =	vld [tilespmem:s13+$0xFFFFFFF0]  }
0xdc: {  	v7 =	vld [tilespmem:s13+$0x20]  }
0xdd: {  	v8 =	vld [tilespmem:s13+$0xFFFFFFD0]  }
0xde: {  	v9 =	vld [tilespmem:s13+$0x10]  }
0xdf: {  	v14 =	vmul.f32 v10, v6;
	v12 =	vmul.f32 v11, v6;
	v10 =	vld [tilespmem:s13+$0x0]  }
0xe0: {  	s14 =	simm.s32 $0x1;
	s15 =	simm.s32 $0x5590;
	v11 =	vmul.f32 v15, v6;
	v13 =	vmul.f32 v13, v6  }
.LBB2_5:
0xe1: {  	p1 =	sne.s32 s14, $0x4F  }
0xe2: {  	[tilespmem:s13+$0xFFFFFFC0] =	vst v14;
	v8 =	vmul.f32 v8, v6;
	v7 =	vmul.f32 v7, v6;
	s15 =	sadd.s32 $0x90, s15;
	s18 =	smov.u32 s14;
	s14 =	sadd.s32 $0x1, s14  }
0xe3: {  	v14 =	vmul.f32 v5, v6;
	v5 =	vmul.f32 v9, v6;
	[tilespmem:s13+$0x40] =	vst v12  }
0xe4: {  	v6 =	vmul.f32 v10, v6;
	[tilespmem:s13+$0x30] =	vst v13  }
0xe5: {  	[tilespmem:s13+$0xFFFFFFE0] =	vst v11  }
0xe6: {  	v9 =	vmov s18;
	[tilespmem:s13+$0x10] =	vst v5  }
0xe7: {  	v5 =	vld [tilespmem:s15+$0xFFFFFFF0];
	[tilespmem:s13+$0x0] =	vst v6  }
0xe8: {  	v11 =	vld [tilespmem:s15+$0xFFFFFFC0];
	[tilespmem:s13+$0xFFFFFFF0] =	vst v14  }
0xe9: {  	v13 =	vld [tilespmem:s15+$0x30];
	[tilespmem:s13+$0x20] =	vst v7  }
0xea: {  	v12 =	vld [tilespmem:s15+$0x40];
	[tilespmem:s13+$0xFFFFFFD0] =	vst v8;
	s13 =	smov.u32 s15  }
0xeb: {  	v6 =	vld.idx.msk [tilespmem:v9+s31+$0x0], $0xffff  }
0xec: {  	v15 =	vld [tilespmem:s15+$0xFFFFFFE0]  }
0xed: {  	v7 =	vld [tilespmem:s15+$0x20]  }
.Ltmp1:
0xee: {  	v8 =	vld [tilespmem:s15+$0xFFFFFFD0];
	(pc) =	sbr.rel @p1 .LBB2_5-.Ltmp1, $4  }
0xef: {  	v9 =	vld [tilespmem:s15+$0x10]  }
0xf0: {  	v10 =	vld [tilespmem:s15+$0x0]  }
0xf1: {  	v14 =	vmul.f32 v11, v6;
	v12 =	vmul.f32 v12, v6  }
0xf2: {  	v13 =	vmul.f32 v13, v6;
	v11 =	vmul.f32 v15, v6  }
0xf3: {  	[tilespmem:s13+$0xFFFFFFC0] =	vst v14  }
0xf4: {  	[tilespmem:s13+$0x40] =	vst v12  }
0xf5: {  	v5 =	vmul.f32 v5, v6;
	[tilespmem:s13+$0x30] =	vst v13  }
0xf6: {  	v7 =	vmul.f32 v7, v6;
	[tilespmem:s13+$0xFFFFFFE0] =	vst v11  }
0xf7: {  	v9 =	vmul.f32 v9, v6;
	[tilespmem:s13+$0xFFFFFFF0] =	vst v5  }
0xf8: {  	v10 =	vmul.f32 v10, v6;
	[tilespmem:s13+$0x20] =	vst v7  }
0xf9: {  	v6 =	vmul.f32 v8, v6;
	[tilespmem:s13+$0x10] =	vst v9  }
0xfa: {  	[tilespmem:s13+$0x0] =	vst v10  }
0xfb: {  	[tilespmem:s13+$0xFFFFFFD0] =	vst v6;
	s13 =	smul.u32 $0xA0, s12  }
0xfc: {  	[spmem:s4] =	stream.indirect.scatter.add.f32 [tilespmem:s29], [sflag:$0x4], $0x90, s28, s24, $0xb8;
	[tilespmem:$0x1E230] =	vst v63  }
0xfd: {  	_ =	swait.ge [sflag:s1], $0x2D00;
	s14 =	sadd.s32 s13, s16  }
0xfe: {  	[sflag:s1] =	ssyncset.done $0x0;
	s14 =	sshrl.u32 s14, $0x3  }
0xff: {  	[sflag:s1] =	ssyncadd.s32 $0xFFFFD300;
	s15 =	sadd.s32 s7, s14  }
0x100: {  	[tilespmem:s22], [sflag:$0x5] =	stream.linear.gather [hbm4b:s15+s5], $0x50, $0x38;
	[tilespmem:$0x1E230] =	vst v63  }
0x101: {  	_ =	swait.ge [sflag:s21], $0x50  }
0x102: {  	[sflag:s21] =	ssyncset.done $0x0  }
0x103: {  	p1 =	seq.s32 s12, $0x3D;
	s14 =	sadd.s32 s2, s14;
	[sflag:s21] =	ssyncadd.s32 $0xFFFFFFB0  }
0x104: {  	[tilespmem:s23], [sflag:$0x5] =	stream.linear.gather [hbm4b:s14+s5], $0x50, $0x38;
	[tilespmem:$0x1E230] =	vst v63  }
.Ltmp2:
0x105: {  	_ = 	snop;
	(pc) =	sbr.rel @p1 .LBB2_8-.Ltmp2, $4  }
0x106: {  	_ =	swait.ge [sflag:s21], $0x50  }
0x107: {  	[sflag:s21] =	ssyncset.done $0x0  }
0x108: {  	[sflag:s21] =	ssyncadd.s32 $0xFFFFFFB0  }
0x109: {  	[tilespmem:s25], [sflag:$0x1] =	stream.indirect.gather [hbm4b:s6+s24], $0x90, s22, s24, $0xb8;
	[tilespmem:$0x1E230] =	vst v63  }
0x10a: {  	_ =	swait.ge [sflag:s3], $0x2D00;
	s13 =	sadd.s32 s13, s17  }
0x10b: {  	[sflag:s3] =	ssyncset.done $0x0;
	s13 =	sshrl.u32 s13, $0x3  }
0x10c: {  	[sflag:s3] =	ssyncadd.s32 $0xFFFFD300;
	s14 =	sadd.s32 s7, s13  }
0x10d: {  	[tilespmem:s26], [sflag:$0x5] =	stream.linear.gather [hbm4b:s14+s5], $0x50, $0x38;
	[tilespmem:$0x1E230] =	vst v63  }
0x10e: {  	_ =	swait.ge [sflag:s21], $0x50  }
0x10f: {  	[sflag:s21] =	ssyncset.done $0x0  }
0x110: {  	s13 =	sadd.s32 s2, s13;
	[sflag:s21] =	ssyncadd.s32 $0xFFFFFFB0  }
0x111: {  	[tilespmem:s28], [sflag:$0x5] =	stream.linear.gather [hbm4b:s13+s5], $0x50, $0x38;
	[tilespmem:$0x1E230] =	vst v63  }
.Ltmp3:
0x112: {  	_ = 	snop;
	(pc) =	sbr.rel .LBB2_2-.Ltmp3, $4  }
0x113: {  	_ =	swait.ge [sflag:s21], $0x50  }
0x114: {  	[sflag:s21] =	ssyncset.done $0x0  }
0x115: {  	s12 =	sadd.s32 $0x1, s12;
	[sflag:s21] =	ssyncadd.s32 $0xFFFFFFB0  }
0x116: {  	[tilespmem:s29], [sflag:$0x2] =	stream.indirect.gather [hbm4b:s6+s24], $0x90, s26, s24, $0xb8;
	[tilespmem:$0x1E230] =	vst v63  }
.LBB2_8:
0x117: {  	_ =	swait.ge [sflag:s30], $0x2D00  }
0x118: {  	[sflag:s30] =	ssyncset.done $0x0  }
0x119: {  	[sflag:s30] =	ssyncadd.s32 $0xFFFFD300  }
0x11a: {  	v5 =	vld [tilespmem:$0x2760];
	_ =	sdelay $0x6  }
0x11b: {  	s12 =	simm.s32 $0x0;
	v6 =	vld.idx.msk [tilespmem:v0+s25+$0x0], $0xffff  }
0x11c: {  	v5 =	vld.idx.msk [tilespmem:v5+s12+$0x0], $0xffff;
	_ =	sdelay $0x4  }
0x11d: {  	v5 =	vadd.f32 v5, v6;
	_ =	sdelay $0x1  }
0x11e: {  	v6 =	vmul.f32 $2.000000030e-01, v5  }
0x11f: {  	vm0 =	vge.f32 v5, $0.0e+00  }
0x120: {  	v5 =	vsel vm0, v5, v6  }
0x121: {  	v5 =	vmul.f32 $1.442695020e+00, v5;
	_ =	sdelay $0x1  }
0x122: {  	(erf) = vpow2.f32 v5;
	_ =	sdelay $0x3  }
0x123: {  	v5 =	vld [tilespmem:$0x2770];
	_ =	sdelay $0x4  }
0x124: {  	v6 =	vpop (erf)  }
0x125: {  	[tilespmem:$0x8250] =	vst v6  }
0x126: {  	v6 =	vld.idx.msk [tilespmem:v1+s25+$0x0], $0xffff  }
0x127: {  	v5 =	vld.idx.msk [tilespmem:v5+s12+$0x0], $0xffff;
	_ =	sdelay $0x4  }
0x128: {  	v5 =	vadd.f32 v5, v6;
	_ =	sdelay $0x1  }
0x129: {  	v6 =	vmul.f32 $2.000000030e-01, v5  }
0x12a: {  	vm12 =	vge.f32 v5, $0.0e+00  }
0x12b: {  	v5 =	vsel vm12, v5, v6  }
0x12c: {  	v5 =	vmul.f32 $1.442695020e+00, v5;
	_ =	sdelay $0x1  }
0x12d: {  	(erf) = vpow2.f32 v5;
	_ =	sdelay $0x3  }
0x12e: {  	v5 =	vld [tilespmem:$0x2780];
	_ =	sdelay $0x4  }
0x12f: {  	v6 =	vpop (erf)  }
0x130: {  	[tilespmem:$0x8260] =	vst v6  }
0x131: {  	v6 =	vld.idx.msk [tilespmem:v2+s25+$0x0], $0xffff  }
0x132: {  	v5 =	vld.idx.msk [tilespmem:v5+s12+$0x0], $0xffff;
	_ =	sdelay $0x4  }
0x133: {  	v5 =	vadd.f32 v5, v6;
	_ =	sdelay $0x1  }
0x134: {  	v6 =	vmul.f32 $2.000000030e-01, v5  }
0x135: {  	vm13 =	vge.f32 v5, $0.0e+00  }
0x136: {  	v5 =	vsel vm13, v5, v6  }
0x137: {  	v5 =	vmul.f32 $1.442695020e+00, v5;
	_ =	sdelay $0x1  }
0x138: {  	(erf) = vpow2.f32 v5;
	_ =	sdelay $0x3  }
0x139: {  	v5 =	vld [tilespmem:$0x2790];
	_ =	sdelay $0x4  }
0x13a: {  	v6 =	vpop (erf)  }
0x13b: {  	[tilespmem:$0x8270] =	vst v6  }
0x13c: {  	v6 =	vld.idx.msk [tilespmem:v3+s25+$0x0], $0xffff  }
0x13d: {  	v5 =	vld.idx.msk [tilespmem:v5+s12+$0x0], $0xffff;
	_ =	sdelay $0x4  }
0x13e: {  	v5 =	vadd.f32 v5, v6;
	_ =	sdelay $0x1  }
0x13f: {  	v6 =	vmul.f32 $2.000000030e-01, v5  }
0x140: {  	vm14 =	vge.f32 v5, $0.0e+00  }
0x141: {  	v5 =	vsel vm14, v5, v6  }
0x142: {  	v5 =	vmul.f32 $1.442695020e+00, v5;
	_ =	sdelay $0x1  }
0x143: {  	(erf) = vpow2.f32 v5;
	_ =	sdelay $0x3  }
0x144: {  	v5 =	vld [tilespmem:$0x27A0];
	_ =	sdelay $0x4  }
0x145: {  	v6 =	vpop (erf)  }
0x146: {  	[tilespmem:$0x8280] =	vst v6  }
0x147: {  	v6 =	vld.idx.msk [tilespmem:v4+s25+$0x0], $0xffff  }
0x148: {  	v5 =	vld.idx.msk [tilespmem:v5+s12+$0x0], $0xffff;
	_ =	sdelay $0x4  }
0x149: {  	v5 =	vadd.f32 v5, v6;
	_ =	sdelay $0x1  }
0x14a: {  	v6 =	vmul.f32 $2.000000030e-01, v5  }
0x14b: {  	vm15 =	vge.f32 v5, $0.0e+00  }
0x14c: {  	v5 =	vsel vm15, v5, v6  }
0x14d: {  	v5 =	vmul.f32 $1.442695020e+00, v5;
	_ =	sdelay $0x1  }
0x14e: {  	(erf) = vpow2.f32 v5;
	_ =	sdelay $0x8  }
0x14f: {  	v6 =	vmov s12;
	v5 =	vpop (erf)  }
0x150: {  	s12 =	simm.s32 $0x2890;
	[tilespmem:$0x8290] =	vst v5  }
0x151: {  	v10 =	vld [tilespmem:s12+$0xFFFFFFC0]  }
0x152: {  	v13 =	vld [tilespmem:s12+$0x30]  }
0x153: {  	v11 =	vld [tilespmem:s12+$0x40]  }
0x154: {  	v6 =	vld.idx.msk [tilespmem:v6+s31+$0x0], $0xffff  }
0x155: {  	v15 =	vld [tilespmem:s12+$0xFFFFFFE0]  }
0x156: {  	v5 =	vld [tilespmem:s12+$0xFFFFFFF0]  }
0x157: {  	v7 =	vld [tilespmem:s12+$0x20]  }
0x158: {  	v8 =	vld [tilespmem:s12+$0xFFFFFFD0]  }
0x159: {  	v9 =	vld [tilespmem:s12+$0x10]  }
0x15a: {  	v14 =	vmul.f32 v10, v6;
	v12 =	vmul.f32 v11, v6;
	v10 =	vld [tilespmem:s12+$0x0]  }
0x15b: {  	s13 =	simm.s32 $0x1;
	s14 =	simm.s32 $0x2890;
	v11 =	vmul.f32 v15, v6;
	v13 =	vmul.f32 v13, v6  }
.LBB2_9:
0x15c: {  	p1 =	sne.s32 s13, $0x4F  }
0x15d: {  	[tilespmem:s12+$0xFFFFFFC0] =	vst v14;
	v8 =	vmul.f32 v8, v6;
	v7 =	vmul.f32 v7, v6;
	s14 =	sadd.s32 $0x90, s14;
	s15 =	smov.u32 s13;
	s13 =	sadd.s32 $0x1, s13  }
0x15e: {  	v14 =	vmul.f32 v5, v6;
	v5 =	vmul.f32 v9, v6;
	[tilespmem:s12+$0x40] =	vst v12  }
0x15f: {  	v6 =	vmul.f32 v10, v6;
	[tilespmem:s12+$0x30] =	vst v13  }
0x160: {  	[tilespmem:s12+$0xFFFFFFE0] =	vst v11  }
0x161: {  	v9 =	vmov s15;
	[tilespmem:s12+$0x10] =	vst v5  }
0x162: {  	v5 =	vld [tilespmem:s14+$0xFFFFFFF0];
	[tilespmem:s12+$0x0] =	vst v6  }
0x163: {  	v11 =	vld [tilespmem:s14+$0xFFFFFFC0];
	[tilespmem:s12+$0xFFFFFFF0] =	vst v14  }
0x164: {  	v13 =	vld [tilespmem:s14+$0x30];
	[tilespmem:s12+$0x20] =	vst v7  }
0x165: {  	v12 =	vld [tilespmem:s14+$0x40];
	[tilespmem:s12+$0xFFFFFFD0] =	vst v8;
	s12 =	smov.u32 s14  }
0x166: {  	v6 =	vld.idx.msk [tilespmem:v9+s31+$0x0], $0xffff  }
0x167: {  	v15 =	vld [tilespmem:s14+$0xFFFFFFE0]  }
0x168: {  	v7 =	vld [tilespmem:s14+$0x20]  }
.Ltmp4:
0x169: {  	v8 =	vld [tilespmem:s14+$0xFFFFFFD0];
	(pc) =	sbr.rel @p1 .LBB2_9-.Ltmp4, $4  }
0x16a: {  	v9 =	vld [tilespmem:s14+$0x10]  }
0x16b: {  	v10 =	vld [tilespmem:s14+$0x0]  }
0x16c: {  	v14 =	vmul.f32 v11, v6;
	v12 =	vmul.f32 v12, v6  }
0x16d: {  	v13 =	vmul.f32 v13, v6;
	v11 =	vmul.f32 v15, v6  }
0x16e: {  	[tilespmem:s12+$0xFFFFFFC0] =	vst v14  }
0x16f: {  	[tilespmem:s12+$0x40] =	vst v12  }
0x170: {  	v5 =	vmul.f32 v5, v6;
	[tilespmem:s12+$0x30] =	vst v13  }
0x171: {  	v7 =	vmul.f32 v7, v6;
	[tilespmem:s12+$0xFFFFFFE0] =	vst v11  }
0x172: {  	v9 =	vmul.f32 v9, v6;
	[tilespmem:s12+$0xFFFFFFF0] =	vst v5  }
0x173: {  	v10 =	vmul.f32 v10, v6;
	[tilespmem:s12+$0x20] =	vst v7  }
0x174: {  	v6 =	vmul.f32 v8, v6;
	[tilespmem:s12+$0x10] =	vst v9  }
0x175: {  	[tilespmem:s12+$0x0] =	vst v10  }
0x176: {  	[tilespmem:s12+$0xFFFFFFD0] =	vst v6  }
0x177: {  	[spmem:s4] =	stream.indirect.scatter.add.f32 [tilespmem:s25], [sflag:$0x3], $0x90, s23, s24, $0xb8;
	[tilespmem:$0x1E230] =	vst v63  }
0x178: {  	_ =	swait.ge [sflag:s1], $0x2D00  }
0x179: {  	[sflag:s1] =	ssyncset.done $0x0  }
0x17a: {  	[sflag:s1] =	ssyncadd.s32 $0xFFFFD300  }
0x17b: {  	_ =	swait.ge [sflag:s3], $0x2D00  }
0x17c: {  	[sflag:s3] =	ssyncset.done $0x0  }
0x17d: {  	[sflag:s3] =	ssyncadd.s32 $0xFFFFD300  }
0x17e: {  	[bflag:$0x0] =	sbarrier.arrive $0xFFFF  }
0x17f: {  	s18 =	rddreg [dreg:$0xd]  }
0x180: {  	[hbm:s18], [sflag:s9] =	dma.local [spmem:s10], $0x2BE0  }
0x181: {  	_ =	swait.ge [sflag:s21], $0x2BE0  }
0x182: {  	s8 =	sadd.s32 $0x1, s8;
	[sflag:s21] =	ssyncset.done $0x0  }
0x183: {  	p1 =	sne.s32 s8, s20;
	[sflag:s21] =	ssyncadd.s32 $0xFFFFD420  }
0x184: {  	[hbm:s19], [sflag:s9] =	dma.local @!p0 [spmem:s11], $0x120  }
.Ltmp5:
0x185: {  	_ = 	snop;
	(pc) =	sbr.rel @p1 .LBB2_1-.Ltmp5, $4  }
0x186: {  	s9 =	simm.s32 @!p0 $0x5  }
0x187: {  	_ =	swait.ge @!p0 [sflag:s9], $0x120  }
0x188: {  	[sflag:s9] =	ssyncset.done @!p0 $0x0  }
0x189: {  	[sflag:s9] =	ssyncadd.s32 @!p0 $0xFFFFFEE0  }
0x18a: {  	_ =	sfence.sel $0x180000  }
0x18b: {  	[bflag:$0x0] =	sbarrier.arrive $0xFFFF  }
0x18c: {  	_ =	strace $0x9000004A  }
0x18d: {  	s0 =	stileid.u32;
	[bflag:$0x2] =	sbarrier.arrive $0xFFFF  }
0x18e: {  	p0 =	sne.s32 s0, $0x0;
	s0 =	rddreg [dreg:$0x4]  }
0x18f: {  	s0 =	sadd.s32 @!p0 $0x100000, s0  }
0x190: {  	[sflag:s0] =	ssyncadd.tile.s32 @!p0 $0x1;
	_ =	shalt  }
.Lfunc_end2:
_tile_overlayer_lowered:
.L_overlay_start_2:
0x191: {  	(tag) =	ssettag $0x2  }
0x192: {  	s0 =	rddreg [dreg:$0x0];
	s2 =	stileid.u32  }
0x193: {  	s1 =	rddreg [dreg:$0x1];
	p0 =	sne.s32 s2, $0x0  }
0x194: {  	s3 =	rddreg [dreg:$0x2];
	[bflag:$0x3] =	sbarrier.arrive $0xFFFF;
	s2 =	simm.s32 @!p0 $0x1C05  }
0x195: {  	[timem:s3], [sflag:s2] =	dma.local @!p0 [hbm:s0], s1  }
0x196: {  	s0 =	simm.s32 @!p0 $0x5  }
0x197: {  	_ =	swait.ge @!p0 [sflag:s0], s1  }
0x198: {  	s1 =	ssub.s32 @!p0 $0x0, s1;
	[sflag:s0] =	ssyncset.done @!p0 $0x0  }
0x199: {  	[sflag:s0] =	ssyncadd.s32 @!p0 s1  }
0x19a: {  	[bflag:$0x3] =	sbarrier.arrive $0xFFFF  }
0x19b: {  	_ =	shalt  }

// kernel: kernel.9.cloned.1.call-start
scs
__scs_entry_jumppad:
0x0: {  	(pc) =	sbr.rel $0x88, $3  }
0x1: {  	(tag) =	ssettag $0x0;
	lr =	simm.s32 $0x1  }
0x2: {  	[smem:$0x3F86] =	sst lr;
	_ =	strace $0xD0000000  }
0x3: {  	_ = 	snop  }
0x4: {  	_ = 	snop  }
0x5: {  	_ = 	snop  }
0x6: {  	_ = 	snop  }
0x7: {  	_ = 	snop  }
__scs_overlays_trampoline_lowered:
0x8: {  	[smem:$0x3F95] =	sst s0  }
0x9: {  	[smem:$0x3F96] =	sst s1  }
0xa: {  	[smem:$0x3F97] =	sst s2  }
0xb: {  	[smem:$0x3F98] =	sst s3  }
0xc: {  	[smem:$0x3F99] =	sst s4  }
0xd: {  	[smem:$0x3F9A] =	sst s5  }
0xe: {  	[smem:$0x3F9B] =	sst s6  }
0xf: {  	[smem:$0x3F9C] =	sst s7  }
0x10: {  	[smem:$0x3F9D] =	sst s8  }
0x11: {  	[smem:$0x3F9E] =	sst s9;
	s0 =	simm.s32 @!p0 $0x0  }
0x12: {  	s1 =	sld [smem:$0x3F84];
	s0 =	simm.s32 @p0 $0x1  }
0x13: {  	[smem:$0x3F9F] =	sst s0;
	s0 =	simm.s32 @!p1 $0x0  }
0x14: {  	s2 =	sld [smem:$0x3F83];
	s0 =	simm.s32 @p1 $0x1  }
0x15: {  	[smem:$0x3FA0] =	sst s0;
	s0 =	simm.s32 @!p2 $0x0  }
0x16: {  	s3 =	sld [smem:$0x3FDB];
	s0 =	simm.s32 @p2 $0x1  }
0x17: {  	s4 =	simm.s32 $0x1BF5;
	[smem:$0x3FA2] =	sst s0  }
0x18: {  	s0 =	sld [smem:$0x3F85];
	_ =	swait.ge [sflag:s4], $0x0  }
0x19: {  	s7 =	sld [smem:$0x3F86]  }
0x1a: {  	s8 =	sadd.s32 $0xFFFFE003, lr  }
0x1b: {  	s9 =	sadd.s32 $0xFFFFFEF7, lr;
	s5 =	simm.s32 $0xFFFFFFFF;
	p2 =	slt.u32 s8, $0xFFFFF086  }
0x1c: {  	p1 =	slt.u32 s9, $0xF7A;
	s5 =	simm.s32 @!p2 $0x0  }
0x1d: {  	s5 =	simm.s32 @p1 $0x1;
	p0 =	seq.s32 s7, s2  }
0x1e: {  	s7 =	smul.u32 @!p0 $0xF7A, s2;
	p2 =	seq.s32 @!p0 s5, $0x0  }
0x1f: {  	s9 =	smul.u32 $0xF7A, s1;
	s8 =	simm.s32 @!p0 $0x1BF5;
	p2 =	por !p2, p0  }
0x20: {  	[sflag:s8] =	ssyncset.s32 @!p0 $0xFFFFF086;
	s6 =	sadd.s32 @!p0 s3, s7;
	s7 =	simm.s32 @!p0 $0x108  }
0x21: {  	s3 =	sadd.s32 s3, s9;
	s6 =	sadd.s32 @!p0 $0x88, s6;
	s7 =	simm.s32 @p2 $0x1082  }
0x22: {  	[simem:s7], [sflag:s8] =	dma.local @!p0 [hbm:s6], $0xF7A  }
0x23: {  	s9 =	sor.u32 $0xD0000000, s2;
	s6 =	simm.s32 $0x108;
	_ =	swait.ge @!p0 [sflag:s8], $0x0  }
0x24: {  	s3 =	sadd.s32 $0x88, s3;
	s6 =	simm.s32 @!p1 $0x1082;
	[sflag:s4] =	ssyncset.s32 $0xFFFFF086  }
0x25: {  	[simem:s6], [sflag:s4] =	dma.local [hbm:s3], $0xF7A  }
0x26: {  	[smem:$0x3F86] =	sst s1;
	(tag) =	ssettag s2;
	_ =	strace s9  }
0x27: {  	s1 =	sld [smem:$0x3F96]  }
0x28: {  	s2 =	sld [smem:$0x3F97]  }
0x29: {  	s4 =	sld [smem:$0x3F99]  }
0x2a: {  	p0 =	seq.s32 s5, $0x0;
	s5 =	sld [smem:$0x3F9A]  }
0x2b: {  	s6 =	sld [smem:$0x3F9B]  }
0x2c: {  	s7 =	sld [smem:$0x3F9C]  }
0x2d: {  	s3 =	simm.s32 $0x108;
	s8 =	sld [smem:$0x3F9D]  }
0x2e: {  	s3 =	simm.s32 @!p0 $0x1082;
	s9 =	sld [smem:$0x3F9E]  }
0x2f: {  	lr =	sadd.s32 s0, s3;
	s0 =	sld [smem:$0x3F95]  }
0x30: {  	s3 =	sld [smem:$0x3F98]  }
0x31: {  	[smem:$0x3FA1] =	sst s10  }
0x32: {  	s10 =	sld [smem:$0x3F9F];
	_ =	sdelay $0x3  }
0x33: {  	p0 =	seq.s32 s10, $0x1;
	s10 =	sld [smem:$0x3FA1];
	_ =	sdelay $0x3  }
0x34: {  	[smem:$0x3FA1] =	sst s10  }
0x35: {  	s10 =	sld [smem:$0x3FA0];
	_ =	sdelay $0x3  }
0x36: {  	p1 =	seq.s32 s10, $0x1;
	s10 =	sld [smem:$0x3FA1];
	_ =	sdelay $0x3  }
0x37: {  	[smem:$0x3FA1] =	sst s10  }
0x38: {  	s10 =	sld [smem:$0x3FA2]  }
0x39: {  	_ = 	snop;
	(pc) =	sbr.ind lr, $3  }
0x3a: {  	_ = 	snop  }
0x3b: {  	_ = 	snop  }
0x3c: {  	p2 =	seq.s32 s10, $0x1;
	s10 =	sld [smem:$0x3FA1]  }
0x3d: {  	_ =	shalt  }
0x3e: {  	_ =	shalt  }
0x3f: {  	_ =	shalt  }
0x40: {  	_ =	shalt  }
0x41: {  	_ =	shalt  }
0x42: {  	_ =	shalt  }
0x43: {  	_ =	shalt  }
0x44: {  	_ =	shalt  }
0x45: {  	_ =	shalt  }
0x46: {  	_ =	shalt  }
0x47: {  	_ =	shalt  }
0x48: {  	_ =	shalt  }
0x49: {  	_ =	shalt  }
0x4a: {  	_ =	shalt  }
0x4b: {  	_ =	shalt  }
0x4c: {  	_ =	shalt  }
0x4d: {  	_ =	shalt  }
0x4e: {  	_ =	shalt  }
0x4f: {  	_ =	shalt  }
0x50: {  	_ =	shalt  }
0x51: {  	_ =	shalt  }
0x52: {  	_ =	shalt  }
0x53: {  	_ =	shalt  }
0x54: {  	_ =	shalt  }
0x55: {  	_ =	shalt  }
0x56: {  	_ =	shalt  }
0x57: {  	_ =	shalt  }
0x58: {  	_ =	shalt  }
0x59: {  	_ =	shalt  }
0x5a: {  	_ =	shalt  }
0x5b: {  	_ =	shalt  }
0x5c: {  	_ =	shalt  }
0x5d: {  	_ =	shalt  }
0x5e: {  	_ =	shalt  }
0x5f: {  	_ =	shalt  }
0x60: {  	_ =	shalt  }
0x61: {  	_ =	shalt  }
0x62: {  	_ =	shalt  }
0x63: {  	_ =	shalt  }
0x64: {  	_ =	shalt  }
0x65: {  	_ =	shalt  }
0x66: {  	_ =	shalt  }
0x67: {  	_ =	shalt  }
0x68: {  	_ =	shalt  }
0x69: {  	_ =	shalt  }
0x6a: {  	_ =	shalt  }
0x6b: {  	_ =	shalt  }
0x6c: {  	_ =	shalt  }
0x6d: {  	_ =	shalt  }
0x6e: {  	_ =	shalt  }
0x6f: {  	_ =	shalt  }
0x70: {  	_ =	shalt  }
0x71: {  	_ =	shalt  }
0x72: {  	_ =	shalt  }
0x73: {  	_ =	shalt  }
0x74: {  	_ =	shalt  }
0x75: {  	_ =	shalt  }
0x76: {  	_ =	shalt  }
0x77: {  	_ =	shalt  }
0x78: {  	_ =	shalt  }
0x79: {  	_ =	shalt  }
0x7a: {  	_ =	shalt  }
0x7b: {  	_ =	shalt  }
0x7c: {  	_ =	shalt  }
0x7d: {  	_ =	shalt  }
0x7e: {  	_ =	shalt  }
0x7f: {  	_ =	shalt  }
0x80: {  	_ =	shalt  }
0x81: {  	_ =	shalt  }
0x82: {  	_ =	shalt  }
0x83: {  	_ =	shalt  }
0x84: {  	_ =	shalt  }
0x85: {  	_ =	shalt  }
0x86: {  	_ =	shalt  }
0x87: {  	_ =	shalt  }
.Lfunc_end0:
.L_simem_size_0:
called_computation_lowered:
.L_overlay_start_0:
0x88: {  	s2 =	sld [smem:$0x3FD9]  }
0x89: {  	s3 =	sld [smem:$0x3FFE];
	_ =	sdelay $0x1  }
0x8a: {  	s1 =	srdreg.scid  }
0x8b: {  	s0 =	sand.u32 $0x1, s1  }
0x8c: {  	s14 =	sshll.u32 s0, $0xA;
	s2 =	sadd.s32 s3, s2  }
0x8d: {  	s2 =	sadd.s32 s2, s14  }
0x8e: {  	[smem:$0x3FAD] =	sst s2  }
0x8f: {  	_ = 	snop  }
0x90: {  	s2 =	sld [smem:$0x3FD0];
	_ =	sdelay $0x2  }
0x91: {  	s15 =	simm.s32 $0xA;
	s4 =	simm.s32 $0x10  }
0x92: {  	[smem:s4], [sflag:s15] =	dma.local [hbm:s2], $0x1  }
0x93: {  	_ =	swait.eq [sflag:s15], $0x1  }
0x94: {  	[sflag:s15] =	ssyncset.done $0x0  }
0x95: {  	s16 =	sld [smem:$0x11];
	[sflag:s15] =	ssyncadd.s32 $0xFFFFFFFF  }
0x96: {  	s17 =	sld [smem:$0x12];
	(tm) =	ssettm $0x1  }
0x97: {  	s18 =	sld [smem:$0x3FFB];
	_ =	sdelay $0x3  }
0x98: {  	_ =	strace s18  }
0x99: {  	s4 =	sld [smem:$0x3FFC];
	_ =	sdelay $0x3  }
0x9a: {  	_ =	strace s4  }
0x9b: {  	s4 =	sld [smem:$0x3FFD];
	_ =	sdelay $0x3  }
0x9c: {  	_ =	strace s4  }
0x9d: {  	_ =	strace $0x8FFFFFFF  }
0x9e: {  	s19 =	sld [smem:$0x3FDB];
	_ =	sdelay $0x1  }
0x9f: {  	s5 =	simm.s32 $_scs_section_size  }
0xa0: {  	s6 =	simm.s32 $_size__tile_overlayer_lowered;
	s7 =	simm.s32 $_tile_overlayer_lowered  }
0xa1: {  	s22 =	simm.s32 $0x1BFF;
	s21 =	sshll.u32 s7, $0x1;
	s4 =	sadd.s32 s5, s19  }
0xa2: {  	s8 =	simm.s32 $0x0;
	s20 =	sshll.u32 s6, $0x1;
	s6 =	sadd.s32 s21, s4  }
0xa3: {  	[timem:s8], [sflag:s22] =	dma.local [hbm:s6], s20  }
0xa4: {  	_ =	swait.ge [sflag:s22], s20  }
0xa5: {  	s5 =	ssub.s32 $0x0, s20;
	[sflag:s22] =	ssyncset.done $0x0  }
0xa6: {  	[sflag:s22] =	ssyncadd.s32 s5;
	_ =	sdelay $0x1  }
0xa7: {  	s23 =	simm.s32 $0x1B8B  }
0xa8: {  	_ =	swait.ge [sflag:s23], $0x1  }
0xa9: {  	[sflag:s23] =	ssyncset.done $0x0  }
0xaa: {  	s25 =	simm.s32 $0x1B8E;
	s24 =	sld [smem:$0x3FFE];
	[sflag:s23] =	ssyncadd.s32 $0xFFFFFFFF  }
0xab: {  	s26 =	simm.s32 $execute0_lowered;
	[smem:$0x3FD2] =	sst s25  }
0xac: {  	s6 =	sshll.u32 s26, $0x1;
	_ =	strace $0x80000046;
	[dreg:$0x1] =	wrdreg $0xFFFFFFFF  }
0xad: {  	s28 =	simm.s32 $_size_execute0_lowered;
	s4 =	sadd.s32 s4, s6;
	[dreg:$0x0] =	wrdreg $0x0  }
0xae: {  	s6 =	sshll.u32 s28, $0x1;
	[dreg:$0x2] =	wrdreg s4  }
0xaf: {  	[dreg:$0x3] =	wrdreg s6  }
0xb0: {  	[dreg:$0x4] =	wrdreg $0xC0  }
0xb1: {  	_ =	task [dreg:s8], $0x5FFFF  }
0xb2: {  	[dreg:$0x1] =	wrdreg $0xFFFFFFFF  }
0xb3: {  	[dreg:$0x0] =	wrdreg $0x60  }
0xb4: {  	[dreg:$0x2] =	wrdreg s24  }
0xb5: {  	[dreg:$0x3] =	wrdreg s17  }
0xb6: {  	[dreg:$0x4] =	wrdreg s16  }
0xb7: {  	[dreg:$0x5] =	wrdreg $0x82A00  }
0xb8: {  	[dreg:$0x6] =	wrdreg $0x9  }
0xb9: {  	_ =	task.clear_ibuf [dreg:s8], $0x7FFFF;
	_ =	strace $0x90000046  }
0xba: {  	s29 =	simm.s32 $0x9;
	_ =	strace $0x80000048  }
0xbb: {  	_ =	swait.ge [sflag:s29], $0x1  }
0xbc: {  	[sflag:s29] =	ssyncadd.s32 $0xFFFFFFFF  }
0xbd: {  	_ =	strace $0x90000048  }
0xbe: {  	_ =	sfence  }
0xbf: {  	s30 =	sld [smem:$0x0];
	_ =	sdelay $0x2  }
0xc0: {  	s31 =	sshll.u32 s1, $0xD;
	s1 =	sshrl.u32 s1, $0x2  }
0xc1: {  	s3 =	sand.u32 $0x4000, s31;
	s1 =	sadd.s32 s1, s30  }
0xc2: {  	s0 =	sor.u32 s3, s0;
	s1 =	sshll.u32 s1, $0x11  }
0xc3: {  	s0 =	sor.u32 s1, s0  }
0xc4: {  	s0 =	sadd.s32 $0x8F2B, s0  }
0xc5: {  	[sflag:s0] =	ssyncadd.remote.s32 $0x1  }
0xc6: {  	_ =	sfence.sel $0xFFFF  }
0xc7: {  	[dreg:$0x0] =	wrdreg $0xFFFFFFFF;
	(pc) =	sbr.abs _section_cstart, $3  }
0xc8: {  	[dreg:$0x1] =	wrdreg $0xFFFFFFFF  }
0xc9: {  	_ =	task.clear_ibuf [dreg:s8], $0x2FFFF;
	_ =	strace $0x9FFFFFFF  }
0xca: {  	(tm) =	ssettm $0x7FFFFFFF  }
0xcb: {  	_ =	shalt  }
tec
execute0_lowered:
.L_overlay_start_1:
0x0: {  	(tag) =	ssettag $0x1  }
0x1: {  	s0 =	rddreg [dreg:$0x0]  }
0x2: {  	s2 =	rddreg [dreg:$0x2]  }
0x3: {  	s4 =	rddreg [dreg:$0x3];
	s5 =	simm.s32 $0x0;
	s13 =	stileid.u32  }
0x4: {  	s3 =	srdreg.scid;
	s28 =	simm.s32 $0x2800;
	s29 =	simm.s32 $0x5550  }
0x5: {  	s30 =	simm.s32 $0x1;
	s31 =	simm.s32 $0x8250;
	[smem:$0x7FF] =	sst s5  }
0x6: {  	s1 =	smul.u32 $0x15F00, s13;
	s6 =	sadd.s32 $0x3600, s0;
	s3 =	sand.u32 $0x1, s3  }
0x7: {  	s7 =	sadd.s32 $0x2F600, s0;
	s11 =	sadd.s32 $0x65400, s0;
	s19 =	sadd.s32 $0x15F000, s4  }
0x8: {  	p0 =	sne.s32 s13, $0xF;
	_ =	strace $0x80000047;
	s9 =	sshll.u32 s3, $0x4  }
0x9: {  	s10 =	ssub.s32 $0x2, s3;
	[dreg:$0x7] =	wrdreg s19;
	s3 =	smul.u32 $0x15F900, s3  }
0xa: {  	s8 =	sshrl.u32 s1, $0x3;
	s9 =	sor.u32 s13, s9;
	s12 =	sshrl.u32 s10, $0x1  }
0xb: {  	s18 =	sadd.s32 s1, s4;
	s8 =	sadd.s32 s8, s0;
	s9 =	smul.u32 $0x2710, s9  }
0xc: {  	s10 =	ssub.s32 s10, s12;
	[dreg:$0x5] =	wrdreg s18;
	s0 =	sadd.s32 $0x65200, s0  }
0xd: {  	s25 =	sadd.s32 s1, s3;
	s26 =	sshrl.u32 s3, $0x3;
	s3 =	simm.s32 $0x4  }
0xe: {  	s8 =	sadd.s32 $0x39400, s8;
	[dreg:$0x8] =	wrdreg s0;
	s1 =	sadd.s32 s11, s26  }
0xf: {  	s26 =	simm.s32 $0x27B0;
	[dreg:$0x6] =	wrdreg s8;
	s20 =	sshrl.u32 s9, $0x3  }
0x10: {  	s16 =	sadd.s32 $0xA0, s9;
	s17 =	sadd.s32 $0xF0, s9;
	s19 =	sadd.s32 $0x2BE00, s1  }
0x11: {  	s1 =	simm.s32 $0x3;
	s8 =	simm.s32 $0x0;
	s21 =	sadd.s32 s7, s20  }
0x12: {  	s22 =	sadd.s32 $0xA, s20;
	s0 =	sadd.s32 s2, s20;
	[dreg:$0x9] =	wrdreg s21  }
0x13: {  	v0 =	vlaneseq.u32;
	s20 =	smax.u32 s10, $0x1;
	[dreg:$0xa] =	wrdreg s0;
	s23 =	sadd.s32 s7, s22  }
0x14: {  	v4 =	vmul.u32 $0x90, v0;
	s24 =	sadd.s32 s2, s22;
	s0 =	sshrl.u32 s25, $0x3;
	s21 =	simm.s32 $0x5  }
0x15: {  	s22 =	simm.s32 $0x2710;
	s25 =	simm.s32 $0x2850;
	[dreg:$0xb] =	wrdreg s23  }
0x16: {  	v0 =	vadd.s32 $0x81, v4;
	v1 =	vadd.s32 $0x981, v4;
	[dreg:$0xc] =	wrdreg s24;
	s0 =	sadd.s32 s11, s0;
	s23 =	simm.s32 $0x2760  }
0x17: {  	v2 =	vadd.s32 $0x1281, v4;
	v3 =	vadd.s32 $0x1B81, v4;
	v4 =	vadd.s32 $0x2481, v4;
	s24 =	simm.s32 $0x50;
	[dreg:$0xd] =	wrdreg s0;
	s0 =	simm.s32 $0x2  }
.LBB2_1:
0x18: {  	s9 =	rddreg [dreg:$0x1];
	s12 =	stileid.u32  }
0x19: {  	[tilespmem:s5], [sflag:$0x5] =	stream.linear.gather [hbm4b:s9+s5], $0x2710, $0x38;
	[tilespmem:$0x1E230] =	vst v63  }
0x1a: {  	s9 =	sshll.u32 s12, $0x6;
	_ =	swait.ge [sflag:s21], $0x2710  }
0x1b: {  	s9 =	sor.u32 $0x1C05, s9;
	[sflag:s21] =	ssyncset.done $0x0;
	s10 =	rddreg [dreg:$0x5]  }
0x1c: {  	s11 =	rddreg [dreg:$0x6];
	[sflag:s21] =	ssyncadd.s32 $0xFFFFD8F0;
	s10 =	sshrl.u32 s10, $0x3  }
0x1d: {  	[spmem:s10], [sflag:s9] =	dma.local [hbm:s11], $0x2BE0  }
0x1e: {  	_ =	swait.ge [sflag:s21], $0x2BE0  }
0x1f: {  	[sflag:s21] =	ssyncset.done $0x0;
	s11 =	rddreg [dreg:$0x7]  }
0x20: {  	s12 =	rddreg [dreg:$0x8];
	[sflag:s21] =	ssyncadd.s32 $0xFFFFD420;
	s11 =	sshrl.u32 @!p0 s11, $0x3  }
0x21: {  	[spmem:s11], [sflag:s9] =	dma.local @!p0 [hbm:s12], $0x120  }
0x22: {  	s12 =	simm.s32 @!p0 $0x5  }
0x23: {  	_ =	swait.ge @!p0 [sflag:s12], $0x120  }
0x24: {  	[sflag:s12] =	ssyncset.done @!p0 $0x0  }
0x25: {  	[sflag:s12] =	ssyncadd.s32 @!p0 $0xFFFFFEE0  }
0x26: {  	[bflag:$0x0] =	sbarrier.arrive $0xFFFF  }
0x27: {  	s13 =	rddreg [dreg:$0x9]  }
0x28: {  	[tilespmem:s22], [sflag:$0x5] =	stream.linear.gather [hbm4b:s13+s5], $0x50, $0x38;
	[tilespmem:$0x1E230] =	vst v63  }
0x29: {  	_ =	swait.ge [sflag:s21], $0x50  }
0x2a: {  	[sflag:s21] =	ssyncset.done $0x0  }
0x2b: {  	s14 =	rddreg [dreg:$0xa];
	[sflag:s21] =	ssyncadd.s32 $0xFFFFFFB0  }
0x2c: {  	[tilespmem:s23], [sflag:$0x5] =	stream.linear.gather [hbm4b:s14+s5], $0x50, $0x38;
	[tilespmem:$0x1E230] =	vst v63  }
0x2d: {  	_ =	swait.ge [sflag:s21], $0x50  }
0x2e: {  	[sflag:s21] =	ssyncset.done $0x0  }
0x2f: {  	[sflag:s21] =	ssyncadd.s32 $0xFFFFFFB0  }
0x30: {  	[tilespmem:s25], [sflag:$0x1] =	stream.indirect.gather [hbm4b:s6+s24], $0x90, s22, s24, $0xb8;
	[tilespmem:$0x1E230] =	vst v63  }
0x31: {  	s15 =	rddreg [dreg:$0xb]  }
0x32: {  	[tilespmem:s26], [sflag:$0x5] =	stream.linear.gather [hbm4b:s15+s5], $0x50, $0x38;
	[tilespmem:$0x1E230] =	vst v63  }
0x33: {  	_ =	swait.ge [sflag:s21], $0x50  }
0x34: {  	[sflag:s21] =	ssyncset.done $0x0  }
0x35: {  	s18 =	rddreg [dreg:$0xc];
	[sflag:s21] =	ssyncadd.s32 $0xFFFFFFB0  }
0x36: {  	[tilespmem:s28], [sflag:$0x5] =	stream.linear.gather [hbm4b:s18+s5], $0x50, $0x38;
	[tilespmem:$0x1E230] =	vst v63  }
0x37: {  	_ =	swait.ge [sflag:s21], $0x50  }
0x38: {  	[sflag:s21] =	ssyncset.done $0x0  }
0x39: {  	s12 =	simm.s32 $0x0;
	[sflag:s21] =	ssyncadd.s32 $0xFFFFFFB0  }
0x3a: {  	[tilespmem:s29], [sflag:$0x2] =	stream.indirect.gather [hbm4b:s6+s24], $0x90, s26, s24, $0xb8;
	[tilespmem:$0x1E230] =	vst v63  }
.LBB2_2:
0x3b: {  	_ =	swait.ge [sflag:s30], $0x2D00  }
0x3c: {  	[sflag:s30] =	ssyncset.done $0x0  }
0x3d: {  	[sflag:s30] =	ssyncadd.s32 $0xFFFFD300  }
0x3e: {  	v5 =	vld [tilespmem:$0x2760];
	_ =	sdelay $0x6  }
0x3f: {  	s13 =	simm.s32 $0x0;
	v6 =	vld.idx.msk [tilespmem:v0+s25+$0x0], $0xffff  }
0x40: {  	v5 =	vld.idx.msk [tilespmem:v5+s13+$0x0], $0xffff;
	_ =	sdelay $0x4  }
0x41: {  	v5 =	vadd.f32 v5, v6;
	_ =	sdelay $0x1  }
0x42: {  	v6 =	vmul.f32 $2.000000030e-01, v5  }
0x43: {  	vm0 =	vge.f32 v5, $0.0e+00  }
0x44: {  	v5 =	vsel vm0, v5, v6  }
0x45: {  	v5 =	vmul.f32 $1.442695020e+00, v5;
	_ =	sdelay $0x1  }
0x46: {  	(erf) = vpow2.f32 v5;
	_ =	sdelay $0x3  }
0x47: {  	v5 =	vld [tilespmem:$0x2770];
	_ =	sdelay $0x4  }
0x48: {  	v6 =	vpop (erf)  }
0x49: {  	[tilespmem:$0x8250] =	vst v6  }
0x4a: {  	v6 =	vld.idx.msk [tilespmem:v1+s25+$0x0], $0xffff  }
0x4b: {  	v5 =	vld.idx.msk [tilespmem:v5+s13+$0x0], $0xffff;
	_ =	sdelay $0x4  }
0x4c: {  	v5 =	vadd.f32 v5, v6;
	_ =	sdelay $0x1  }
0x4d: {  	v6 =	vmul.f32 $2.000000030e-01, v5  }
0x4e: {  	vm12 =	vge.f32 v5, $0.0e+00  }
0x4f: {  	v5 =	vsel vm12, v5, v6  }
0x50: {  	v5 =	vmul.f32 $1.442695020e+00, v5;
	_ =	sdelay $0x1  }
0x51: {  	(erf) = vpow2.f32 v5;
	_ =	sdelay $0x3  }
0x52: {  	v5 =	vld [tilespmem:$0x2780];
	_ =	sdelay $0x4  }
0x53: {  	v6 =	vpop (erf)  }
0x54: {  	[tilespmem:$0x8260] =	vst v6  }
0x55: {  	v6 =	vld.idx.msk [tilespmem:v2+s25+$0x0], $0xffff  }
0x56: {  	v5 =	vld.idx.msk [tilespmem:v5+s13+$0x0], $0xffff;
	_ =	sdelay $0x4  }
0x57: {  	v5 =	vadd.f32 v5, v6;
	_ =	sdelay $0x1  }
0x58: {  	v6 =	vmul.f32 $2.000000030e-01, v5  }
0x59: {  	vm13 =	vge.f32 v5, $0.0e+00  }
0x5a: {  	v5 =	vsel vm13, v5, v6  }
0x5b: {  	v5 =	vmul.f32 $1.442695020e+00, v5;
	_ =	sdelay $0x1  }
0x5c: {  	(erf) = vpow2.f32 v5;
	_ =	sdelay $0x3  }
0x5d: {  	v5 =	vld [tilespmem:$0x2790];
	_ =	sdelay $0x4  }
0x5e: {  	v6 =	vpop (erf)  }
0x5f: {  	[tilespmem:$0x8270] =	vst v6  }
0x60: {  	v6 =	vld.idx.msk [tilespmem:v3+s25+$0x0], $0xffff  }
0x61: {  	v5 =	vld.idx.msk [tilespmem:v5+s13+$0x0], $0xffff;
	_ =	sdelay $0x4  }
0x62: {  	v5 =	vadd.f32 v5, v6;
	_ =	sdelay $0x1  }
0x63: {  	v6 =	vmul.f32 $2.000000030e-01, v5  }
0x64: {  	vm14 =	vge.f32 v5, $0.0e+00  }
0x65: {  	v5 =	vsel vm14, v5, v6  }
0x66: {  	v5 =	vmul.f32 $1.442695020e+00, v5;
	_ =	sdelay $0x1  }
0x67: {  	(erf) = vpow2.f32 v5;
	_ =	sdelay $0x3  }
0x68: {  	v5 =	vld [tilespmem:$0x27A0];
	_ =	sdelay $0x4  }
0x69: {  	v6 =	vpop (erf)  }
0x6a: {  	[tilespmem:$0x8280] =	vst v6  }
0x6b: {  	v6 =	vld.idx.msk [tilespmem:v4+s25+$0x0], $0xffff  }
0x6c: {  	v5 =	vld.idx.msk [tilespmem:v5+s13+$0x0], $0xffff;
	_ =	sdelay $0x4  }
0x6d: {  	v5 =	vadd.f32 v5, v6;
	_ =	sdelay $0x1  }
0x6e: {  	v6 =	vmul.f32 $2.000000030e-01, v5  }
0x6f: {  	vm15 =	vge.f32 v5, $0.0e+00  }
0x70: {  	v5 =	vsel vm15, v5, v6  }
0x71: {  	v5 =	vmul.f32 $1.442695020e+00, v5;
	_ =	sdelay $0x1  }
0x72: {  	(erf) = vpow2.f32 v5;
	_ =	sdelay $0x8  }
0x73: {  	v6 =	vmov s13;
	v5 =	vpop (erf)  }
0x74: {  	s13 =	simm.s32 $0x2890;
	[tilespmem:$0x8290] =	vst v5  }
0x75: {  	v10 =	vld [tilespmem:s13+$0xFFFFFFC0]  }
0x76: {  	v13 =	vld [tilespmem:s13+$0x30]  }
0x77: {  	v11 =	vld [tilespmem:s13+$0x40]  }
0x78: {  	v6 =	vld.idx.msk [tilespmem:v6+s31+$0x0], $0xffff  }
0x79: {  	v15 =	vld [tilespmem:s13+$0xFFFFFFE0]  }
0x7a: {  	v5 =	vld [tilespmem:s13+$0xFFFFFFF0]  }
0x7b: {  	v7 =	vld [tilespmem:s13+$0x20]  }
0x7c: {  	v8 =	vld [tilespmem:s13+$0xFFFFFFD0]  }
0x7d: {  	v9 =	vld [tilespmem:s13+$0x10]  }
0x7e: {  	v14 =	vmul.f32 v10, v6;
	v12 =	vmul.f32 v11, v6;
	v10 =	vld [tilespmem:s13+$0x0]  }
0x7f: {  	s14 =	simm.s32 $0x1;
	s15 =	simm.s32 $0x2890;
	v11 =	vmul.f32 v15, v6;
	v13 =	vmul.f32 v13, v6  }
.LBB2_3:
0x80: {  	p1 =	sne.s32 s14, $0x4F  }
0x81: {  	[tilespmem:s13+$0xFFFFFFC0] =	vst v14;
	v8 =	vmul.f32 v8, v6;
	v7 =	vmul.f32 v7, v6;
	s15 =	sadd.s32 $0x90, s15;
	s18 =	smov.u32 s14;
	s14 =	sadd.s32 $0x1, s14  }
0x82: {  	v14 =	vmul.f32 v5, v6;
	v5 =	vmul.f32 v9, v6;
	[tilespmem:s13+$0x40] =	vst v12  }
0x83: {  	v6 =	vmul.f32 v10, v6;
	[tilespmem:s13+$0x30] =	vst v13  }
0x84: {  	[tilespmem:s13+$0xFFFFFFE0] =	vst v11  }
0x85: {  	v9 =	vmov s18;
	[tilespmem:s13+$0x10] =	vst v5  }
0x86: {  	v5 =	vld [tilespmem:s15+$0xFFFFFFF0];
	[tilespmem:s13+$0x0] =	vst v6  }
0x87: {  	v11 =	vld [tilespmem:s15+$0xFFFFFFC0];
	[tilespmem:s13+$0xFFFFFFF0] =	vst v14  }
0x88: {  	v13 =	vld [tilespmem:s15+$0x30];
	[tilespmem:s13+$0x20] =	vst v7  }
0x89: {  	v12 =	vld [tilespmem:s15+$0x40];
	[tilespmem:s13+$0xFFFFFFD0] =	vst v8;
	s13 =	smov.u32 s15  }
0x8a: {  	v6 =	vld.idx.msk [tilespmem:v9+s31+$0x0], $0xffff  }
0x8b: {  	v15 =	vld [tilespmem:s15+$0xFFFFFFE0]  }
0x8c: {  	v7 =	vld [tilespmem:s15+$0x20]  }
.Ltmp0:
0x8d: {  	v8 =	vld [tilespmem:s15+$0xFFFFFFD0];
	(pc) =	sbr.rel @p1 .LBB2_3-.Ltmp0, $4  }
0x8e: {  	v9 =	vld [tilespmem:s15+$0x10]  }
0x8f: {  	v10 =	vld [tilespmem:s15+$0x0]  }
0x90: {  	v14 =	vmul.f32 v11, v6;
	v12 =	vmul.f32 v12, v6  }
0x91: {  	v13 =	vmul.f32 v13, v6;
	v11 =	vmul.f32 v15, v6  }
0x92: {  	[tilespmem:s13+$0xFFFFFFC0] =	vst v14  }
0x93: {  	[tilespmem:s13+$0x40] =	vst v12  }
0x94: {  	v5 =	vmul.f32 v5, v6;
	[tilespmem:s13+$0x30] =	vst v13  }
0x95: {  	v7 =	vmul.f32 v7, v6;
	[tilespmem:s13+$0xFFFFFFE0] =	vst v11  }
0x96: {  	v9 =	vmul.f32 v9, v6;
	[tilespmem:s13+$0xFFFFFFF0] =	vst v5  }
0x97: {  	v10 =	vmul.f32 v10, v6;
	[tilespmem:s13+$0x20] =	vst v7  }
0x98: {  	v6 =	vmul.f32 v8, v6;
	[tilespmem:s13+$0x10] =	vst v9  }
0x99: {  	[tilespmem:s13+$0x0] =	vst v10  }
0x9a: {  	[tilespmem:s13+$0xFFFFFFD0] =	vst v6  }
0x9b: {  	[spmem:s4] =	stream.indirect.scatter.add.f32 [tilespmem:s25], [sflag:$0x3], $0x90, s23, s24, $0xb8;
	[tilespmem:$0x1E230] =	vst v63  }
0x9c: {  	_ =	swait.ge [sflag:s0], $0x2D00  }
0x9d: {  	[sflag:s0] =	ssyncset.done $0x0  }
0x9e: {  	[sflag:s0] =	ssyncadd.s32 $0xFFFFD300  }
0x9f: {  	v5 =	vld [tilespmem:$0x2800];
	_ =	sdelay $0x6  }
0xa0: {  	s18 =	simm.s32 $0x0;
	v6 =	vld.idx.msk [tilespmem:v0+s29+$0x0], $0xffff  }
0xa1: {  	v5 =	vld.idx.msk [tilespmem:v5+s18+$0x0], $0xffff;
	_ =	sdelay $0x4  }
0xa2: {  	v5 =	vadd.f32 v5, v6;
	_ =	sdelay $0x1  }
0xa3: {  	v6 =	vmul.f32 $2.000000030e-01, v5  }
0xa4: {  	vm0 =	vge.f32 v5, $0.0e+00  }
0xa5: {  	v5 =	vsel vm0, v5, v6  }
0xa6: {  	v5 =	vmul.f32 $1.442695020e+00, v5;
	_ =	sdelay $0x1  }
0xa7: {  	(erf) = vpow2.f32 v5;
	_ =	sdelay $0x3  }
0xa8: {  	v5 =	vld [tilespmem:$0x2810];
	_ =	sdelay $0x4  }
0xa9: {  	v6 =	vpop (erf)  }
0xaa: {  	[tilespmem:$0x8250] =	vst v6  }
0xab: {  	v6 =	vld.idx.msk [tilespmem:v1+s29+$0x0], $0xffff  }
0xac: {  	v5 =	vld.idx.msk [tilespmem:v5+s18+$0x0], $0xffff;
	_ =	sdelay $0x4  }
0xad: {  	v5 =	vadd.f32 v5, v6;
	_ =	sdelay $0x1  }
0xae: {  	v6 =	vmul.f32 $2.000000030e-01, v5  }
0xaf: {  	vm12 =	vge.f32 v5, $0.0e+00  }
0xb0: {  	v5 =	vsel vm12, v5, v6  }
0xb1: {  	v5 =	vmul.f32 $1.442695020e+00, v5;
	_ =	sdelay $0x1  }
0xb2: {  	(erf) = vpow2.f32 v5;
	_ =	sdelay $0x3  }
0xb3: {  	v5 =	vld [tilespmem:$0x2820];
	_ =	sdelay $0x4  }
0xb4: {  	v6 =	vpop (erf)  }
0xb5: {  	[tilespmem:$0x8260] =	vst v6  }
0xb6: {  	v6 =	vld.idx.msk [tilespmem:v2+s29+$0x0], $0xffff  }
0xb7: {  	v5 =	vld.idx.msk [tilespmem:v5+s18+$0x0], $0xffff;
	_ =	sdelay $0x4  }
0xb8: {  	v5 =	vadd.f32 v5, v6;
	_ =	sdelay $0x1  }
0xb9: {  	v6 =	vmul.f32 $2.000000030e-01, v5  }
0xba: {  	vm13 =	vge.f32 v5, $0.0e+00  }
0xbb: {  	v5 =	vsel vm13, v5, v6  }
0xbc: {  	v5 =	vmul.f32 $1.442695020e+00, v5;
	_ =	sdelay $0x1  }
0xbd: {  	(erf) = vpow2.f32 v5;
	_ =	sdelay $0x3  }
0xbe: {  	v5 =	vld [tilespmem:$0x2830];
	_ =	sdelay $0x4  }
0xbf: {  	v6 =	vpop (erf)  }
0xc0: {  	[tilespmem:$0x8270] =	vst v6  }
0xc1: {  	v6 =	vld.idx.msk [tilespmem:v3+s29+$0x0], $0xffff  }
0xc2: {  	v5 =	vld.idx.msk [tilespmem:v5+s18+$0x0], $0xffff;
	_ =	sdelay $0x4  }
0xc3: {  	v5 =	vadd.f32 v5, v6;
	_ =	sdelay $0x1  }
0xc4: {  	v6 =	vmul.f32 $2.000000030e-01, v5  }
0xc5: {  	vm14 =	vge.f32 v5, $0.0e+00  }
0xc6: {  	v5 =	vsel vm14, v5, v6  }
0xc7: {  	v5 =	vmul.f32 $1.442695020e+00, v5;
	_ =	sdelay $0x1  }
0xc8: {  	(erf) = vpow2.f32 v5;
	_ =	sdelay $0x3  }
0xc9: {  	v5 =	vld [tilespmem:$0x2840];
	_ =	sdelay $0x4  }
0xca: {  	v6 =	vpop (erf)  }
0xcb: {  	[tilespmem:$0x8280] =	vst v6  }
0xcc: {  	v6 =	vld.idx.msk [tilespmem:v4+s29+$0x0], $0xffff  }
0xcd: {  	v5 =	vld.idx.msk [tilespmem:v5+s18+$0x0], $0xffff;
	_ =	sdelay $0x4  }
0xce: {  	v5 =	vadd.f32 v5, v6;
	_ =	sdelay $0x1  }
0xcf: {  	v6 =	vmul.f32 $2.000000030e-01, v5  }
0xd0: {  	vm15 =	vge.f32 v5, $0.0e+00  }
0xd1: {  	v5 =	vsel vm15, v5, v6  }
0xd2: {  	v5 =	vmul.f32 $1.442695020e+00, v5;
	_ =	sdelay $0x1  }
0xd3: {  	(erf) = vpow2.f32 v5;
	_ =	sdelay $0x8  }
0xd4: {  	v6 =	vmov s18;
	v5 =	vpop (erf)  }
0xd5: {  	s13 =	simm.s32 $0x5590;
	[tilespmem:$0x8290] =	vst v5  }
0xd6: {  	v10 =	vld [tilespmem:s13+$0xFFFFFFC0]  }
0xd7: {  	v13 =	vld [tilespmem:s13+$0x30]  }
0xd8: {  	v11 =	vld [tilespmem:s13+$0x40]  }
0xd9: {  	v6 =	vld.idx.msk [tilespmem:v6+s31+$0x0], $0xffff  }
0xda: {  	v15 =	vld [tilespmem:s13+$0xFFFFFFE0]  }
0xdb: {  	v5 =	vld [tilespmem:s13+$0xFFFFFFF0]  }
0xdc: {  	v7 =	vld [tilespmem:s13+$0x20]  }
0xdd: {  	v8 =	vld [tilespmem:s13+$0xFFFFFFD0]  }
0xde: {  	v9 =	vld [tilespmem:s13+$0x10]  }
0xdf: {  	v14 =	vmul.f32 v10, v6;
	v12 =	vmul.f32 v11, v6;
	v10 =	vld [tilespmem:s13+$0x0]  }
0xe0: {  	s14 =	simm.s32 $0x1;
	s15 =	simm.s32 $0x5590;
	v11 =	vmul.f32 v15, v6;
	v13 =	vmul.f32 v13, v6  }
.LBB2_5:
0xe1: {  	p1 =	sne.s32 s14, $0x4F  }
0xe2: {  	[tilespmem:s13+$0xFFFFFFC0] =	vst v14;
	v8 =	vmul.f32 v8, v6;
	v7 =	vmul.f32 v7, v6;
	s15 =	sadd.s32 $0x90, s15;
	s18 =	smov.u32 s14;
	s14 =	sadd.s32 $0x1, s14  }
0xe3: {  	v14 =	vmul.f32 v5, v6;
	v5 =	vmul.f32 v9, v6;
	[tilespmem:s13+$0x40] =	vst v12  }
0xe4: {  	v6 =	vmul.f32 v10, v6;
	[tilespmem:s13+$0x30] =	vst v13  }
0xe5: {  	[tilespmem:s13+$0xFFFFFFE0] =	vst v11  }
0xe6: {  	v9 =	vmov s18;
	[tilespmem:s13+$0x10] =	vst v5  }
0xe7: {  	v5 =	vld [tilespmem:s15+$0xFFFFFFF0];
	[tilespmem:s13+$0x0] =	vst v6  }
0xe8: {  	v11 =	vld [tilespmem:s15+$0xFFFFFFC0];
	[tilespmem:s13+$0xFFFFFFF0] =	vst v14  }
0xe9: {  	v13 =	vld [tilespmem:s15+$0x30];
	[tilespmem:s13+$0x20] =	vst v7  }
0xea: {  	v12 =	vld [tilespmem:s15+$0x40];
	[tilespmem:s13+$0xFFFFFFD0] =	vst v8;
	s13 =	smov.u32 s15  }
0xeb: {  	v6 =	vld.idx.msk [tilespmem:v9+s31+$0x0], $0xffff  }
0xec: {  	v15 =	vld [tilespmem:s15+$0xFFFFFFE0]  }
0xed: {  	v7 =	vld [tilespmem:s15+$0x20]  }
.Ltmp1:
0xee: {  	v8 =	vld [tilespmem:s15+$0xFFFFFFD0];
	(pc) =	sbr.rel @p1 .LBB2_5-.Ltmp1, $4  }
0xef: {  	v9 =	vld [tilespmem:s15+$0x10]  }
0xf0: {  	v10 =	vld [tilespmem:s15+$0x0]  }
0xf1: {  	v14 =	vmul.f32 v11, v6;
	v12 =	vmul.f32 v12, v6  }
0xf2: {  	v13 =	vmul.f32 v13, v6;
	v11 =	vmul.f32 v15, v6  }
0xf3: {  	[tilespmem:s13+$0xFFFFFFC0] =	vst v14  }
0xf4: {  	[tilespmem:s13+$0x40] =	vst v12  }
0xf5: {  	v5 =	vmul.f32 v5, v6;
	[tilespmem:s13+$0x30] =	vst v13  }
0xf6: {  	v7 =	vmul.f32 v7, v6;
	[tilespmem:s13+$0xFFFFFFE0] =	vst v11  }
0xf7: {  	v9 =	vmul.f32 v9, v6;
	[tilespmem:s13+$0xFFFFFFF0] =	vst v5  }
0xf8: {  	v10 =	vmul.f32 v10, v6;
	[tilespmem:s13+$0x20] =	vst v7  }
0xf9: {  	v6 =	vmul.f32 v8, v6;
	[tilespmem:s13+$0x10] =	vst v9  }
0xfa: {  	[tilespmem:s13+$0x0] =	vst v10  }
0xfb: {  	[tilespmem:s13+$0xFFFFFFD0] =	vst v6;
	s13 =	smul.u32 $0xA0, s12  }
0xfc: {  	[spmem:s4] =	stream.indirect.scatter.add.f32 [tilespmem:s29], [sflag:$0x4], $0x90, s28, s24, $0xb8;
	[tilespmem:$0x1E230] =	vst v63  }
0xfd: {  	_ =	swait.ge [sflag:s1], $0x2D00;
	s14 =	sadd.s32 s13, s16  }
0xfe: {  	[sflag:s1] =	ssyncset.done $0x0;
	s14 =	sshrl.u32 s14, $0x3  }
0xff: {  	[sflag:s1] =	ssyncadd.s32 $0xFFFFD300;
	s15 =	sadd.s32 s7, s14  }
0x100: {  	[tilespmem:s22], [sflag:$0x5] =	stream.linear.gather [hbm4b:s15+s5], $0x50, $0x38;
	[tilespmem:$0x1E230] =	vst v63  }
0x101: {  	_ =	swait.ge [sflag:s21], $0x50  }
0x102: {  	[sflag:s21] =	ssyncset.done $0x0  }
0x103: {  	p1 =	seq.s32 s12, $0x3D;
	s14 =	sadd.s32 s2, s14;
	[sflag:s21] =	ssyncadd.s32 $0xFFFFFFB0  }
0x104: {  	[tilespmem:s23], [sflag:$0x5] =	stream.linear.gather [hbm4b:s14+s5], $0x50, $0x38;
	[tilespmem:$0x1E230] =	vst v63  }
.Ltmp2:
0x105: {  	_ = 	snop;
	(pc) =	sbr.rel @p1 .LBB2_8-.Ltmp2, $4  }
0x106: {  	_ =	swait.ge [sflag:s21], $0x50  }
0x107: {  	[sflag:s21] =	ssyncset.done $0x0  }
0x108: {  	[sflag:s21] =	ssyncadd.s32 $0xFFFFFFB0  }
0x109: {  	[tilespmem:s25], [sflag:$0x1] =	stream.indirect.gather [hbm4b:s6+s24], $0x90, s22, s24, $0xb8;
	[tilespmem:$0x1E230] =	vst v63  }
0x10a: {  	_ =	swait.ge [sflag:s3], $0x2D00;
	s13 =	sadd.s32 s13, s17  }
0x10b: {  	[sflag:s3] =	ssyncset.done $0x0;
	s13 =	sshrl.u32 s13, $0x3  }
0x10c: {  	[sflag:s3] =	ssyncadd.s32 $0xFFFFD300;
	s14 =	sadd.s32 s7, s13  }
0x10d: {  	[tilespmem:s26], [sflag:$0x5] =	stream.linear.gather [hbm4b:s14+s5], $0x50, $0x38;
	[tilespmem:$0x1E230] =	vst v63  }
0x10e: {  	_ =	swait.ge [sflag:s21], $0x50  }
0x10f: {  	[sflag:s21] =	ssyncset.done $0x0  }
0x110: {  	s13 =	sadd.s32 s2, s13;
	[sflag:s21] =	ssyncadd.s32 $0xFFFFFFB0  }
0x111: {  	[tilespmem:s28], [sflag:$0x5] =	stream.linear.gather [hbm4b:s13+s5], $0x50, $0x38;
	[tilespmem:$0x1E230] =	vst v63  }
.Ltmp3:
0x112: {  	_ = 	snop;
	(pc) =	sbr.rel .LBB2_2-.Ltmp3, $4  }
0x113: {  	_ =	swait.ge [sflag:s21], $0x50  }
0x114: {  	[sflag:s21] =	ssyncset.done $0x0  }
0x115: {  	s12 =	sadd.s32 $0x1, s12;
	[sflag:s21] =	ssyncadd.s32 $0xFFFFFFB0  }
0x116: {  	[tilespmem:s29], [sflag:$0x2] =	stream.indirect.gather [hbm4b:s6+s24], $0x90, s26, s24, $0xb8;
	[tilespmem:$0x1E230] =	vst v63  }
.LBB2_8:
0x117: {  	_ =	swait.ge [sflag:s30], $0x2D00  }
0x118: {  	[sflag:s30] =	ssyncset.done $0x0  }
0x119: {  	[sflag:s30] =	ssyncadd.s32 $0xFFFFD300  }
0x11a: {  	v5 =	vld [tilespmem:$0x2760];
	_ =	sdelay $0x6  }
0x11b: {  	s12 =	simm.s32 $0x0;
	v6 =	vld.idx.msk [tilespmem:v0+s25+$0x0], $0xffff  }
0x11c: {  	v5 =	vld.idx.msk [tilespmem:v5+s12+$0x0], $0xffff;
	_ =	sdelay $0x4  }
0x11d: {  	v5 =	vadd.f32 v5, v6;
	_ =	sdelay $0x1  }
0x11e: {  	v6 =	vmul.f32 $2.000000030e-01, v5  }
0x11f: {  	vm0 =	vge.f32 v5, $0.0e+00  }
0x120: {  	v5 =	vsel vm0, v5, v6  }
0x121: {  	v5 =	vmul.f32 $1.442695020e+00, v5;
	_ =	sdelay $0x1  }
0x122: {  	(erf) = vpow2.f32 v5;
	_ =	sdelay $0x3  }
0x123: {  	v5 =	vld [tilespmem:$0x2770];
	_ =	sdelay $0x4  }
0x124: {  	v6 =	vpop (erf)  }
0x125: {  	[tilespmem:$0x8250] =	vst v6  }
0x126: {  	v6 =	vld.idx.msk [tilespmem:v1+s25+$0x0], $0xffff  }
0x127: {  	v5 =	vld.idx.msk [tilespmem:v5+s12+$0x0], $0xffff;
	_ =	sdelay $0x4  }
0x128: {  	v5 =	vadd.f32 v5, v6;
	_ =	sdelay $0x1  }
0x129: {  	v6 =	vmul.f32 $2.000000030e-01, v5  }
0x12a: {  	vm12 =	vge.f32 v5, $0.0e+00  }
0x12b: {  	v5 =	vsel vm12, v5, v6  }
0x12c: {  	v5 =	vmul.f32 $1.442695020e+00, v5;
	_ =	sdelay $0x1  }
0x12d: {  	(erf) = vpow2.f32 v5;
	_ =	sdelay $0x3  }
0x12e: {  	v5 =	vld [tilespmem:$0x2780];
	_ =	sdelay $0x4  }
0x12f: {  	v6 =	vpop (erf)  }
0x130: {  	[tilespmem:$0x8260] =	vst v6  }
0x131: {  	v6 =	vld.idx.msk [tilespmem:v2+s25+$0x0], $0xffff  }
0x132: {  	v5 =	vld.idx.msk [tilespmem:v5+s12+$0x0], $0xffff;
	_ =	sdelay $0x4  }
0x133: {  	v5 =	vadd.f32 v5, v6;
	_ =	sdelay $0x1  }
0x134: {  	v6 =	vmul.f32 $2.000000030e-01, v5  }
0x135: {  	vm13 =	vge.f32 v5, $0.0e+00  }
0x136: {  	v5 =	vsel vm13, v5, v6  }
0x137: {  	v5 =	vmul.f32 $1.442695020e+00, v5;
	_ =	sdelay $0x1  }
0x138: {  	(erf) = vpow2.f32 v5;
	_ =	sdelay $0x3  }
0x139: {  	v5 =	vld [tilespmem:$0x2790];
	_ =	sdelay $0x4  }
0x13a: {  	v6 =	vpop (erf)  }
0x13b: {  	[tilespmem:$0x8270] =	vst v6  }
0x13c: {  	v6 =	vld.idx.msk [tilespmem:v3+s25+$0x0], $0xffff  }
0x13d: {  	v5 =	vld.idx.msk [tilespmem:v5+s12+$0x0], $0xffff;
	_ =	sdelay $0x4  }
0x13e: {  	v5 =	vadd.f32 v5, v6;
	_ =	sdelay $0x1  }
0x13f: {  	v6 =	vmul.f32 $2.000000030e-01, v5  }
0x140: {  	vm14 =	vge.f32 v5, $0.0e+00  }
0x141: {  	v5 =	vsel vm14, v5, v6  }
0x142: {  	v5 =	vmul.f32 $1.442695020e+00, v5;
	_ =	sdelay $0x1  }
0x143: {  	(erf) = vpow2.f32 v5;
	_ =	sdelay $0x3  }
0x144: {  	v5 =	vld [tilespmem:$0x27A0];
	_ =	sdelay $0x4  }
0x145: {  	v6 =	vpop (erf)  }
0x146: {  	[tilespmem:$0x8280] =	vst v6  }
0x147: {  	v6 =	vld.idx.msk [tilespmem:v4+s25+$0x0], $0xffff  }
0x148: {  	v5 =	vld.idx.msk [tilespmem:v5+s12+$0x0], $0xffff;
	_ =	sdelay $0x4  }
0x149: {  	v5 =	vadd.f32 v5, v6;
	_ =	sdelay $0x1  }
0x14a: {  	v6 =	vmul.f32 $2.000000030e-01, v5  }
0x14b: {  	vm15 =	vge.f32 v5, $0.0e+00  }
0x14c: {  	v5 =	vsel vm15, v5, v6  }
0x14d: {  	v5 =	vmul.f32 $1.442695020e+00, v5;
	_ =	sdelay $0x1  }
0x14e: {  	(erf) = vpow2.f32 v5;
	_ =	sdelay $0x8  }
0x14f: {  	v6 =	vmov s12;
	v5 =	vpop (erf)  }
0x150: {  	s12 =	simm.s32 $0x2890;
	[tilespmem:$0x8290] =	vst v5  }
0x151: {  	v10 =	vld [tilespmem:s12+$0xFFFFFFC0]  }
0x152: {  	v13 =	vld [tilespmem:s12+$0x30]  }
0x153: {  	v11 =	vld [tilespmem:s12+$0x40]  }
0x154: {  	v6 =	vld.idx.msk [tilespmem:v6+s31+$0x0], $0xffff  }
0x155: {  	v15 =	vld [tilespmem:s12+$0xFFFFFFE0]  }
0x156: {  	v5 =	vld [tilespmem:s12+$0xFFFFFFF0]  }
0x157: {  	v7 =	vld [tilespmem:s12+$0x20]  }
0x158: {  	v8 =	vld [tilespmem:s12+$0xFFFFFFD0]  }
0x159: {  	v9 =	vld [tilespmem:s12+$0x10]  }
0x15a: {  	v14 =	vmul.f32 v10, v6;
	v12 =	vmul.f32 v11, v6;
	v10 =	vld [tilespmem:s12+$0x0]  }
0x15b: {  	s13 =	simm.s32 $0x1;
	s14 =	simm.s32 $0x2890;
	v11 =	vmul.f32 v15, v6;
	v13 =	vmul.f32 v13, v6  }
.LBB2_9:
0x15c: {  	p1 =	sne.s32 s13, $0x4F  }
0x15d: {  	[tilespmem:s12+$0xFFFFFFC0] =	vst v14;
	v8 =	vmul.f32 v8, v6;
	v7 =	vmul.f32 v7, v6;
	s14 =	sadd.s32 $0x90, s14;
	s15 =	smov.u32 s13;
	s13 =	sadd.s32 $0x1, s13  }
0x15e: {  	v14 =	vmul.f32 v5, v6;
	v5 =	vmul.f32 v9, v6;
	[tilespmem:s12+$0x40] =	vst v12  }
0x15f: {  	v6 =	vmul.f32 v10, v6;
	[tilespmem:s12+$0x30] =	vst v13  }
0x160: {  	[tilespmem:s12+$0xFFFFFFE0] =	vst v11  }
0x161: {  	v9 =	vmov s15;
	[tilespmem:s12+$0x10] =	vst v5  }
0x162: {  	v5 =	vld [tilespmem:s14+$0xFFFFFFF0];
	[tilespmem:s12+$0x0] =	vst v6  }
0x163: {  	v11 =	vld [tilespmem:s14+$0xFFFFFFC0];
	[tilespmem:s12+$0xFFFFFFF0] =	vst v14  }
0x164: {  	v13 =	vld [tilespmem:s14+$0x30];
	[tilespmem:s12+$0x20] =	vst v7  }
0x165: {  	v12 =	vld [tilespmem:s14+$0x40];
	[tilespmem:s12+$0xFFFFFFD0] =	vst v8;
	s12 =	smov.u32 s14  }
0x166: {  	v6 =	vld.idx.msk [tilespmem:v9+s31+$0x0], $0xffff  }
0x167: {  	v15 =	vld [tilespmem:s14+$0xFFFFFFE0]  }
0x168: {  	v7 =	vld [tilespmem:s14+$0x20]  }
.Ltmp4:
0x169: {  	v8 =	vld [tilespmem:s14+$0xFFFFFFD0];
	(pc) =	sbr.rel @p1 .LBB2_9-.Ltmp4, $4  }
0x16a: {  	v9 =	vld [tilespmem:s14+$0x10]  }
0x16b: {  	v10 =	vld [tilespmem:s14+$0x0]  }
0x16c: {  	v14 =	vmul.f32 v11, v6;
	v12 =	vmul.f32 v12, v6  }
0x16d: {  	v13 =	vmul.f32 v13, v6;
	v11 =	vmul.f32 v15, v6  }
0x16e: {  	[tilespmem:s12+$0xFFFFFFC0] =	vst v14  }
0x16f: {  	[tilespmem:s12+$0x40] =	vst v12  }
0x170: {  	v5 =	vmul.f32 v5, v6;
	[tilespmem:s12+$0x30] =	vst v13  }
0x171: {  	v7 =	vmul.f32 v7, v6;
	[tilespmem:s12+$0xFFFFFFE0] =	vst v11  }
0x172: {  	v9 =	vmul.f32 v9, v6;
	[tilespmem:s12+$0xFFFFFFF0] =	vst v5  }
0x173: {  	v10 =	vmul.f32 v10, v6;
	[tilespmem:s12+$0x20] =	vst v7  }
0x174: {  	v6 =	vmul.f32 v8, v6;
	[tilespmem:s12+$0x10] =	vst v9  }
0x175: {  	[tilespmem:s12+$0x0] =	vst v10  }
0x176: {  	[tilespmem:s12+$0xFFFFFFD0] =	vst v6  }
0x177: {  	[spmem:s4] =	stream.indirect.scatter.add.f32 [tilespmem:s25], [sflag:$0x3], $0x90, s23, s24, $0xb8;
	[tilespmem:$0x1E230] =	vst v63  }
0x178: {  	_ =	swait.ge [sflag:s1], $0x2D00  }
0x179: {  	[sflag:s1] =	ssyncset.done $0x0  }
0x17a: {  	[sflag:s1] =	ssyncadd.s32 $0xFFFFD300  }
0x17b: {  	_ =	swait.ge [sflag:s3], $0x2D00  }
0x17c: {  	[sflag:s3] =	ssyncset.done $0x0  }
0x17d: {  	[sflag:s3] =	ssyncadd.s32 $0xFFFFD300  }
0x17e: {  	[bflag:$0x0] =	sbarrier.arrive $0xFFFF  }
0x17f: {  	s18 =	rddreg [dreg:$0xd]  }
0x180: {  	[hbm:s18], [sflag:s9] =	dma.local [spmem:s10], $0x2BE0  }
0x181: {  	_ =	swait.ge [sflag:s21], $0x2BE0  }
0x182: {  	s8 =	sadd.s32 $0x1, s8;
	[sflag:s21] =	ssyncset.done $0x0  }
0x183: {  	p1 =	sne.s32 s8, s20;
	[sflag:s21] =	ssyncadd.s32 $0xFFFFD420  }
0x184: {  	[hbm:s19], [sflag:s9] =	dma.local @!p0 [spmem:s11], $0x120  }
.Ltmp5:
0x185: {  	_ = 	snop;
	(pc) =	sbr.rel @p1 .LBB2_1-.Ltmp5, $4  }
0x186: {  	s9 =	simm.s32 @!p0 $0x5  }
0x187: {  	_ =	swait.ge @!p0 [sflag:s9], $0x120  }
0x188: {  	[sflag:s9] =	ssyncset.done @!p0 $0x0  }
0x189: {  	[sflag:s9] =	ssyncadd.s32 @!p0 $0xFFFFFEE0  }
0x18a: {  	_ =	sfence.sel $0x180000  }
0x18b: {  	[bflag:$0x0] =	sbarrier.arrive $0xFFFF  }
0x18c: {  	_ =	strace $0x90000047  }
0x18d: {  	s0 =	stileid.u32;
	[bflag:$0x2] =	sbarrier.arrive $0xFFFF  }
0x18e: {  	p0 =	sne.s32 s0, $0x0;
	s0 =	rddreg [dreg:$0x4]  }
0x18f: {  	s0 =	sadd.s32 @!p0 $0x100000, s0  }
0x190: {  	[sflag:s0] =	ssyncadd.tile.s32 @!p0 $0x1;
	_ =	shalt  }
.Lfunc_end2:
_tile_overlayer_lowered:
.L_overlay_start_2:
0x191: {  	(tag) =	ssettag $0x2  }
0x192: {  	s0 =	rddreg [dreg:$0x0];
	s2 =	stileid.u32  }
0x193: {  	s1 =	rddreg [dreg:$0x1];
	p0 =	sne.s32 s2, $0x0  }
0x194: {  	s3 =	rddreg [dreg:$0x2];
	[bflag:$0x3] =	sbarrier.arrive $0xFFFF;
	s2 =	simm.s32 @!p0 $0x1C05  }
0x195: {  	[timem:s3], [sflag:s2] =	dma.local @!p0 [hbm:s0], s1  }
0x196: {  	s0 =	simm.s32 @!p0 $0x5  }
0x197: {  	_ =	swait.ge @!p0 [sflag:s0], s1  }
0x198: {  	s1 =	ssub.s32 @!p0 $0x0, s1;
	[sflag:s0] =	ssyncset.done @!p0 $0x0  }
0x199: {  	[sflag:s0] =	ssyncadd.s32 @!p0 s1  }
0x19a: {  	[bflag:$0x3] =	sbarrier.arrive $0xFFFF  }
0x19b: {  	_ =	shalt  }

</sc_bundles>
